<compile_context>
chip_gen: v7x
topology: tpu7x:2x2x1
jax: 0.10.2.dev20260603
libtpu: 0.0.44.dev20260713+nightly
codegen_flags: <defaults>
</compile_context>

<pallas_src>
import functools

import jax
import jax.numpy as jnp
from jax import lax
from jax.experimental import pallas as pl
from jax.experimental.pallas import tpu as pltpu
from jax.experimental.pallas import tpu_sc as plsc

_B, _T, _D = 4, 2048, 768
_DW = _D // 2
_N = _B * _T
_E = 8
_EP = 128
_BM = 512
_NBLK = _N // _BM
_BMA = 1024
_NBLKA = _N // _BMA
_BMC = 256
_NS = _N * 2 + _E * _BMC
_NT = _NS // _BMC
_NEG = -1e30

_NW = 32
_TPW = _N // _NW
_CH = 64
_NCH = _TPW // _CH

_MHI = -65536
_RND = 0x8000



def _route_block(x_ref, gw_ref, gb_ref, xb_ref, meta_ref, pg_ref,
                 carry_ref):
    i = pl.program_id(0)

    @pl.when(i == 0)
    def _():
        carry_ref[...] = jnp.zeros((1, _E), jnp.float32)

    x = x_ref[...]
    bits = lax.bitcast_convert_type(x, jnp.int32)
    rb = bits + 0x7FFF + (lax.shift_right_logical(bits, 16) & 1)
    xb_ref[...] = (lax.shift_right_logical(rb[:, :_DW], 16)
                   | (rb[:, _DW:] & _MHI))
    logits = lax.dot_general(x, gw_ref[...], (((1,), (1,)), ((), ())),
                             preferred_element_type=jnp.float32) + gb_ref[...]
    eidx = lax.broadcasted_iota(jnp.int32, logits.shape, 1)
    m1 = jnp.max(logits, axis=1, keepdims=True)
    a1 = jnp.min(jnp.where(logits >= m1, eidx, _EP), axis=1, keepdims=True)
    mask1 = eidx == a1
    l2 = jnp.where(mask1, _NEG, logits)
    m2 = jnp.max(l2, axis=1, keepdims=True)
    a2 = jnp.min(jnp.where(l2 >= m2, eidx, _EP), axis=1, keepdims=True)
    mask2 = eidx == a2
    w1 = jax.nn.sigmoid(m1)
    w2 = jax.nn.sigmoid(m2)

    m1e = mask1[:, :_E]
    m2e = mask2[:, :_E]
    cnt = m1e.astype(jnp.float32) + m2e.astype(jnp.float32)
    r_io = lax.broadcasted_iota(jnp.int32, (_BMA, _BMA), 0)
    c_io = lax.broadcasted_iota(jnp.int32, (_BMA, _BMA), 1)
    ltri = (r_io > c_io).astype(jnp.bfloat16)
    excl = lax.dot_general(ltri, cnt.astype(jnp.bfloat16),
                           (((1,), (0,)), ((), ())),
                           preferred_element_type=jnp.float32)
    rankf = excl + carry_ref[...]
    r1 = jnp.sum(jnp.where(m1e, rankf, 0.0), axis=1, keepdims=True)
    r2 = jnp.sum(jnp.where(m2e, rankf, 0.0), axis=1, keepdims=True)
    carry_ref[...] = carry_ref[...] + jnp.sum(cnt, axis=0, keepdims=True)

    zi = jnp.zeros((_BMA, 2), jnp.int32)
    meta_ref[...] = jnp.concatenate(
        [a1, a2, r1.astype(jnp.int32), r2.astype(jnp.int32),
         lax.bitcast_convert_type(w1, jnp.int32),
         lax.bitcast_convert_type(w2, jnp.int32), zi], axis=1)

    @pl.when(i == _NBLKA - 1)
    def _():
        total = carry_ref[...]
        aligned = jnp.ceil(total / _BMC) * _BMC
        e_r = lax.broadcasted_iota(jnp.int32, (_E, _E), 0)
        e_c = lax.broadcasted_iota(jnp.int32, (_E, _E), 1)
        before = (e_r < e_c).astype(jnp.float32)
        pg = lax.dot_general(aligned, before, (((1,), (0,)), ((), ())),
                             preferred_element_type=jnp.float32)
        pg_ref[...] = jnp.concatenate(
            [pg.astype(jnp.int32), jnp.zeros((1, 16 - _E), jnp.int32)],
            axis=1)


def _route(x, gw_p, gb_p):
    return pl.pallas_call(
        _route_block,
        grid=(_NBLKA,),
        in_specs=[
            pl.BlockSpec((_BMA, _D), lambda i: (i, 0)),
            pl.BlockSpec((_EP, _D), lambda i: (0, 0)),
            pl.BlockSpec((1, _EP), lambda i: (0, 0)),
        ],
        out_specs=[
            pl.BlockSpec((_BMA, _DW), lambda i: (i, 0)),
            pl.BlockSpec((_BMA, 8), lambda i: (i, 0)),
            pl.BlockSpec((1, 16), lambda i: (0, 0)),
        ],
        out_shape=[
            jax.ShapeDtypeStruct((_N, _DW), jnp.int32),
            jax.ShapeDtypeStruct((_N, 8), jnp.int32),
            jax.ShapeDtypeStruct((1, 16), jnp.int32),
        ],
        scratch_shapes=[pltpu.VMEM((1, _E), jnp.float32)],
        compiler_params=pltpu.CompilerParams(
            dimension_semantics=("arbitrary",),
        ),
    )(x, gw_p, gb_p)



def _pos_block(meta_ref, pg_ref, pos1_ref, pos2_ref):
    m = meta_ref[...]
    pg = pg_ref[...]
    ei = lax.broadcasted_iota(jnp.int32, (_N, 16), 1)
    s1 = jnp.sum(jnp.where(ei == m[:, 0:1], pg, 0), axis=1)
    s2 = jnp.sum(jnp.where(ei == m[:, 1:2], pg, 0), axis=1)
    pos1_ref[...] = s1 + m[:, 2]
    pos2_ref[...] = s2 + m[:, 3]


def _positions(meta, pg16):
    return pl.pallas_call(
        _pos_block,
        out_shape=[
            jax.ShapeDtypeStruct((_N,), jnp.int32),
            jax.ShapeDtypeStruct((_N,), jnp.int32),
        ],
    )(meta, pg16)



def _sc_wid():
    return lax.axis_index("s") * 2 + lax.axis_index("c")


@functools.cache
def _build_dispatch():
    mesh = plsc.VectorSubcoreMesh(core_axis_name="c", subcore_axis_name="s")

    @functools.partial(
        pl.kernel, mesh=mesh,
        out_type=jax.ShapeDtypeStruct((_NS, _DW), jnp.int32),
        scratch_types=[
            pltpu.VMEM((_NCH, _CH), jnp.int32),
            pltpu.VMEM((_NCH, _CH), jnp.int32),
            pltpu.VMEM((_CH, _DW), jnp.int32),
            pltpu.VMEM((_CH, _DW), jnp.int32),
            pltpu.SemaphoreType.DMA,
            pltpu.SemaphoreType.DMA,
            pltpu.SemaphoreType.DMA,
            pltpu.SemaphoreType.DMA,
            pltpu.SemaphoreType.DMA,
            pltpu.SemaphoreType.DMA,
        ],
    )
    def _dispatch(xb_hbm, pos1_hbm, pos2_hbm, xs_hbm,
                  p1a, p2a, v0, v1, l0, l1, sa0, sb0, sa1, sb1):
        base = _sc_wid() * _TPW
        row0 = _sc_wid() * _NCH
        pltpu.sync_copy(pos1_hbm.at[pl.ds(row0, _NCH)], p1a)
        pltpu.sync_copy(pos2_hbm.at[pl.ds(row0, _NCH)], p2a)
        bufs = (v0, v1)
        lsems = (l0, l1)
        ssems = ((sa0, sb0), (sa1, sb1))
        loads = [None] * _NCH
        scat = [None] * _NCH

        def start_load(ci):
            loads[ci] = pltpu.async_copy(
                xb_hbm.at[pl.ds(base + ci * _CH, _CH)], bufs[ci % 2],
                lsems[ci % 2])

        start_load(0)
        for ci in range(_NCH):
            if ci >= 1:
                ca, cb = scat[ci - 1]
                ca.wait()
                cb.wait()
            if ci + 1 < _NCH:
                start_load(ci + 1)
            loads[ci].wait()
            sa, sb = ssems[ci % 2]
            ca = pltpu.async_copy(bufs[ci % 2], xs_hbm.at[p1a.at[ci]], sa)
            cb = pltpu.async_copy(bufs[ci % 2], xs_hbm.at[p2a.at[ci]], sb)
            scat[ci] = (ca, cb)
        ca, cb = scat[_NCH - 1]
        ca.wait()
        cb.wait()

    return _dispatch



def _unpack_f32(w):
    lo = lax.bitcast_convert_type(lax.shift_left(w, 16), jnp.float32)
    hi = lax.bitcast_convert_type(w & _MHI, jnp.float32)
    return jnp.concatenate([lo, hi], axis=1)


def _gmm_block(te_ref, xs_ref, w_ref, b_ref, ys_ref):
    xb = _unpack_f32(xs_ref[...]).astype(jnp.bfloat16)
    acc = lax.dot_general(xb, w_ref[0], (((1,), (1,)), ((), ())),
                          preferred_element_type=jnp.float32)
    acc = acc + b_ref[0]
    bits = lax.bitcast_convert_type(acc, jnp.int32)
    rb = bits + 0x7FFF + (lax.shift_right_logical(bits, 16) & 1)
    ys_ref[...] = (lax.shift_right_logical(rb[:, :_DW], 16)
                   | (rb[:, _DW:] & _MHI))


def _gmm(xs_i32, w_bf16, b3, tile_expert):
    return pl.pallas_call(
        _gmm_block,
        grid_spec=pltpu.PrefetchScalarGridSpec(
            num_scalar_prefetch=1,
            grid=(_NT,),
            in_specs=[
                pl.BlockSpec((_BMC, _DW), lambda i, te: (i, 0)),
                pl.BlockSpec((1, _D, _D), lambda i, te: (te[i], 0, 0)),
                pl.BlockSpec((1, 1, _D), lambda i, te: (te[i], 0, 0)),
            ],
            out_specs=pl.BlockSpec((_BMC, _DW), lambda i, te: (i, 0)),
        ),
        out_shape=jax.ShapeDtypeStruct((_NS, _DW), jnp.int32),
        compiler_params=pltpu.CompilerParams(
            dimension_semantics=("arbitrary",),
        ),
    )(tile_expert, xs_i32, w_bf16, b3)



def _comb_block(ya_ref, yb_ref, mf_ref, o_ref):
    m = mf_ref[...]
    w1 = lax.bitcast_convert_type(m[:, 4:5], jnp.float32)
    w2 = lax.bitcast_convert_type(m[:, 5:6], jnp.float32)
    o_ref[...] = (w1 * _unpack_f32(ya_ref[...])
                  + w2 * _unpack_f32(yb_ref[...]))


def _comb(ya, yb, metaf):
    return pl.pallas_call(
        _comb_block,
        grid=(_NBLK,),
        in_specs=[
            pl.BlockSpec((_BM, _DW), lambda i: (i, 0)),
            pl.BlockSpec((_BM, _DW), lambda i: (i, 0)),
            pl.BlockSpec((_BM, 8), lambda i: (i, 0)),
        ],
        out_specs=pl.BlockSpec((_BM, _D), lambda i: (i, 0)),
        out_shape=jax.ShapeDtypeStruct((_N, _D), jnp.float32),
        compiler_params=pltpu.CompilerParams(
            dimension_semantics=("arbitrary",),
        ),
    )(ya, yb, metaf)



@functools.cache
def _build_combine():
    mesh = plsc.VectorSubcoreMesh(core_axis_name="c", subcore_axis_name="s")

    @functools.partial(
        pl.kernel, mesh=mesh,
        out_type=[
            jax.ShapeDtypeStruct((_N, _DW), jnp.int32),
            jax.ShapeDtypeStruct((_N, _DW), jnp.int32),
        ],
        scratch_types=[
            pltpu.VMEM((_NCH, _CH), jnp.int32),
            pltpu.VMEM((_NCH, _CH), jnp.int32),
            pltpu.VMEM((_CH, _DW), jnp.int32),
            pltpu.VMEM((_CH, _DW), jnp.int32),
            pltpu.VMEM((_CH, _DW), jnp.int32),
            pltpu.VMEM((_CH, _DW), jnp.int32),
            pltpu.SemaphoreType.DMA,
            pltpu.SemaphoreType.DMA,
            pltpu.SemaphoreType.DMA,
            pltpu.SemaphoreType.DMA,
            pltpu.SemaphoreType.DMA,
            pltpu.SemaphoreType.DMA,
            pltpu.SemaphoreType.DMA,
            pltpu.SemaphoreType.DMA,
        ],
    )
    def _combine(ys_hbm, pos1_hbm, pos2_hbm, ya_hbm, yb_hbm,
                 p1a, p2a, a0, b0, a1, b1,
                 ga0, gb0, ga1, gb1, sa0, sb0, sa1, sb1):
        base = _sc_wid() * _TPW
        row0 = _sc_wid() * _NCH
        pltpu.sync_copy(pos1_hbm.at[pl.ds(row0, _NCH)], p1a)
        pltpu.sync_copy(pos2_hbm.at[pl.ds(row0, _NCH)], p2a)
        abufs = (a0, a1)
        bbufs = (b0, b1)
        gsems = ((ga0, gb0), (ga1, gb1))
        ssems = ((sa0, sb0), (sa1, sb1))
        gath = [None] * _NCH
        stor = [None] * _NCH

        def start_gather(ci):
            ga, gb = gsems[ci % 2]
            gath[ci] = (
                pltpu.async_copy(ys_hbm.at[p1a.at[ci]], abufs[ci % 2], ga),
                pltpu.async_copy(ys_hbm.at[p2a.at[ci]], bbufs[ci % 2], gb),
            )

        start_gather(0)
        for ci in range(_NCH):
            t0 = base + ci * _CH
            if ci >= 1:
                sa, sb = stor[ci - 1]
                sa.wait()
                sb.wait()
            if ci + 1 < _NCH:
                start_gather(ci + 1)
            g1, g2 = gath[ci]
            g1.wait()
            g2.wait()
            sa, sb = ssems[ci % 2]
            stor[ci] = (
                pltpu.async_copy(abufs[ci % 2], ya_hbm.at[pl.ds(t0, _CH)], sa),
                pltpu.async_copy(bbufs[ci % 2], yb_hbm.at[pl.ds(t0, _CH)], sb),
            )
        sa, sb = stor[_NCH - 1]
        sa.wait()
        sb.wait()

    return _combine



def kernel(inputs, gate_W, gate_b, expert_W, expert_b):
    x = inputs.reshape(_N, _D)
    gw_p = jnp.zeros((_EP, _D), jnp.float32).at[:_E].set(gate_W)
    gb_p = jnp.full((1, _EP), _NEG, jnp.float32).at[0, :_E].set(gate_b)
    w_bf16 = expert_W.astype(jnp.bfloat16)
    b3 = expert_b.reshape(_E, 1, _D)

    xb_i32, meta, pg16 = _route(x, gw_p, gb_p)
    pos1, pos2 = _positions(meta, pg16)

    ends7 = pg16[0, 1:_E]
    tile_starts = jnp.arange(_NT, dtype=jnp.int32) * _BMC
    tile_expert = jnp.sum(
        (tile_starts[:, None] >= ends7[None, :]).astype(jnp.int32),
        axis=1)

    pos1_2d = pos1.reshape(_N // _CH, _CH)
    pos2_2d = pos2.reshape(_N // _CH, _CH)

    xs_i32 = _build_dispatch()(xb_i32, pos1_2d, pos2_2d)
    ys_i32 = _gmm(xs_i32, w_bf16, b3, tile_expert)
    ya, yb = _build_combine()(ys_i32, pos1_2d, pos2_2d)
    return _comb(ya, yb, meta).reshape(_B, _T, _D)

# --- scband reference (transcript-rebuilt; emitter-appended) ---
"""Pipeline reference for scband-mo-elayer-2456721293915 (READ-ONLY COPY).

The authoritative reference and input builder live on the scoring server;
editing this copy changes nothing except your own understanding.
"""

import jax, jax.numpy as jnp
import numpy as np

B, T, D = 4, 2048, 768
E = 8
K = 2

def setup_inputs(seed: int = 0) -> dict:
    key = jax.random.key(seed)
    k1, k2, k3, k4, k5 = jax.random.split(key, 5)
    inputs = jax.random.normal(k1, (B, T, D), dtype=jnp.float32)
    bound_g = 1.0 / np.sqrt(D)
    gate_W = jax.random.uniform(k2, (E, D), dtype=jnp.float32, minval=-bound_g, maxval=bound_g)
    gate_b = jax.random.uniform(k3, (E,), dtype=jnp.float32, minval=-bound_g, maxval=bound_g)
    expert_W = jax.random.uniform(k4, (E, D, D), dtype=jnp.float32, minval=-bound_g, maxval=bound_g)
    expert_b = jax.random.uniform(k5, (E, D), dtype=jnp.float32, minval=-bound_g, maxval=bound_g)
    return {"inputs": inputs, "gate_W": gate_W, "gate_b": gate_b, "expert_W": expert_W, "expert_b": expert_b}

def reference(inputs, gate_W, gate_b, expert_W, expert_b):
    # gate: nn.Linear(input_dim, num_experts)
    gate_logits = jnp.einsum('btd,ed->bte', inputs, gate_W) + gate_b  # [B,T,E]
    weights, selected_experts = jax.lax.top_k(gate_logits, K)          # [B,T,K]
    weights = jax.nn.sigmoid(weights).astype(inputs.dtype)
    # combine weights per expert: sum over k of w_k * onehot(sel_k)
    combine = jnp.sum(weights[..., None] * jax.nn.one_hot(selected_experts, E, dtype=inputs.dtype), axis=2)  # [B,T,E]
    # expert linear layers: y_e = x @ W_e.T + b_e
    expert_out = jnp.einsum('btd,eod->bteo', inputs, expert_W) + expert_b  # [B,T,E,D]
    results = jnp.einsum('bte,bteo->bto', combine, expert_out)             # [B,T,D]
    return results

if __name__ == "__main__":
    import jax
    _d = setup_inputs()
    print(jax.jit(kernel)(*tuple(_d.values())))

</pallas_src>

<mosaic_0001>
#map = affine_map<(d0, d1) -> (0, 0)>
module attributes {stable_mosaic.version = 14 : i64} {
  func.func @_dispatch(%arg0: i32, %arg1: i32, %arg2: memref<8192x384xi32, #tpu.memory_space<hbm>>, %arg3: memref<128x64xi32, #tpu.memory_space<hbm>>, %arg4: memref<128x64xi32, #tpu.memory_space<hbm>>, %arg5: memref<18432x384xi32, #tpu.memory_space<hbm>>, %arg6: memref<4x64xi32, #tpu.memory_space<vmem>>, %arg7: memref<4x64xi32, #tpu.memory_space<vmem>>, %arg8: memref<64x384xi32, #tpu.memory_space<vmem>>, %arg9: memref<64x384xi32, #tpu.memory_space<vmem>>, %arg10: memref<!tpu.dma_semaphore, #tpu.memory_space<semaphore_mem>>, %arg11: memref<!tpu.dma_semaphore, #tpu.memory_space<semaphore_mem>>, %arg12: memref<!tpu.dma_semaphore, #tpu.memory_space<semaphore_mem>>, %arg13: memref<!tpu.dma_semaphore, #tpu.memory_space<semaphore_mem>>, %arg14: memref<!tpu.dma_semaphore, #tpu.memory_space<semaphore_mem>>, %arg15: memref<!tpu.dma_semaphore, #tpu.memory_space<semaphore_mem>>) attributes {dimension_semantics = [#tpu.dimension_semantics<core_parallel>, #tpu.dimension_semantics<subcore_parallel>], iteration_bounds = array<i64: 2, 16>, scalar_prefetch = 0 : i64, scratch_operands = 10 : i64, tpu.core_type = #tpu.core_type<sc_vector_subcore>, window_params = [{transform_indices = #map}, {transform_indices = #map}, {transform_indices = #map}, {transform_indices = #map}]} {
    %mul3A = arith.constant 2 : i32
    %mul3A_0 = arith.muli %arg1, %mul3A : i32
    %add3A = arith.addi %mul3A_0, %arg0 : i32
    %mul3A_1 = arith.constant 256 : i32
    %mul3A_2 = arith.muli %add3A, %mul3A_1 : i32
    %mul3A_3 = arith.constant 2 : i32
    %mul3A_4 = arith.muli %arg1, %mul3A_3 : i32
    %add3A_5 = arith.addi %mul3A_4, %arg0 : i32
    %mul3A_6 = arith.constant 4 : i32
    %mul3A_7 = arith.muli %add3A_5, %mul3A_6 : i32
    "tpu.region"() ({
      %run_scoped3A = tpu.sem_alloc : memref<!tpu.dma_semaphore, #tpu.memory_space<semaphore_mem>>
      %dma_start3A_158 = arith.constant 0 : i32
      %dma_start3A_159 = tpu.memref_slice %arg3[%mul3A_7, %dma_start3A_158] : memref<128x64xi32, #tpu.memory_space<hbm>> -> memref<4x64xi32, #tpu.memory_space<hbm>>
      %dma_start3A_160 = arith.constant 0 : i32
      %dma_start3A_161 = tpu.memref_slice %arg3[%mul3A_7, %dma_start3A_160] : memref<128x64xi32, #tpu.memory_space<hbm>> -> memref<4x64xi32, #tpu.memory_space<hbm>>
      tpu.enqueue_dma source(%dma_start3A_161 : memref<4x64xi32, #tpu.memory_space<hbm>>) target(%arg6 : memref<4x64xi32, #tpu.memory_space<vmem>>) target_semaphore(%run_scoped3A : memref<!tpu.dma_semaphore, #tpu.memory_space<semaphore_mem>>)
      %dma_wait3A_162 = arith.constant 0 : i32
      %dma_wait3A_163 = tpu.memref_slice %arg3[%mul3A_7, %dma_wait3A_162] : memref<128x64xi32, #tpu.memory_space<hbm>> -> memref<4x64xi32, #tpu.memory_space<hbm>>
      %dma_wait3A_164 = arith.constant 0 : i32
      %dma_wait3A_165 = tpu.memref_slice %arg3[%mul3A_7, %dma_wait3A_164] : memref<128x64xi32, #tpu.memory_space<hbm>> -> memref<4x64xi32, #tpu.memory_space<hbm>>
      tpu.wait_dma2 semaphore(%run_scoped3A : memref<!tpu.dma_semaphore, #tpu.memory_space<semaphore_mem>>) src(%dma_wait3A_165 : memref<4x64xi32, #tpu.memory_space<hbm>>) dst(%arg6 : memref<4x64xi32, #tpu.memory_space<vmem>>)
      tpu.yield
    }) : () -> ()
    "tpu.region"() ({
      %run_scoped3A = tpu.sem_alloc : memref<!tpu.dma_semaphore, #tpu.memory_space<semaphore_mem>>
      %dma_start3A_158 = arith.constant 0 : i32
      %dma_start3A_159 = tpu.memref_slice %arg4[%mul3A_7, %dma_start3A_158] : memref<128x64xi32, #tpu.memory_space<hbm>> -> memref<4x64xi32, #tpu.memory_space<hbm>>
      %dma_start3A_160 = arith.constant 0 : i32
      %dma_start3A_161 = tpu.memref_slice %arg4[%mul3A_7, %dma_start3A_160] : memref<128x64xi32, #tpu.memory_space<hbm>> -> memref<4x64xi32, #tpu.memory_space<hbm>>
      tpu.enqueue_dma source(%dma_start3A_161 : memref<4x64xi32, #tpu.memory_space<hbm>>) target(%arg7 : memref<4x64xi32, #tpu.memory_space<vmem>>) target_semaphore(%run_scoped3A : memref<!tpu.dma_semaphore, #tpu.memory_space<semaphore_mem>>)
      %dma_wait3A_162 = arith.constant 0 : i32
      %dma_wait3A_163 = tpu.memref_slice %arg4[%mul3A_7, %dma_wait3A_162] : memref<128x64xi32, #tpu.memory_space<hbm>> -> memref<4x64xi32, #tpu.memory_space<hbm>>
      %dma_wait3A_164 = arith.constant 0 : i32
      %dma_wait3A_165 = tpu.memref_slice %arg4[%mul3A_7, %dma_wait3A_164] : memref<128x64xi32, #tpu.memory_space<hbm>> -> memref<4x64xi32, #tpu.memory_space<hbm>>
      tpu.wait_dma2 semaphore(%run_scoped3A : memref<!tpu.dma_semaphore, #tpu.memory_space<semaphore_mem>>) src(%dma_wait3A_165 : memref<4x64xi32, #tpu.memory_space<hbm>>) dst(%arg7 : memref<4x64xi32, #tpu.memory_space<vmem>>)
      tpu.yield
    }) : () -> ()
    %add3A_8 = arith.constant 0 : i32
    %add3A_9 = arith.addi %mul3A_2, %add3A_8 : i32
    %dma_start3A = arith.constant 0 : i32
    %dma_start3A_10 = tpu.memref_slice %arg2[%add3A_9, %dma_start3A] : memref<8192x384xi32, #tpu.memory_space<hbm>> -> memref<64x384xi32, #tpu.memory_space<hbm>>
    %dma_start3A_11 = arith.constant 0 : i32
    %dma_start3A_12 = tpu.memref_slice %arg2[%add3A_9, %dma_start3A_11] : memref<8192x384xi32, #tpu.memory_space<hbm>> -> memref<64x384xi32, #tpu.memory_space<hbm>>
    tpu.enqueue_dma source(%dma_start3A_12 : memref<64x384xi32, #tpu.memory_space<hbm>>) target(%arg8 : memref<64x384xi32, #tpu.memory_space<vmem>>) target_semaphore(%arg10 : memref<!tpu.dma_semaphore, #tpu.memory_space<semaphore_mem>>)
    %add3A_13 = arith.constant 64 : i32
    %add3A_14 = arith.addi %mul3A_2, %add3A_13 : i32
    %dma_start3A_15 = arith.constant 0 : i32
    %dma_start3A_16 = tpu.memref_slice %arg2[%add3A_14, %dma_start3A_15] : memref<8192x384xi32, #tpu.memory_space<hbm>> -> memref<64x384xi32, #tpu.memory_space<hbm>>
    %dma_start3A_17 = arith.constant 0 : i32
    %dma_start3A_18 = tpu.memref_slice %arg2[%add3A_14, %dma_start3A_17] : memref<8192x384xi32, #tpu.memory_space<hbm>> -> memref<64x384xi32, #tpu.memory_space<hbm>>
    tpu.enqueue_dma source(%dma_start3A_18 : memref<64x384xi32, #tpu.memory_space<hbm>>) target(%arg9 : memref<64x384xi32, #tpu.memory_space<vmem>>) target_semaphore(%arg11 : memref<!tpu.dma_semaphore, #tpu.memory_space<semaphore_mem>>)
    %dma_wait3A = arith.constant 0 : i32
    %dma_wait3A_19 = tpu.memref_slice %arg2[%add3A_9, %dma_wait3A] : memref<8192x384xi32, #tpu.memory_space<hbm>> -> memref<64x384xi32, #tpu.memory_space<hbm>>
    %dma_wait3A_20 = arith.constant 0 : i32
    %dma_wait3A_21 = tpu.memref_slice %arg2[%add3A_9, %dma_wait3A_20] : memref<8192x384xi32, #tpu.memory_space<hbm>> -> memref<64x384xi32, #tpu.memory_space<hbm>>
    tpu.wait_dma2 semaphore(%arg10 : memref<!tpu.dma_semaphore, #tpu.memory_space<semaphore_mem>>) src(%dma_wait3A_21 : memref<64x384xi32, #tpu.memory_space<hbm>>) dst(%arg8 : memref<64x384xi32, #tpu.memory_space<vmem>>)
    %dma_start3A_22 = arith.constant 0 : i32
    %dma_start3A_23 = arith.constant 0 : i32
    %dma_start3A_24 = tpu.memref_slice %arg6[%dma_start3A_22, %dma_start3A_23] : memref<4x64xi32, #tpu.memory_space<vmem>> -> memref<1x64xi32, #tpu.memory_space<vmem>>
    %dma_start3A_25 = tpu.memref_squeeze %dma_start3A_24 : memref<1x64xi32, #tpu.memory_space<vmem>> -> memref<64xi32, #tpu.memory_space<vmem>>
    %dma_start3A_26 = arith.constant 0 : i32
    %dma_start3A_27 = arith.constant 0 : i32
    %dma_start3A_28 = tpu.memref_slice %arg5[%dma_start3A_26, %dma_start3A_27] : memref<18432x384xi32, #tpu.memory_space<hbm>> -> memref<18432x384xi32, #tpu.memory_space<hbm>>
    tpu.enqueue_indirect_dma source(%arg8 : memref<64x384xi32, #tpu.memory_space<vmem>>) target(%dma_start3A_28 : memref<18432x384xi32, #tpu.memory_space<hbm>>) offsets(%dma_start3A_25 : memref<64xi32, #tpu.memory_space<vmem>>) semaphore(%arg12 : memref<!tpu.dma_semaphore, #tpu.memory_space<semaphore_mem>>)
    %dma_start3A_29 = arith.constant 0 : i32
    %dma_start3A_30 = arith.constant 0 : i32
    %dma_start3A_31 = tpu.memref_slice %arg7[%dma_start3A_29, %dma_start3A_30] : memref<4x64xi32, #tpu.memory_space<vmem>> -> memref<1x64xi32, #tpu.memory_space<vmem>>
    %dma_start3A_32 = tpu.memref_squeeze %dma_start3A_31 : memref<1x64xi32, #tpu.memory_space<vmem>> -> memref<64xi32, #tpu.memory_space<vmem>>
    %dma_start3A_33 = arith.constant 0 : i32
    %dma_start3A_34 = arith.constant 0 : i32
    %dma_start3A_35 = tpu.memref_slice %arg5[%dma_start3A_33, %dma_start3A_34] : memref<18432x384xi32, #tpu.memory_space<hbm>> -> memref<18432x384xi32, #tpu.memory_space<hbm>>
    tpu.enqueue_indirect_dma source(%arg8 : memref<64x384xi32, #tpu.memory_space<vmem>>) target(%dma_start3A_35 : memref<18432x384xi32, #tpu.memory_space<hbm>>) offsets(%dma_start3A_32 : memref<64xi32, #tpu.memory_space<vmem>>) semaphore(%arg13 : memref<!tpu.dma_semaphore, #tpu.memory_space<semaphore_mem>>)
    %dma_wait3A_36 = arith.constant 0 : i32
    %dma_wait3A_37 = arith.constant 0 : i32
    %dma_wait3A_38 = tpu.memref_slice %arg6[%dma_wait3A_36, %dma_wait3A_37] : memref<4x64xi32, #tpu.memory_space<vmem>> -> memref<1x64xi32, #tpu.memory_space<vmem>>
    %dma_wait3A_39 = tpu.memref_squeeze %dma_wait3A_38 : memref<1x64xi32, #tpu.memory_space<vmem>> -> memref<64xi32, #tpu.memory_space<vmem>>
    %dma_wait3A_40 = arith.constant 0 : i32
    %dma_wait3A_41 = arith.constant 0 : i32
    %dma_wait3A_42 = tpu.memref_slice %arg5[%dma_wait3A_40, %dma_wait3A_41] : memref<18432x384xi32, #tpu.memory_space<hbm>> -> memref<18432x384xi32, #tpu.memory_space<hbm>>
    tpu.wait_indirect_dma semaphore(%arg12 : memref<!tpu.dma_semaphore, #tpu.memory_space<semaphore_mem>>) src(%arg8 : memref<64x384xi32, #tpu.memory_space<vmem>>) dst(%dma_wait3A_42 : memref<18432x384xi32, #tpu.memory_space<hbm>>)
    %dma_wait3A_43 = arith.constant 0 : i32
    %dma_wait3A_44 = arith.constant 0 : i32
    %dma_wait3A_45 = tpu.memref_slice %arg7[%dma_wait3A_43, %dma_wait3A_44] : memref<4x64xi32, #tpu.memory_space<vmem>> -> memref<1x64xi32, #tpu.memory_space<vmem>>
    %dma_wait3A_46 = tpu.memref_squeeze %dma_wait3A_45 : memref<1x64xi32, #tpu.memory_space<vmem>> -> memref<64xi32, #tpu.memory_space<vmem>>
    %dma_wait3A_47 = arith.constant 0 : i32
    %dma_wait3A_48 = arith.constant 0 : i32
    %dma_wait3A_49 = tpu.memref_slice %arg5[%dma_wait3A_47, %dma_wait3A_48] : memref<18432x384xi32, #tpu.memory_space<hbm>> -> memref<18432x384xi32, #tpu.memory_space<hbm>>
    tpu.wait_indirect_dma semaphore(%arg13 : memref<!tpu.dma_semaphore, #tpu.memory_space<semaphore_mem>>) src(%arg8 : memref<64x384xi32, #tpu.memory_space<vmem>>) dst(%dma_wait3A_49 : memref<18432x384xi32, #tpu.memory_space<hbm>>)
    %add3A_50 = arith.constant 128 : i32
    %add3A_51 = arith.addi %mul3A_2, %add3A_50 : i32
    %dma_start3A_52 = arith.constant 0 : i32
    %dma_start3A_53 = tpu.memref_slice %arg2[%add3A_51, %dma_start3A_52] : memref<8192x384xi32, #tpu.memory_space<hbm>> -> memref<64x384xi32, #tpu.memory_space<hbm>>
    %dma_start3A_54 = arith.constant 0 : i32
    %dma_start3A_55 = tpu.memref_slice %arg2[%add3A_51, %dma_start3A_54] : memref<8192x384xi32, #tpu.memory_space<hbm>> -> memref<64x384xi32, #tpu.memory_space<hbm>>
    tpu.enqueue_dma source(%dma_start3A_55 : memref<64x384xi32, #tpu.memory_space<hbm>>) target(%arg8 : memref<64x384xi32, #tpu.memory_space<vmem>>) target_semaphore(%arg10 : memref<!tpu.dma_semaphore, #tpu.memory_space<semaphore_mem>>)
    %dma_wait3A_56 = arith.constant 0 : i32
    %dma_wait3A_57 = tpu.memref_slice %arg2[%add3A_14, %dma_wait3A_56] : memref<8192x384xi32, #tpu.memory_space<hbm>> -> memref<64x384xi32, #tpu.memory_space<hbm>>
    %dma_wait3A_58 = arith.constant 0 : i32
    %dma_wait3A_59 = tpu.memref_slice %arg2[%add3A_14, %dma_wait3A_58] : memref<8192x384xi32, #tpu.memory_space<hbm>> -> memref<64x384xi32, #tpu.memory_space<hbm>>
    tpu.wait_dma2 semaphore(%arg11 : memref<!tpu.dma_semaphore, #tpu.memory_space<semaphore_mem>>) src(%dma_wait3A_59 : memref<64x384xi32, #tpu.memory_space<hbm>>) dst(%arg9 : memref<64x384xi32, #tpu.memory_space<vmem>>)
    %dma_start3A_60 = arith.constant 1 : i32
    %dma_start3A_61 = arith.constant 0 : i32
    %dma_start3A_62 = tpu.memref_slice %arg6[%dma_start3A_60, %dma_start3A_61] : memref<4x64xi32, #tpu.memory_space<vmem>> -> memref<1x64xi32, #tpu.memory_space<vmem>>
    %dma_start3A_63 = tpu.memref_squeeze %dma_start3A_62 : memref<1x64xi32, #tpu.memory_space<vmem>> -> memref<64xi32, #tpu.memory_space<vmem>>
    %dma_start3A_64 = arith.constant 0 : i32
    %dma_start3A_65 = arith.constant 0 : i32
    %dma_start3A_66 = tpu.memref_slice %arg5[%dma_start3A_64, %dma_start3A_65] : memref<18432x384xi32, #tpu.memory_space<hbm>> -> memref<18432x384xi32, #tpu.memory_space<hbm>>
    tpu.enqueue_indirect_dma source(%arg9 : memref<64x384xi32, #tpu.memory_space<vmem>>) target(%dma_start3A_66 : memref<18432x384xi32, #tpu.memory_space<hbm>>) offsets(%dma_start3A_63 : memref<64xi32, #tpu.memory_space<vmem>>) semaphore(%arg14 : memref<!tpu.dma_semaphore, #tpu.memory_space<semaphore_mem>>)
    %dma_start3A_67 = arith.constant 1 : i32
    %dma_start3A_68 = arith.constant 0 : i32
    %dma_start3A_69 = tpu.memref_slice %arg7[%dma_start3A_67, %dma_start3A_68] : memref<4x64xi32, #tpu.memory_space<vmem>> -> memref<1x64xi32, #tpu.memory_space<vmem>>
    %dma_start3A_70 = tpu.memref_squeeze %dma_start3A_69 : memref<1x64xi32, #tpu.memory_space<vmem>> -> memref<64xi32, #tpu.memory_space<vmem>>
    %dma_start3A_71 = arith.constant 0 : i32
    %dma_start3A_72 = arith.constant 0 : i32
    %dma_start3A_73 = tpu.memref_slice %arg5[%dma_start3A_71, %dma_start3A_72] : memref<18432x384xi32, #tpu.memory_space<hbm>> -> memref<18432x384xi32, #tpu.memory_space<hbm>>
    tpu.enqueue_indirect_dma source(%arg9 : memref<64x384xi32, #tpu.memory_space<vmem>>) target(%dma_start3A_73 : memref<18432x384xi32, #tpu.memory_space<hbm>>) offsets(%dma_start3A_70 : memref<64xi32, #tpu.memory_space<vmem>>) semaphore(%arg15 : memref<!tpu.dma_semaphore, #tpu.memory_space<semaphore_mem>>)
    %dma_wait3A_74 = arith.constant 1 : i32
    %dma_wait3A_75 = arith.constant 0 : i32
    %dma_wait3A_76 = tpu.memref_slice %arg6[%dma_wait3A_74, %dma_wait3A_75] : memref<4x64xi32, #tpu.memory_space<vmem>> -> memref<1x64xi32, #tpu.memory_space<vmem>>
    %dma_wait3A_77 = tpu.memref_squeeze %dma_wait3A_76 : memref<1x64xi32, #tpu.memory_space<vmem>> -> memref<64xi32, #tpu.memory_space<vmem>>
    %dma_wait3A_78 = arith.constant 0 : i32
    %dma_wait3A_79 = arith.constant 0 : i32
    %dma_wait3A_80 = tpu.memref_slice %arg5[%dma_wait3A_78, %dma_wait3A_79] : memref<18432x384xi32, #tpu.memory_space<hbm>> -> memref<18432x384xi32, #tpu.memory_space<hbm>>
    tpu.wait_indirect_dma semaphore(%arg14 : memref<!tpu.dma_semaphore, #tpu.memory_space<semaphore_mem>>) src(%arg9 : memref<64x384xi32, #tpu.memory_space<vmem>>) dst(%dma_wait3A_80 : memref<18432x384xi32, #tpu.memory_space<hbm>>)
    %dma_wait3A_81 = arith.constant 1 : i32
    %dma_wait3A_82 = arith.constant 0 : i32
    %dma_wait3A_83 = tpu.memref_slice %arg7[%dma_wait3A_81, %dma_wait3A_82] : memref<4x64xi32, #tpu.memory_space<vmem>> -> memref<1x64xi32, #tpu.memory_space<vmem>>
    %dma_wait3A_84 = tpu.memref_squeeze %dma_wait3A_83 : memref<1x64xi32, #tpu.memory_space<vmem>> -> memref<64xi32, #tpu.memory_space<vmem>>
    %dma_wait3A_85 = arith.constant 0 : i32
    %dma_wait3A_86 = arith.constant 0 : i32
    %dma_wait3A_87 = tpu.memref_slice %arg5[%dma_wait3A_85, %dma_wait3A_86] : memref<18432x384xi32, #tpu.memory_space<hbm>> -> memref<18432x384xi32, #tpu.memory_space<hbm>>
    tpu.wait_indirect_dma semaphore(%arg15 : memref<!tpu.dma_semaphore, #tpu.memory_space<semaphore_mem>>) src(%arg9 : memref<64x384xi32, #tpu.memory_space<vmem>>) dst(%dma_wait3A_87 : memref<18432x384xi32, #tpu.memory_space<hbm>>)
    %add3A_88 = arith.constant 192 : i32
    %add3A_89 = arith.addi %mul3A_2, %add3A_88 : i32
    %dma_start3A_90 = arith.constant 0 : i32
    %dma_start3A_91 = tpu.memref_slice %arg2[%add3A_89, %dma_start3A_90] : memref<8192x384xi32, #tpu.memory_space<hbm>> -> memref<64x384xi32, #tpu.memory_space<hbm>>
    %dma_start3A_92 = arith.constant 0 : i32
    %dma_start3A_93 = tpu.memref_slice %arg2[%add3A_89, %dma_start3A_92] : memref<8192x384xi32, #tpu.memory_space<hbm>> -> memref<64x384xi32, #tpu.memory_space<hbm>>
    tpu.enqueue_dma source(%dma_start3A_93 : memref<64x384xi32, #tpu.memory_space<hbm>>) target(%arg9 : memref<64x384xi32, #tpu.memory_space<vmem>>) target_semaphore(%arg11 : memref<!tpu.dma_semaphore, #tpu.memory_space<semaphore_mem>>)
    %dma_wait3A_94 = arith.constant 0 : i32
    %dma_wait3A_95 = tpu.memref_slice %arg2[%add3A_51, %dma_wait3A_94] : memref<8192x384xi32, #tpu.memory_space<hbm>> -> memref<64x384xi32, #tpu.memory_space<hbm>>
    %dma_wait3A_96 = arith.constant 0 : i32
    %dma_wait3A_97 = tpu.memref_slice %arg2[%add3A_51, %dma_wait3A_96] : memref<8192x384xi32, #tpu.memory_space<hbm>> -> memref<64x384xi32, #tpu.memory_space<hbm>>
    tpu.wait_dma2 semaphore(%arg10 : memref<!tpu.dma_semaphore, #tpu.memory_space<semaphore_mem>>) src(%dma_wait3A_97 : memref<64x384xi32, #tpu.memory_space<hbm>>) dst(%arg8 : memref<64x384xi32, #tpu.memory_space<vmem>>)
    %dma_start3A_98 = arith.constant 2 : i32
    %dma_start3A_99 = arith.constant 0 : i32
    %dma_start3A_100 = tpu.memref_slice %arg6[%dma_start3A_98, %dma_start3A_99] : memref<4x64xi32, #tpu.memory_space<vmem>> -> memref<1x64xi32, #tpu.memory_space<vmem>>
    %dma_start3A_101 = tpu.memref_squeeze %dma_start3A_100 : memref<1x64xi32, #tpu.memory_space<vmem>> -> memref<64xi32, #tpu.memory_space<vmem>>
    %dma_start3A_102 = arith.constant 0 : i32
    %dma_start3A_103 = arith.constant 0 : i32
    %dma_start3A_104 = tpu.memref_slice %arg5[%dma_start3A_102, %dma_start3A_103] : memref<18432x384xi32, #tpu.memory_space<hbm>> -> memref<18432x384xi32, #tpu.memory_space<hbm>>
    tpu.enqueue_indirect_dma source(%arg8 : memref<64x384xi32, #tpu.memory_space<vmem>>) target(%dma_start3A_104 : memref<18432x384xi32, #tpu.memory_space<hbm>>) offsets(%dma_start3A_101 : memref<64xi32, #tpu.memory_space<vmem>>) semaphore(%arg12 : memref<!tpu.dma_semaphore, #tpu.memory_space<semaphore_mem>>)
    %dma_start3A_105 = arith.constant 2 : i32
    %dma_start3A_106 = arith.constant 0 : i32
    %dma_start3A_107 = tpu.memref_slice %arg7[%dma_start3A_105, %dma_start3A_106] : memref<4x64xi32, #tpu.memory_space<vmem>> -> memref<1x64xi32, #tpu.memory_space<vmem>>
    %dma_start3A_108 = tpu.memref_squeeze %dma_start3A_107 : memref<1x64xi32, #tpu.memory_space<vmem>> -> memref<64xi32, #tpu.memory_space<vmem>>
    %dma_start3A_109 = arith.constant 0 : i32
    %dma_start3A_110 = arith.constant 0 : i32
    %dma_start3A_111 = tpu.memref_slice %arg5[%dma_start3A_109, %dma_start3A_110] : memref<18432x384xi32, #tpu.memory_space<hbm>> -> memref<18432x384xi32, #tpu.memory_space<hbm>>
    tpu.enqueue_indirect_dma source(%arg8 : memref<64x384xi32, #tpu.memory_space<vmem>>) target(%dma_start3A_111 : memref<18432x384xi32, #tpu.memory_space<hbm>>) offsets(%dma_start3A_108 : memref<64xi32, #tpu.memory_space<vmem>>) semaphore(%arg13 : memref<!tpu.dma_semaphore, #tpu.memory_space<semaphore_mem>>)
    %dma_wait3A_112 = arith.constant 2 : i32
    %dma_wait3A_113 = arith.constant 0 : i32
    %dma_wait3A_114 = tpu.memref_slice %arg6[%dma_wait3A_112, %dma_wait3A_113] : memref<4x64xi32, #tpu.memory_space<vmem>> -> memref<1x64xi32, #tpu.memory_space<vmem>>
    %dma_wait3A_115 = tpu.memref_squeeze %dma_wait3A_114 : memref<1x64xi32, #tpu.memory_space<vmem>> -> memref<64xi32, #tpu.memory_space<vmem>>
    %dma_wait3A_116 = arith.constant 0 : i32
    %dma_wait3A_117 = arith.constant 0 : i32
    %dma_wait3A_118 = tpu.memref_slice %arg5[%dma_wait3A_116, %dma_wait3A_117] : memref<18432x384xi32, #tpu.memory_space<hbm>> -> memref<18432x384xi32, #tpu.memory_space<hbm>>
    tpu.wait_indirect_dma semaphore(%arg12 : memref<!tpu.dma_semaphore, #tpu.memory_space<semaphore_mem>>) src(%arg8 : memref<64x384xi32, #tpu.memory_space<vmem>>) dst(%dma_wait3A_118 : memref<18432x384xi32, #tpu.memory_space<hbm>>)
    %dma_wait3A_119 = arith.constant 2 : i32
    %dma_wait3A_120 = arith.constant 0 : i32
    %dma_wait3A_121 = tpu.memref_slice %arg7[%dma_wait3A_119, %dma_wait3A_120] : memref<4x64xi32, #tpu.memory_space<vmem>> -> memref<1x64xi32, #tpu.memory_space<vmem>>
    %dma_wait3A_122 = tpu.memref_squeeze %dma_wait3A_121 : memref<1x64xi32, #tpu.memory_space<vmem>> -> memref<64xi32, #tpu.memory_space<vmem>>
    %dma_wait3A_123 = arith.constant 0 : i32
    %dma_wait3A_124 = arith.constant 0 : i32
    %dma_wait3A_125 = tpu.memref_slice %arg5[%dma_wait3A_123, %dma_wait3A_124] : memref<18432x384xi32, #tpu.memory_space<hbm>> -> memref<18432x384xi32, #tpu.memory_space<hbm>>
    tpu.wait_indirect_dma semaphore(%arg13 : memref<!tpu.dma_semaphore, #tpu.memory_space<semaphore_mem>>) src(%arg8 : memref<64x384xi32, #tpu.memory_space<vmem>>) dst(%dma_wait3A_125 : memref<18432x384xi32, #tpu.memory_space<hbm>>)
    %dma_wait3A_126 = arith.constant 0 : i32
    %dma_wait3A_127 = tpu.memref_slice %arg2[%add3A_89, %dma_wait3A_126] : memref<8192x384xi32, #tpu.memory_space<hbm>> -> memref<64x384xi32, #tpu.memory_space<hbm>>
    %dma_wait3A_128 = arith.constant 0 : i32
    %dma_wait3A_129 = tpu.memref_slice %arg2[%add3A_89, %dma_wait3A_128] : memref<8192x384xi32, #tpu.memory_space<hbm>> -> memref<64x384xi32, #tpu.memory_space<hbm>>
    tpu.wait_dma2 semaphore(%arg11 : memref<!tpu.dma_semaphore, #tpu.memory_space<semaphore_mem>>) src(%dma_wait3A_129 : memref<64x384xi32, #tpu.memory_space<hbm>>) dst(%arg9 : memref<64x384xi32, #tpu.memory_space<vmem>>)
    %dma_start3A_130 = arith.constant 3 : i32
    %dma_start3A_131 = arith.constant 0 : i32
    %dma_start3A_132 = tpu.memref_slice %arg6[%dma_start3A_130, %dma_start3A_131] : memref<4x64xi32, #tpu.memory_space<vmem>> -> memref<1x64xi32, #tpu.memory_space<vmem>>
    %dma_start3A_133 = tpu.memref_squeeze %dma_start3A_132 : memref<1x64xi32, #tpu.memory_space<vmem>> -> memref<64xi32, #tpu.memory_space<vmem>>
    %dma_start3A_134 = arith.constant 0 : i32
    %dma_start3A_135 = arith.constant 0 : i32
    %dma_start3A_136 = tpu.memref_slice %arg5[%dma_start3A_134, %dma_start3A_135] : memref<18432x384xi32, #tpu.memory_space<hbm>> -> memref<18432x384xi32, #tpu.memory_space<hbm>>
    tpu.enqueue_indirect_dma source(%arg9 : memref<64x384xi32, #tpu.memory_space<vmem>>) target(%dma_start3A_136 : memref<18432x384xi32, #tpu.memory_space<hbm>>) offsets(%dma_start3A_133 : memref<64xi32, #tpu.memory_space<vmem>>) semaphore(%arg14 : memref<!tpu.dma_semaphore, #tpu.memory_space<semaphore_mem>>)
    %dma_start3A_137 = arith.constant 3 : i32
    %dma_start3A_138 = arith.constant 0 : i32
    %dma_start3A_139 = tpu.memref_slice %arg7[%dma_start3A_137, %dma_start3A_138] : memref<4x64xi32, #tpu.memory_space<vmem>> -> memref<1x64xi32, #tpu.memory_space<vmem>>
    %dma_start3A_140 = tpu.memref_squeeze %dma_start3A_139 : memref<1x64xi32, #tpu.memory_space<vmem>> -> memref<64xi32, #tpu.memory_space<vmem>>
    %dma_start3A_141 = arith.constant 0 : i32
    %dma_start3A_142 = arith.constant 0 : i32
    %dma_start3A_143 = tpu.memref_slice %arg5[%dma_start3A_141, %dma_start3A_142] : memref<18432x384xi32, #tpu.memory_space<hbm>> -> memref<18432x384xi32, #tpu.memory_space<hbm>>
    tpu.enqueue_indirect_dma source(%arg9 : memref<64x384xi32, #tpu.memory_space<vmem>>) target(%dma_start3A_143 : memref<18432x384xi32, #tpu.memory_space<hbm>>) offsets(%dma_start3A_140 : memref<64xi32, #tpu.memory_space<vmem>>) semaphore(%arg15 : memref<!tpu.dma_semaphore, #tpu.memory_space<semaphore_mem>>)
    %dma_wait3A_144 = arith.constant 3 : i32
    %dma_wait3A_145 = arith.constant 0 : i32
    %dma_wait3A_146 = tpu.memref_slice %arg6[%dma_wait3A_144, %dma_wait3A_145] : memref<4x64xi32, #tpu.memory_space<vmem>> -> memref<1x64xi32, #tpu.memory_space<vmem>>
    %dma_wait3A_147 = tpu.memref_squeeze %dma_wait3A_146 : memref<1x64xi32, #tpu.memory_space<vmem>> -> memref<64xi32, #tpu.memory_space<vmem>>
    %dma_wait3A_148 = arith.constant 0 : i32
    %dma_wait3A_149 = arith.constant 0 : i32
    %dma_wait3A_150 = tpu.memref_slice %arg5[%dma_wait3A_148, %dma_wait3A_149] : memref<18432x384xi32, #tpu.memory_space<hbm>> -> memref<18432x384xi32, #tpu.memory_space<hbm>>
    tpu.wait_indirect_dma semaphore(%arg14 : memref<!tpu.dma_semaphore, #tpu.memory_space<semaphore_mem>>) src(%arg9 : memref<64x384xi32, #tpu.memory_space<vmem>>) dst(%dma_wait3A_150 : memref<18432x384xi32, #tpu.memory_space<hbm>>)
    %dma_wait3A_151 = arith.constant 3 : i32
    %dma_wait3A_152 = arith.constant 0 : i32
    %dma_wait3A_153 = tpu.memref_slice %arg7[%dma_wait3A_151, %dma_wait3A_152] : memref<4x64xi32, #tpu.memory_space<vmem>> -> memref<1x64xi32, #tpu.memory_space<vmem>>
    %dma_wait3A_154 = tpu.memref_squeeze %dma_wait3A_153 : memref<1x64xi32, #tpu.memory_space<vmem>> -> memref<64xi32, #tpu.memory_space<vmem>>
    %dma_wait3A_155 = arith.constant 0 : i32
    %dma_wait3A_156 = arith.constant 0 : i32
    %dma_wait3A_157 = tpu.memref_slice %arg5[%dma_wait3A_155, %dma_wait3A_156] : memref<18432x384xi32, #tpu.memory_space<hbm>> -> memref<18432x384xi32, #tpu.memory_space<hbm>>
    tpu.wait_indirect_dma semaphore(%arg15 : memref<!tpu.dma_semaphore, #tpu.memory_space<semaphore_mem>>) src(%arg9 : memref<64x384xi32, #tpu.memory_space<vmem>>) dst(%dma_wait3A_157 : memref<18432x384xi32, #tpu.memory_space<hbm>>)
    return
  }
}

#map = affine_map<(d0, d1) -> (0, 0)>
module attributes {stable_mosaic.version = 14 : i64} {
  func.func @_combine(%arg0: i32, %arg1: i32, %arg2: memref<18432x384xi32, #tpu.memory_space<hbm>>, %arg3: memref<128x64xi32, #tpu.memory_space<hbm>>, %arg4: memref<128x64xi32, #tpu.memory_space<hbm>>, %arg5: memref<8192x384xi32, #tpu.memory_space<hbm>>, %arg6: memref<8192x384xi32, #tpu.memory_space<hbm>>, %arg7: memref<4x64xi32, #tpu.memory_space<vmem>>, %arg8: memref<4x64xi32, #tpu.memory_space<vmem>>, %arg9: memref<64x384xi32, #tpu.memory_space<vmem>>, %arg10: memref<64x384xi32, #tpu.memory_space<vmem>>, %arg11: memref<64x384xi32, #tpu.memory_space<vmem>>, %arg12: memref<64x384xi32, #tpu.memory_space<vmem>>, %arg13: memref<!tpu.dma_semaphore, #tpu.memory_space<semaphore_mem>>, %arg14: memref<!tpu.dma_semaphore, #tpu.memory_space<semaphore_mem>>, %arg15: memref<!tpu.dma_semaphore, #tpu.memory_space<semaphore_mem>>, %arg16: memref<!tpu.dma_semaphore, #tpu.memory_space<semaphore_mem>>, %arg17: memref<!tpu.dma_semaphore, #tpu.memory_space<semaphore_mem>>, %arg18: memref<!tpu.dma_semaphore, #tpu.memory_space<semaphore_mem>>, %arg19: memref<!tpu.dma_semaphore, #tpu.memory_space<semaphore_mem>>, %arg20: memref<!tpu.dma_semaphore, #tpu.memory_space<semaphore_mem>>) attributes {dimension_semantics = [#tpu.dimension_semantics<core_parallel>, #tpu.dimension_semantics<subcore_parallel>], iteration_bounds = array<i64: 2, 16>, scalar_prefetch = 0 : i64, scratch_operands = 14 : i64, tpu.core_type = #tpu.core_type<sc_vector_subcore>, window_params = [{transform_indices = #map}, {transform_indices = #map}, {transform_indices = #map}, {transform_indices = #map}, {transform_indices = #map}]} {
    %mul3A = arith.constant 2 : i32
    %mul3A_0 = arith.muli %arg1, %mul3A : i32
    %add3A = arith.addi %mul3A_0, %arg0 : i32
    %mul3A_1 = arith.constant 256 : i32
    %mul3A_2 = arith.muli %add3A, %mul3A_1 : i32
    %mul3A_3 = arith.constant 2 : i32
    %mul3A_4 = arith.muli %arg1, %mul3A_3 : i32
    %add3A_5 = arith.addi %mul3A_4, %arg0 : i32
    %mul3A_6 = arith.constant 4 : i32
    %mul3A_7 = arith.muli %add3A_5, %mul3A_6 : i32
    "tpu.region"() ({
      %run_scoped3A = tpu.sem_alloc : memref<!tpu.dma_semaphore, #tpu.memory_space<semaphore_mem>>
      %dma_start3A_190 = arith.constant 0 : i32
      %dma_start3A_191 = tpu.memref_slice %arg3[%mul3A_7, %dma_start3A_190] : memref<128x64xi32, #tpu.memory_space<hbm>> -> memref<4x64xi32, #tpu.memory_space<hbm>>
      %dma_start3A_192 = arith.constant 0 : i32
      %dma_start3A_193 = tpu.memref_slice %arg3[%mul3A_7, %dma_start3A_192] : memref<128x64xi32, #tpu.memory_space<hbm>> -> memref<4x64xi32, #tpu.memory_space<hbm>>
      tpu.enqueue_dma source(%dma_start3A_193 : memref<4x64xi32, #tpu.memory_space<hbm>>) target(%arg7 : memref<4x64xi32, #tpu.memory_space<vmem>>) target_semaphore(%run_scoped3A : memref<!tpu.dma_semaphore, #tpu.memory_space<semaphore_mem>>)
      %dma_wait3A_194 = arith.constant 0 : i32
      %dma_wait3A_195 = tpu.memref_slice %arg3[%mul3A_7, %dma_wait3A_194] : memref<128x64xi32, #tpu.memory_space<hbm>> -> memref<4x64xi32, #tpu.memory_space<hbm>>
      %dma_wait3A_196 = arith.constant 0 : i32
      %dma_wait3A_197 = tpu.memref_slice %arg3[%mul3A_7, %dma_wait3A_196] : memref<128x64xi32, #tpu.memory_space<hbm>> -> memref<4x64xi32, #tpu.memory_space<hbm>>
      tpu.wait_dma2 semaphore(%run_scoped3A : memref<!tpu.dma_semaphore, #tpu.memory_space<semaphore_mem>>) src(%dma_wait3A_197 : memref<4x64xi32, #tpu.memory_space<hbm>>) dst(%arg7 : memref<4x64xi32, #tpu.memory_space<vmem>>)
      tpu.yield
    }) : () -> ()
    "tpu.region"() ({
      %run_scoped3A = tpu.sem_alloc : memref<!tpu.dma_semaphore, #tpu.memory_space<semaphore_mem>>
      %dma_start3A_190 = arith.constant 0 : i32
      %dma_start3A_191 = tpu.memref_slice %arg4[%mul3A_7, %dma_start3A_190] : memref<128x64xi32, #tpu.memory_space<hbm>> -> memref<4x64xi32, #tpu.memory_space<hbm>>
      %dma_start3A_192 = arith.constant 0 : i32
      %dma_start3A_193 = tpu.memref_slice %arg4[%mul3A_7, %dma_start3A_192] : memref<128x64xi32, #tpu.memory_space<hbm>> -> memref<4x64xi32, #tpu.memory_space<hbm>>
      tpu.enqueue_dma source(%dma_start3A_193 : memref<4x64xi32, #tpu.memory_space<hbm>>) target(%arg8 : memref<4x64xi32, #tpu.memory_space<vmem>>) target_semaphore(%run_scoped3A : memref<!tpu.dma_semaphore, #tpu.memory_space<semaphore_mem>>)
      %dma_wait3A_194 = arith.constant 0 : i32
      %dma_wait3A_195 = tpu.memref_slice %arg4[%mul3A_7, %dma_wait3A_194] : memref<128x64xi32, #tpu.memory_space<hbm>> -> memref<4x64xi32, #tpu.memory_space<hbm>>
      %dma_wait3A_196 = arith.constant 0 : i32
      %dma_wait3A_197 = tpu.memref_slice %arg4[%mul3A_7, %dma_wait3A_196] : memref<128x64xi32, #tpu.memory_space<hbm>> -> memref<4x64xi32, #tpu.memory_space<hbm>>
      tpu.wait_dma2 semaphore(%run_scoped3A : memref<!tpu.dma_semaphore, #tpu.memory_space<semaphore_mem>>) src(%dma_wait3A_197 : memref<4x64xi32, #tpu.memory_space<hbm>>) dst(%arg8 : memref<4x64xi32, #tpu.memory_space<vmem>>)
      tpu.yield
    }) : () -> ()
    %dma_start3A = arith.constant 0 : i32
    %dma_start3A_8 = arith.constant 0 : i32
    %dma_start3A_9 = tpu.memref_slice %arg7[%dma_start3A, %dma_start3A_8] : memref<4x64xi32, #tpu.memory_space<vmem>> -> memref<1x64xi32, #tpu.memory_space<vmem>>
    %dma_start3A_10 = tpu.memref_squeeze %dma_start3A_9 : memref<1x64xi32, #tpu.memory_space<vmem>> -> memref<64xi32, #tpu.memory_space<vmem>>
    %dma_start3A_11 = arith.constant 0 : i32
    %dma_start3A_12 = arith.constant 0 : i32
    %dma_start3A_13 = tpu.memref_slice %arg2[%dma_start3A_11, %dma_start3A_12] : memref<18432x384xi32, #tpu.memory_space<hbm>> -> memref<18432x384xi32, #tpu.memory_space<hbm>>
    tpu.enqueue_indirect_dma source(%dma_start3A_13 : memref<18432x384xi32, #tpu.memory_space<hbm>>) target(%arg9 : memref<64x384xi32, #tpu.memory_space<vmem>>) offsets(%dma_start3A_10 : memref<64xi32, #tpu.memory_space<vmem>>) semaphore(%arg13 : memref<!tpu.dma_semaphore, #tpu.memory_space<semaphore_mem>>)
    %dma_start3A_14 = arith.constant 0 : i32
    %dma_start3A_15 = arith.constant 0 : i32
    %dma_start3A_16 = tpu.memref_slice %arg8[%dma_start3A_14, %dma_start3A_15] : memref<4x64xi32, #tpu.memory_space<vmem>> -> memref<1x64xi32, #tpu.memory_space<vmem>>
    %dma_start3A_17 = tpu.memref_squeeze %dma_start3A_16 : memref<1x64xi32, #tpu.memory_space<vmem>> -> memref<64xi32, #tpu.memory_space<vmem>>
    %dma_start3A_18 = arith.constant 0 : i32
    %dma_start3A_19 = arith.constant 0 : i32
    %dma_start3A_20 = tpu.memref_slice %arg2[%dma_start3A_18, %dma_start3A_19] : memref<18432x384xi32, #tpu.memory_space<hbm>> -> memref<18432x384xi32, #tpu.memory_space<hbm>>
    tpu.enqueue_indirect_dma source(%dma_start3A_20 : memref<18432x384xi32, #tpu.memory_space<hbm>>) target(%arg10 : memref<64x384xi32, #tpu.memory_space<vmem>>) offsets(%dma_start3A_17 : memref<64xi32, #tpu.memory_space<vmem>>) semaphore(%arg14 : memref<!tpu.dma_semaphore, #tpu.memory_space<semaphore_mem>>)
    %add3A_21 = arith.constant 0 : i32
    %add3A_22 = arith.addi %mul3A_2, %add3A_21 : i32
    %dma_start3A_23 = arith.constant 1 : i32
    %dma_start3A_24 = arith.constant 0 : i32
    %dma_start3A_25 = tpu.memref_slice %arg7[%dma_start3A_23, %dma_start3A_24] : memref<4x64xi32, #tpu.memory_space<vmem>> -> memref<1x64xi32, #tpu.memory_space<vmem>>
    %dma_start3A_26 = tpu.memref_squeeze %dma_start3A_25 : memref<1x64xi32, #tpu.memory_space<vmem>> -> memref<64xi32, #tpu.memory_space<vmem>>
    %dma_start3A_27 = arith.constant 0 : i32
    %dma_start3A_28 = arith.constant 0 : i32
    %dma_start3A_29 = tpu.memref_slice %arg2[%dma_start3A_27, %dma_start3A_28] : memref<18432x384xi32, #tpu.memory_space<hbm>> -> memref<18432x384xi32, #tpu.memory_space<hbm>>
    tpu.enqueue_indirect_dma source(%dma_start3A_29 : memref<18432x384xi32, #tpu.memory_space<hbm>>) target(%arg11 : memref<64x384xi32, #tpu.memory_space<vmem>>) offsets(%dma_start3A_26 : memref<64xi32, #tpu.memory_space<vmem>>) semaphore(%arg15 : memref<!tpu.dma_semaphore, #tpu.memory_space<semaphore_mem>>)
    %dma_start3A_30 = arith.constant 1 : i32
    %dma_start3A_31 = arith.constant 0 : i32
    %dma_start3A_32 = tpu.memref_slice %arg8[%dma_start3A_30, %dma_start3A_31] : memref<4x64xi32, #tpu.memory_space<vmem>> -> memref<1x64xi32, #tpu.memory_space<vmem>>
    %dma_start3A_33 = tpu.memref_squeeze %dma_start3A_32 : memref<1x64xi32, #tpu.memory_space<vmem>> -> memref<64xi32, #tpu.memory_space<vmem>>
    %dma_start3A_34 = arith.constant 0 : i32
    %dma_start3A_35 = arith.constant 0 : i32
    %dma_start3A_36 = tpu.memref_slice %arg2[%dma_start3A_34, %dma_start3A_35] : memref<18432x384xi32, #tpu.memory_space<hbm>> -> memref<18432x384xi32, #tpu.memory_space<hbm>>
    tpu.enqueue_indirect_dma source(%dma_start3A_36 : memref<18432x384xi32, #tpu.memory_space<hbm>>) target(%arg12 : memref<64x384xi32, #tpu.memory_space<vmem>>) offsets(%dma_start3A_33 : memref<64xi32, #tpu.memory_space<vmem>>) semaphore(%arg16 : memref<!tpu.dma_semaphore, #tpu.memory_space<semaphore_mem>>)
    %dma_wait3A = arith.constant 0 : i32
    %dma_wait3A_37 = arith.constant 0 : i32
    %dma_wait3A_38 = tpu.memref_slice %arg7[%dma_wait3A, %dma_wait3A_37] : memref<4x64xi32, #tpu.memory_space<vmem>> -> memref<1x64xi32, #tpu.memory_space<vmem>>
    %dma_wait3A_39 = tpu.memref_squeeze %dma_wait3A_38 : memref<1x64xi32, #tpu.memory_space<vmem>> -> memref<64xi32, #tpu.memory_space<vmem>>
    %dma_wait3A_40 = arith.constant 0 : i32
    %dma_wait3A_41 = arith.constant 0 : i32
    %dma_wait3A_42 = tpu.memref_slice %arg2[%dma_wait3A_40, %dma_wait3A_41] : memref<18432x384xi32, #tpu.memory_space<hbm>> -> memref<18432x384xi32, #tpu.memory_space<hbm>>
    tpu.wait_indirect_dma semaphore(%arg13 : memref<!tpu.dma_semaphore, #tpu.memory_space<semaphore_mem>>) src(%dma_wait3A_42 : memref<18432x384xi32, #tpu.memory_space<hbm>>) dst(%arg9 : memref<64x384xi32, #tpu.memory_space<vmem>>)
    %dma_wait3A_43 = arith.constant 0 : i32
    %dma_wait3A_44 = arith.constant 0 : i32
    %dma_wait3A_45 = tpu.memref_slice %arg8[%dma_wait3A_43, %dma_wait3A_44] : memref<4x64xi32, #tpu.memory_space<vmem>> -> memref<1x64xi32, #tpu.memory_space<vmem>>
    %dma_wait3A_46 = tpu.memref_squeeze %dma_wait3A_45 : memref<1x64xi32, #tpu.memory_space<vmem>> -> memref<64xi32, #tpu.memory_space<vmem>>
    %dma_wait3A_47 = arith.constant 0 : i32
    %dma_wait3A_48 = arith.constant 0 : i32
    %dma_wait3A_49 = tpu.memref_slice %arg2[%dma_wait3A_47, %dma_wait3A_48] : memref<18432x384xi32, #tpu.memory_space<hbm>> -> memref<18432x384xi32, #tpu.memory_space<hbm>>
    tpu.wait_indirect_dma semaphore(%arg14 : memref<!tpu.dma_semaphore, #tpu.memory_space<semaphore_mem>>) src(%dma_wait3A_49 : memref<18432x384xi32, #tpu.memory_space<hbm>>) dst(%arg10 : memref<64x384xi32, #tpu.memory_space<vmem>>)
    %dma_start3A_50 = arith.constant 0 : i32
    %dma_start3A_51 = tpu.memref_slice %arg5[%add3A_22, %dma_start3A_50] : memref<8192x384xi32, #tpu.memory_space<hbm>> -> memref<64x384xi32, #tpu.memory_space<hbm>>
    %dma_start3A_52 = arith.constant 0 : i32
    %dma_start3A_53 = tpu.memref_slice %arg5[%add3A_22, %dma_start3A_52] : memref<8192x384xi32, #tpu.memory_space<hbm>> -> memref<64x384xi32, #tpu.memory_space<hbm>>
    tpu.enqueue_dma source(%arg9 : memref<64x384xi32, #tpu.memory_space<vmem>>) target(%dma_start3A_53 : memref<64x384xi32, #tpu.memory_space<hbm>>) target_semaphore(%arg17 : memref<!tpu.dma_semaphore, #tpu.memory_space<semaphore_mem>>)
    %dma_start3A_54 = arith.constant 0 : i32
    %dma_start3A_55 = tpu.memref_slice %arg6[%add3A_22, %dma_start3A_54] : memref<8192x384xi32, #tpu.memory_space<hbm>> -> memref<64x384xi32, #tpu.memory_space<hbm>>
    %dma_start3A_56 = arith.constant 0 : i32
    %dma_start3A_57 = tpu.memref_slice %arg6[%add3A_22, %dma_start3A_56] : memref<8192x384xi32, #tpu.memory_space<hbm>> -> memref<64x384xi32, #tpu.memory_space<hbm>>
    tpu.enqueue_dma source(%arg10 : memref<64x384xi32, #tpu.memory_space<vmem>>) target(%dma_start3A_57 : memref<64x384xi32, #tpu.memory_space<hbm>>) target_semaphore(%arg18 : memref<!tpu.dma_semaphore, #tpu.memory_space<semaphore_mem>>)
    %add3A_58 = arith.constant 64 : i32
    %add3A_59 = arith.addi %mul3A_2, %add3A_58 : i32
    %dma_wait3A_60 = arith.constant 0 : i32
    %dma_wait3A_61 = tpu.memref_slice %arg5[%add3A_22, %dma_wait3A_60] : memref<8192x384xi32, #tpu.memory_space<hbm>> -> memref<64x384xi32, #tpu.memory_space<hbm>>
    %dma_wait3A_62 = arith.constant 0 : i32
    %dma_wait3A_63 = tpu.memref_slice %arg5[%add3A_22, %dma_wait3A_62] : memref<8192x384xi32, #tpu.memory_space<hbm>> -> memref<64x384xi32, #tpu.memory_space<hbm>>
    tpu.wait_dma2 semaphore(%arg17 : memref<!tpu.dma_semaphore, #tpu.memory_space<semaphore_mem>>) src(%arg9 : memref<64x384xi32, #tpu.memory_space<vmem>>) dst(%dma_wait3A_63 : memref<64x384xi32, #tpu.memory_space<hbm>>)
    %dma_wait3A_64 = arith.constant 0 : i32
    %dma_wait3A_65 = tpu.memref_slice %arg6[%add3A_22, %dma_wait3A_64] : memref<8192x384xi32, #tpu.memory_space<hbm>> -> memref<64x384xi32, #tpu.memory_space<hbm>>
    %dma_wait3A_66 = arith.constant 0 : i32
    %dma_wait3A_67 = tpu.memref_slice %arg6[%add3A_22, %dma_wait3A_66] : memref<8192x384xi32, #tpu.memory_space<hbm>> -> memref<64x384xi32, #tpu.memory_space<hbm>>
    tpu.wait_dma2 semaphore(%arg18 : memref<!tpu.dma_semaphore, #tpu.memory_space<semaphore_mem>>) src(%arg10 : memref<64x384xi32, #tpu.memory_space<vmem>>) dst(%dma_wait3A_67 : memref<64x384xi32, #tpu.memory_space<hbm>>)
    %dma_start3A_68 = arith.constant 2 : i32
    %dma_start3A_69 = arith.constant 0 : i32
    %dma_start3A_70 = tpu.memref_slice %arg7[%dma_start3A_68, %dma_start3A_69] : memref<4x64xi32, #tpu.memory_space<vmem>> -> memref<1x64xi32, #tpu.memory_space<vmem>>
    %dma_start3A_71 = tpu.memref_squeeze %dma_start3A_70 : memref<1x64xi32, #tpu.memory_space<vmem>> -> memref<64xi32, #tpu.memory_space<vmem>>
    %dma_start3A_72 = arith.constant 0 : i32
    %dma_start3A_73 = arith.constant 0 : i32
    %dma_start3A_74 = tpu.memref_slice %arg2[%dma_start3A_72, %dma_start3A_73] : memref<18432x384xi32, #tpu.memory_space<hbm>> -> memref<18432x384xi32, #tpu.memory_space<hbm>>
    tpu.enqueue_indirect_dma source(%dma_start3A_74 : memref<18432x384xi32, #tpu.memory_space<hbm>>) target(%arg9 : memref<64x384xi32, #tpu.memory_space<vmem>>) offsets(%dma_start3A_71 : memref<64xi32, #tpu.memory_space<vmem>>) semaphore(%arg13 : memref<!tpu.dma_semaphore, #tpu.memory_space<semaphore_mem>>)
    %dma_start3A_75 = arith.constant 2 : i32
    %dma_start3A_76 = arith.constant 0 : i32
    %dma_start3A_77 = tpu.memref_slice %arg8[%dma_start3A_75, %dma_start3A_76] : memref<4x64xi32, #tpu.memory_space<vmem>> -> memref<1x64xi32, #tpu.memory_space<vmem>>
    %dma_start3A_78 = tpu.memref_squeeze %dma_start3A_77 : memref<1x64xi32, #tpu.memory_space<vmem>> -> memref<64xi32, #tpu.memory_space<vmem>>
    %dma_start3A_79 = arith.constant 0 : i32
    %dma_start3A_80 = arith.constant 0 : i32
    %dma_start3A_81 = tpu.memref_slice %arg2[%dma_start3A_79, %dma_start3A_80] : memref<18432x384xi32, #tpu.memory_space<hbm>> -> memref<18432x384xi32, #tpu.memory_space<hbm>>
    tpu.enqueue_indirect_dma source(%dma_start3A_81 : memref<18432x384xi32, #tpu.memory_space<hbm>>) target(%arg10 : memref<64x384xi32, #tpu.memory_space<vmem>>) offsets(%dma_start3A_78 : memref<64xi32, #tpu.memory_space<vmem>>) semaphore(%arg14 : memref<!tpu.dma_semaphore, #tpu.memory_space<semaphore_mem>>)
    %dma_wait3A_82 = arith.constant 1 : i32
    %dma_wait3A_83 = arith.constant 0 : i32
    %dma_wait3A_84 = tpu.memref_slice %arg7[%dma_wait3A_82, %dma_wait3A_83] : memref<4x64xi32, #tpu.memory_space<vmem>> -> memref<1x64xi32, #tpu.memory_space<vmem>>
    %dma_wait3A_85 = tpu.memref_squeeze %dma_wait3A_84 : memref<1x64xi32, #tpu.memory_space<vmem>> -> memref<64xi32, #tpu.memory_space<vmem>>
    %dma_wait3A_86 = arith.constant 0 : i32
    %dma_wait3A_87 = arith.constant 0 : i32
    %dma_wait3A_88 = tpu.memref_slice %arg2[%dma_wait3A_86, %dma_wait3A_87] : memref<18432x384xi32, #tpu.memory_space<hbm>> -> memref<18432x384xi32, #tpu.memory_space<hbm>>
    tpu.wait_indirect_dma semaphore(%arg15 : memref<!tpu.dma_semaphore, #tpu.memory_space<semaphore_mem>>) src(%dma_wait3A_88 : memref<18432x384xi32, #tpu.memory_space<hbm>>) dst(%arg11 : memref<64x384xi32, #tpu.memory_space<vmem>>)
    %dma_wait3A_89 = arith.constant 1 : i32
    %dma_wait3A_90 = arith.constant 0 : i32
    %dma_wait3A_91 = tpu.memref_slice %arg8[%dma_wait3A_89, %dma_wait3A_90] : memref<4x64xi32, #tpu.memory_space<vmem>> -> memref<1x64xi32, #tpu.memory_space<vmem>>
    %dma_wait3A_92 = tpu.memref_squeeze %dma_wait3A_91 : memref<1x64xi32, #tpu.memory_space<vmem>> -> memref<64xi32, #tpu.memory_space<vmem>>
    %dma_wait3A_93 = arith.constant 0 : i32
    %dma_wait3A_94 = arith.constant 0 : i32
    %dma_wait3A_95 = tpu.memref_slice %arg2[%dma_wait3A_93, %dma_wait3A_94] : memref<18432x384xi32, #tpu.memory_space<hbm>> -> memref<18432x384xi32, #tpu.memory_space<hbm>>
    tpu.wait_indirect_dma semaphore(%arg16 : memref<!tpu.dma_semaphore, #tpu.memory_space<semaphore_mem>>) src(%dma_wait3A_95 : memref<18432x384xi32, #tpu.memory_space<hbm>>) dst(%arg12 : memref<64x384xi32, #tpu.memory_space<vmem>>)
    %dma_start3A_96 = arith.constant 0 : i32
    %dma_start3A_97 = tpu.memref_slice %arg5[%add3A_59, %dma_start3A_96] : memref<8192x384xi32, #tpu.memory_space<hbm>> -> memref<64x384xi32, #tpu.memory_space<hbm>>
    %dma_start3A_98 = arith.constant 0 : i32
    %dma_start3A_99 = tpu.memref_slice %arg5[%add3A_59, %dma_start3A_98] : memref<8192x384xi32, #tpu.memory_space<hbm>> -> memref<64x384xi32, #tpu.memory_space<hbm>>
    tpu.enqueue_dma source(%arg11 : memref<64x384xi32, #tpu.memory_space<vmem>>) target(%dma_start3A_99 : memref<64x384xi32, #tpu.memory_space<hbm>>) target_semaphore(%arg19 : memref<!tpu.dma_semaphore, #tpu.memory_space<semaphore_mem>>)
    %dma_start3A_100 = arith.constant 0 : i32
    %dma_start3A_101 = tpu.memref_slice %arg6[%add3A_59, %dma_start3A_100] : memref<8192x384xi32, #tpu.memory_space<hbm>> -> memref<64x384xi32, #tpu.memory_space<hbm>>
    %dma_start3A_102 = arith.constant 0 : i32
    %dma_start3A_103 = tpu.memref_slice %arg6[%add3A_59, %dma_start3A_102] : memref<8192x384xi32, #tpu.memory_space<hbm>> -> memref<64x384xi32, #tpu.memory_space<hbm>>
    tpu.enqueue_dma source(%arg12 : memref<64x384xi32, #tpu.memory_space<vmem>>) target(%dma_start3A_103 : memref<64x384xi32, #tpu.memory_space<hbm>>) target_semaphore(%arg20 : memref<!tpu.dma_semaphore, #tpu.memory_space<semaphore_mem>>)
    %add3A_104 = arith.constant 128 : i32
    %add3A_105 = arith.addi %mul3A_2, %add3A_104 : i32
    %dma_wait3A_106 = arith.constant 0 : i32
    %dma_wait3A_107 = tpu.memref_slice %arg5[%add3A_59, %dma_wait3A_106] : memref<8192x384xi32, #tpu.memory_space<hbm>> -> memref<64x384xi32, #tpu.memory_space<hbm>>
    %dma_wait3A_108 = arith.constant 0 : i32
    %dma_wait3A_109 = tpu.memref_slice %arg5[%add3A_59, %dma_wait3A_108] : memref<8192x384xi32, #tpu.memory_space<hbm>> -> memref<64x384xi32, #tpu.memory_space<hbm>>
    tpu.wait_dma2 semaphore(%arg19 : memref<!tpu.dma_semaphore, #tpu.memory_space<semaphore_mem>>) src(%arg11 : memref<64x384xi32, #tpu.memory_space<vmem>>) dst(%dma_wait3A_109 : memref<64x384xi32, #tpu.memory_space<hbm>>)
    %dma_wait3A_110 = arith.constant 0 : i32
    %dma_wait3A_111 = tpu.memref_slice %arg6[%add3A_59, %dma_wait3A_110] : memref<8192x384xi32, #tpu.memory_space<hbm>> -> memref<64x384xi32, #tpu.memory_space<hbm>>
    %dma_wait3A_112 = arith.constant 0 : i32
    %dma_wait3A_113 = tpu.memref_slice %arg6[%add3A_59, %dma_wait3A_112] : memref<8192x384xi32, #tpu.memory_space<hbm>> -> memref<64x384xi32, #tpu.memory_space<hbm>>
    tpu.wait_dma2 semaphore(%arg20 : memref<!tpu.dma_semaphore, #tpu.memory_space<semaphore_mem>>) src(%arg12 : memref<64x384xi32, #tpu.memory_space<vmem>>) dst(%dma_wait3A_113 : memref<64x384xi32, #tpu.memory_space<hbm>>)
    %dma_start3A_114 = arith.constant 3 : i32
    %dma_start3A_115 = arith.constant 0 : i32
    %dma_start3A_116 = tpu.memref_slice %arg7[%dma_start3A_114, %dma_start3A_115] : memref<4x64xi32, #tpu.memory_space<vmem>> -> memref<1x64xi32, #tpu.memory_space<vmem>>
    %dma_start3A_117 = tpu.memref_squeeze %dma_start3A_116 : memref<1x64xi32, #tpu.memory_space<vmem>> -> memref<64xi32, #tpu.memory_space<vmem>>
    %dma_start3A_118 = arith.constant 0 : i32
    %dma_start3A_119 = arith.constant 0 : i32
    %dma_start3A_120 = tpu.memref_slice %arg2[%dma_start3A_118, %dma_start3A_119] : memref<18432x384xi32, #tpu.memory_space<hbm>> -> memref<18432x384xi32, #tpu.memory_space<hbm>>
    tpu.enqueue_indirect_dma source(%dma_start3A_120 : memref<18432x384xi32, #tpu.memory_space<hbm>>) target(%arg11 : memref<64x384xi32, #tpu.memory_space<vmem>>) offsets(%dma_start3A_117 : memref<64xi32, #tpu.memory_space<vmem>>) semaphore(%arg15 : memref<!tpu.dma_semaphore, #tpu.memory_space<semaphore_mem>>)
    %dma_start3A_121 = arith.constant 3 : i32
    %dma_start3A_122 = arith.constant 0 : i32
    %dma_start3A_123 = tpu.memref_slice %arg8[%dma_start3A_121, %dma_start3A_122] : memref<4x64xi32, #tpu.memory_space<vmem>> -> memref<1x64xi32, #tpu.memory_space<vmem>>
    %dma_start3A_124 = tpu.memref_squeeze %dma_start3A_123 : memref<1x64xi32, #tpu.memory_space<vmem>> -> memref<64xi32, #tpu.memory_space<vmem>>
    %dma_start3A_125 = arith.constant 0 : i32
    %dma_start3A_126 = arith.constant 0 : i32
    %dma_start3A_127 = tpu.memref_slice %arg2[%dma_start3A_125, %dma_start3A_126] : memref<18432x384xi32, #tpu.memory_space<hbm>> -> memref<18432x384xi32, #tpu.memory_space<hbm>>
    tpu.enqueue_indirect_dma source(%dma_start3A_127 : memref<18432x384xi32, #tpu.memory_space<hbm>>) target(%arg12 : memref<64x384xi32, #tpu.memory_space<vmem>>) offsets(%dma_start3A_124 : memref<64xi32, #tpu.memory_space<vmem>>) semaphore(%arg16 : memref<!tpu.dma_semaphore, #tpu.memory_space<semaphore_mem>>)
    %dma_wait3A_128 = arith.constant 2 : i32
    %dma_wait3A_129 = arith.constant 0 : i32
    %dma_wait3A_130 = tpu.memref_slice %arg7[%dma_wait3A_128, %dma_wait3A_129] : memref<4x64xi32, #tpu.memory_space<vmem>> -> memref<1x64xi32, #tpu.memory_space<vmem>>
    %dma_wait3A_131 = tpu.memref_squeeze %dma_wait3A_130 : memref<1x64xi32, #tpu.memory_space<vmem>> -> memref<64xi32, #tpu.memory_space<vmem>>
    %dma_wait3A_132 = arith.constant 0 : i32
    %dma_wait3A_133 = arith.constant 0 : i32
    %dma_wait3A_134 = tpu.memref_slice %arg2[%dma_wait3A_132, %dma_wait3A_133] : memref<18432x384xi32, #tpu.memory_space<hbm>> -> memref<18432x384xi32, #tpu.memory_space<hbm>>
    tpu.wait_indirect_dma semaphore(%arg13 : memref<!tpu.dma_semaphore, #tpu.memory_space<semaphore_mem>>) src(%dma_wait3A_134 : memref<18432x384xi32, #tpu.memory_space<hbm>>) dst(%arg9 : memref<64x384xi32, #tpu.memory_space<vmem>>)
    %dma_wait3A_135 = arith.constant 2 : i32
    %dma_wait3A_136 = arith.constant 0 : i32
    %dma_wait3A_137 = tpu.memref_slice %arg8[%dma_wait3A_135, %dma_wait3A_136] : memref<4x64xi32, #tpu.memory_space<vmem>> -> memref<1x64xi32, #tpu.memory_space<vmem>>
    %dma_wait3A_138 = tpu.memref_squeeze %dma_wait3A_137 : memref<1x64xi32, #tpu.memory_space<vmem>> -> memref<64xi32, #tpu.memory_space<vmem>>
    %dma_wait3A_139 = arith.constant 0 : i32
    %dma_wait3A_140 = arith.constant 0 : i32
    %dma_wait3A_141 = tpu.memref_slice %arg2[%dma_wait3A_139, %dma_wait3A_140] : memref<18432x384xi32, #tpu.memory_space<hbm>> -> memref<18432x384xi32, #tpu.memory_space<hbm>>
    tpu.wait_indirect_dma semaphore(%arg14 : memref<!tpu.dma_semaphore, #tpu.memory_space<semaphore_mem>>) src(%dma_wait3A_141 : memref<18432x384xi32, #tpu.memory_space<hbm>>) dst(%arg10 : memref<64x384xi32, #tpu.memory_space<vmem>>)
    %dma_start3A_142 = arith.constant 0 : i32
    %dma_start3A_143 = tpu.memref_slice %arg5[%add3A_105, %dma_start3A_142] : memref<8192x384xi32, #tpu.memory_space<hbm>> -> memref<64x384xi32, #tpu.memory_space<hbm>>
    %dma_start3A_144 = arith.constant 0 : i32
    %dma_start3A_145 = tpu.memref_slice %arg5[%add3A_105, %dma_start3A_144] : memref<8192x384xi32, #tpu.memory_space<hbm>> -> memref<64x384xi32, #tpu.memory_space<hbm>>
    tpu.enqueue_dma source(%arg9 : memref<64x384xi32, #tpu.memory_space<vmem>>) target(%dma_start3A_145 : memref<64x384xi32, #tpu.memory_space<hbm>>) target_semaphore(%arg17 : memref<!tpu.dma_semaphore, #tpu.memory_space<semaphore_mem>>)
    %dma_start3A_146 = arith.constant 0 : i32
    %dma_start3A_147 = tpu.memref_slice %arg6[%add3A_105, %dma_start3A_146] : memref<8192x384xi32, #tpu.memory_space<hbm>> -> memref<64x384xi32, #tpu.memory_space<hbm>>
    %dma_start3A_148 = arith.constant 0 : i32
    %dma_start3A_149 = tpu.memref_slice %arg6[%add3A_105, %dma_start3A_148] : memref<8192x384xi32, #tpu.memory_space<hbm>> -> memref<64x384xi32, #tpu.memory_space<hbm>>
    tpu.enqueue_dma source(%arg10 : memref<64x384xi32, #tpu.memory_space<vmem>>) target(%dma_start3A_149 : memref<64x384xi32, #tpu.memory_space<hbm>>) target_semaphore(%arg18 : memref<!tpu.dma_semaphore, #tpu.memory_space<semaphore_mem>>)
    %add3A_150 = arith.constant 192 : i32
    %add3A_151 = arith.addi %mul3A_2, %add3A_150 : i32
    %dma_wait3A_152 = arith.constant 0 : i32
    %dma_wait3A_153 = tpu.memref_slice %arg5[%add3A_105, %dma_wait3A_152] : memref<8192x384xi32, #tpu.memory_space<hbm>> -> memref<64x384xi32, #tpu.memory_space<hbm>>
    %dma_wait3A_154 = arith.constant 0 : i32
    %dma_wait3A_155 = tpu.memref_slice %arg5[%add3A_105, %dma_wait3A_154] : memref<8192x384xi32, #tpu.memory_space<hbm>> -> memref<64x384xi32, #tpu.memory_space<hbm>>
    tpu.wait_dma2 semaphore(%arg17 : memref<!tpu.dma_semaphore, #tpu.memory_space<semaphore_mem>>) src(%arg9 : memref<64x384xi32, #tpu.memory_space<vmem>>) dst(%dma_wait3A_155 : memref<64x384xi32, #tpu.memory_space<hbm>>)
    %dma_wait3A_156 = arith.constant 0 : i32
    %dma_wait3A_157 = tpu.memref_slice %arg6[%add3A_105, %dma_wait3A_156] : memref<8192x384xi32, #tpu.memory_space<hbm>> -> memref<64x384xi32, #tpu.memory_space<hbm>>
    %dma_wait3A_158 = arith.constant 0 : i32
    %dma_wait3A_159 = tpu.memref_slice %arg6[%add3A_105, %dma_wait3A_158] : memref<8192x384xi32, #tpu.memory_space<hbm>> -> memref<64x384xi32, #tpu.memory_space<hbm>>
    tpu.wait_dma2 semaphore(%arg18 : memref<!tpu.dma_semaphore, #tpu.memory_space<semaphore_mem>>) src(%arg10 : memref<64x384xi32, #tpu.memory_space<vmem>>) dst(%dma_wait3A_159 : memref<64x384xi32, #tpu.memory_space<hbm>>)
    %dma_wait3A_160 = arith.constant 3 : i32
    %dma_wait3A_161 = arith.constant 0 : i32
    %dma_wait3A_162 = tpu.memref_slice %arg7[%dma_wait3A_160, %dma_wait3A_161] : memref<4x64xi32, #tpu.memory_space<vmem>> -> memref<1x64xi32, #tpu.memory_space<vmem>>
    %dma_wait3A_163 = tpu.memref_squeeze %dma_wait3A_162 : memref<1x64xi32, #tpu.memory_space<vmem>> -> memref<64xi32, #tpu.memory_space<vmem>>
    %dma_wait3A_164 = arith.constant 0 : i32
    %dma_wait3A_165 = arith.constant 0 : i32
    %dma_wait3A_166 = tpu.memref_slice %arg2[%dma_wait3A_164, %dma_wait3A_165] : memref<18432x384xi32, #tpu.memory_space<hbm>> -> memref<18432x384xi32, #tpu.memory_space<hbm>>
    tpu.wait_indirect_dma semaphore(%arg15 : memref<!tpu.dma_semaphore, #tpu.memory_space<semaphore_mem>>) src(%dma_wait3A_166 : memref<18432x384xi32, #tpu.memory_space<hbm>>) dst(%arg11 : memref<64x384xi32, #tpu.memory_space<vmem>>)
    %dma_wait3A_167 = arith.constant 3 : i32
    %dma_wait3A_168 = arith.constant 0 : i32
    %dma_wait3A_169 = tpu.memref_slice %arg8[%dma_wait3A_167, %dma_wait3A_168] : memref<4x64xi32, #tpu.memory_space<vmem>> -> memref<1x64xi32, #tpu.memory_space<vmem>>
    %dma_wait3A_170 = tpu.memref_squeeze %dma_wait3A_169 : memref<1x64xi32, #tpu.memory_space<vmem>> -> memref<64xi32, #tpu.memory_space<vmem>>
    %dma_wait3A_171 = arith.constant 0 : i32
    %dma_wait3A_172 = arith.constant 0 : i32
    %dma_wait3A_173 = tpu.memref_slice %arg2[%dma_wait3A_171, %dma_wait3A_172] : memref<18432x384xi32, #tpu.memory_space<hbm>> -> memref<18432x384xi32, #tpu.memory_space<hbm>>
    tpu.wait_indirect_dma semaphore(%arg16 : memref<!tpu.dma_semaphore, #tpu.memory_space<semaphore_mem>>) src(%dma_wait3A_173 : memref<18432x384xi32, #tpu.memory_space<hbm>>) dst(%arg12 : memref<64x384xi32, #tpu.memory_space<vmem>>)
    %dma_start3A_174 = arith.constant 0 : i32
    %dma_start3A_175 = tpu.memref_slice %arg5[%add3A_151, %dma_start3A_174] : memref<8192x384xi32, #tpu.memory_space<hbm>> -> memref<64x384xi32, #tpu.memory_space<hbm>>
    %dma_start3A_176 = arith.constant 0 : i32
    %dma_start3A_177 = tpu.memref_slice %arg5[%add3A_151, %dma_start3A_176] : memref<8192x384xi32, #tpu.memory_space<hbm>> -> memref<64x384xi32, #tpu.memory_space<hbm>>
    tpu.enqueue_dma source(%arg11 : memref<64x384xi32, #tpu.memory_space<vmem>>) target(%dma_start3A_177 : memref<64x384xi32, #tpu.memory_space<hbm>>) target_semaphore(%arg19 : memref<!tpu.dma_semaphore, #tpu.memory_space<semaphore_mem>>)
    %dma_start3A_178 = arith.constant 0 : i32
    %dma_start3A_179 = tpu.memref_slice %arg6[%add3A_151, %dma_start3A_178] : memref<8192x384xi32, #tpu.memory_space<hbm>> -> memref<64x384xi32, #tpu.memory_space<hbm>>
    %dma_start3A_180 = arith.constant 0 : i32
    %dma_start3A_181 = tpu.memref_slice %arg6[%add3A_151, %dma_start3A_180] : memref<8192x384xi32, #tpu.memory_space<hbm>> -> memref<64x384xi32, #tpu.memory_space<hbm>>
    tpu.enqueue_dma source(%arg12 : memref<64x384xi32, #tpu.memory_space<vmem>>) target(%dma_start3A_181 : memref<64x384xi32, #tpu.memory_space<hbm>>) target_semaphore(%arg20 : memref<!tpu.dma_semaphore, #tpu.memory_space<semaphore_mem>>)
    %dma_wait3A_182 = arith.constant 0 : i32
    %dma_wait3A_183 = tpu.memref_slice %arg5[%add3A_151, %dma_wait3A_182] : memref<8192x384xi32, #tpu.memory_space<hbm>> -> memref<64x384xi32, #tpu.memory_space<hbm>>
    %dma_wait3A_184 = arith.constant 0 : i32
    %dma_wait3A_185 = tpu.memref_slice %arg5[%add3A_151, %dma_wait3A_184] : memref<8192x384xi32, #tpu.memory_space<hbm>> -> memref<64x384xi32, #tpu.memory_space<hbm>>
    tpu.wait_dma2 semaphore(%arg19 : memref<!tpu.dma_semaphore, #tpu.memory_space<semaphore_mem>>) src(%arg11 : memref<64x384xi32, #tpu.memory_space<vmem>>) dst(%dma_wait3A_185 : memref<64x384xi32, #tpu.memory_space<hbm>>)
    %dma_wait3A_186 = arith.constant 0 : i32
    %dma_wait3A_187 = tpu.memref_slice %arg6[%add3A_151, %dma_wait3A_186] : memref<8192x384xi32, #tpu.memory_space<hbm>> -> memref<64x384xi32, #tpu.memory_space<hbm>>
    %dma_wait3A_188 = arith.constant 0 : i32
    %dma_wait3A_189 = tpu.memref_slice %arg6[%add3A_151, %dma_wait3A_188] : memref<8192x384xi32, #tpu.memory_space<hbm>> -> memref<64x384xi32, #tpu.memory_space<hbm>>
    tpu.wait_dma2 semaphore(%arg20 : memref<!tpu.dma_semaphore, #tpu.memory_space<semaphore_mem>>) src(%arg12 : memref<64x384xi32, #tpu.memory_space<vmem>>) dst(%dma_wait3A_189 : memref<64x384xi32, #tpu.memory_space<hbm>>)
    return
  }
}

module attributes {stable_mosaic.version = 14 : i64} {
  func.func @_pos_block(%arg0: memref<8192x8xi32, #tpu.memory_space<vmem>>, %arg1: memref<1x16xi32, #tpu.memory_space<vmem>>, %arg2: memref<8192xi32, #tpu.memory_space<vmem>>, %arg3: memref<8192xi32, #tpu.memory_space<vmem>>) attributes {dimension_semantics = [], scalar_prefetch = 0 : i64, scratch_operands = 0 : i64, tpu.core_type = #tpu.core_type<tc>} {
    %get3A = arith.constant 0 : index
    %get3A_0 = arith.constant 0 : index
    %get3A_1 = vector.load %arg0[%get3A, %get3A_0] : memref<8192x8xi32, #tpu.memory_space<vmem>>, vector<8192x8xi32>
    %get3A_2 = arith.constant 0 : index
    %get3A_3 = arith.constant 0 : index
    %get3A_4 = vector.load %arg1[%get3A_2, %get3A_3] : memref<1x16xi32, #tpu.memory_space<vmem>>, vector<1x16xi32>
    %iota3A = tpu.iota {dimensions = array<i32: 1>} : vector<8192x16xi32>
    %slice3A = vector.extract_strided_slice %get3A_1 {offsets = [0, 0], sizes = [8192, 1], strides = [1, 1]} : vector<8192x8xi32> to vector<8192x1xi32>
    %eq3A = vector.broadcast %slice3A : vector<8192x1xi32> to vector<8192x16xi32>
    %eq3A_5 = arith.cmpi eq, %iota3A, %eq3A : vector<8192x16xi32>
    %jit3A = arith.constant 0 : i32
    %broadcast_in_dim3A = vector.shape_cast %get3A_4 : vector<1x16xi32> to vector<1x16xi32>
    %broadcast_in_dim3A_6 = vector.broadcast %broadcast_in_dim3A : vector<1x16xi32> to vector<8192x16xi32>
    %broadcast_in_dim3A_7 = vector.broadcast %jit3A : i32 to vector<8192x16xi32>
    %select_n3A = arith.select %eq3A_5, %broadcast_in_dim3A_6, %broadcast_in_dim3A_7 : vector<8192x16xi1>, vector<8192x16xi32>
    %reduce_sum3A = arith.constant dense<0> : vector<8192xi32>
    %reduce_sum3A_8 = vector.multi_reduction <add>, %select_n3A, %reduce_sum3A [1] : vector<8192x16xi32> to vector<8192xi32>
    %slice3A_9 = vector.extract_strided_slice %get3A_1 {offsets = [0, 1], sizes = [8192, 1], strides = [1, 1]} : vector<8192x8xi32> to vector<8192x1xi32>
    %eq3A_10 = vector.broadcast %slice3A_9 : vector<8192x1xi32> to vector<8192x16xi32>
    %eq3A_11 = arith.cmpi eq, %iota3A, %eq3A_10 : vector<8192x16xi32>
    %jit3A_12 = arith.constant 0 : i32
    %broadcast_in_dim3A_13 = vector.shape_cast %get3A_4 : vector<1x16xi32> to vector<1x16xi32>
    %broadcast_in_dim3A_14 = vector.broadcast %broadcast_in_dim3A_13 : vector<1x16xi32> to vector<8192x16xi32>
    %broadcast_in_dim3A_15 = vector.broadcast %jit3A_12 : i32 to vector<8192x16xi32>
    %select_n3A_16 = arith.select %eq3A_11, %broadcast_in_dim3A_14, %broadcast_in_dim3A_15 : vector<8192x16xi1>, vector<8192x16xi32>
    %reduce_sum3A_17 = arith.constant dense<0> : vector<8192xi32>
    %reduce_sum3A_18 = vector.multi_reduction <add>, %select_n3A_16, %reduce_sum3A_17 [1] : vector<8192x16xi32> to vector<8192xi32>
    %slice3A_19 = vector.extract_strided_slice %get3A_1 {offsets = [0, 2], sizes = [8192, 1], strides = [1, 1]} : vector<8192x8xi32> to vector<8192x1xi32>
    %squeeze3A = vector.shape_cast %slice3A_19 : vector<8192x1xi32> to vector<8192xi32>
    %add3A = arith.addi %reduce_sum3A_8, %squeeze3A : vector<8192xi32>
    %swap3A = arith.constant 0 : index
    %swap3A_20 = vector.load %arg2[%swap3A] : memref<8192xi32, #tpu.memory_space<vmem>>, vector<8192xi32>
    tpu.vector_store %arg2[%swap3A], %add3A {strides = array<i32>} : memref<8192xi32, #tpu.memory_space<vmem>>, vector<8192xi32>,
    %slice3A_21 = vector.extract_strided_slice %get3A_1 {offsets = [0, 3], sizes = [8192, 1], strides = [1, 1]} : vector<8192x8xi32> to vector<8192x1xi32>
    %squeeze3A_22 = vector.shape_cast %slice3A_21 : vector<8192x1xi32> to vector<8192xi32>
    %add3A_23 = arith.addi %reduce_sum3A_18, %squeeze3A_22 : vector<8192xi32>
    %swap3A_24 = arith.constant 0 : index
    %swap3A_25 = vector.load %arg3[%swap3A_24] : memref<8192xi32, #tpu.memory_space<vmem>>, vector<8192xi32>
    tpu.vector_store %arg3[%swap3A_24], %add3A_23 {strides = array<i32>} : memref<8192xi32, #tpu.memory_space<vmem>>, vector<8192xi32>,
    return
  }
}

module attributes {stable_mosaic.version = 14 : i64} {
  func.func @_route_block(%arg0: i32, %arg1: memref<1024x768xf32, #tpu.memory_space<vmem>>, %arg2: memref<128x768xf32, #tpu.memory_space<vmem>>, %arg3: memref<1x128xf32, #tpu.memory_space<vmem>>, %arg4: memref<1024x384xi32, #tpu.memory_space<vmem>>, %arg5: memref<1024x8xi32, #tpu.memory_space<vmem>>, %arg6: memref<1x16xi32, #tpu.memory_space<vmem>>, %arg7: memref<1x8xf32, #tpu.memory_space<vmem>>) attributes {dimension_semantics = [#tpu.dimension_semantics<arbitrary>], iteration_bounds = array<i64: 8>, scalar_prefetch = 0 : i64, scratch_operands = 1 : i64, tpu.core_type = #tpu.core_type<tc>, window_params = [{transform_indices = @transform_0, window_bounds = array<i64: 1024, 768>}, {pipeline_mode = #tpu.pipeline_mode<synchronous>, transform_indices = @transform_1, window_bounds = array<i64: 128, 768>}, {pipeline_mode = #tpu.pipeline_mode<synchronous>, transform_indices = @transform_2, window_bounds = array<i64: 1, 128>}, {transform_indices = @transform_3, window_bounds = array<i64: 1024, 384>}, {transform_indices = @transform_4, window_bounds = array<i64: 1024, 8>}, {pipeline_mode = #tpu.pipeline_mode<synchronous>, transform_indices = @transform_5, window_bounds = array<i64: 1, 16>}]} {
    %eq3A = arith.constant 0 : i32
    %eq3A_0 = arith.cmpi eq, %arg0, %eq3A : i32
    %convert_element_type3A = arith.extui %eq3A_0 : i1 to i32
    %cond3A = arith.constant 0 : i32
    %cond3A_1 = arith.cmpi ne, %convert_element_type3A, %cond3A : i32
    scf.if %cond3A_1 {
      %broadcast_in_dim3A_118 = arith.constant 0.000000e+00 : f32
      %broadcast_in_dim3A_119 = vector.broadcast %broadcast_in_dim3A_118 : f32 to vector<1x8xf32>
      %swap3A_120 = arith.constant 0 : index
      %swap3A_121 = arith.constant 0 : index
      %swap3A_122 = vector.load %arg7[%swap3A_120, %swap3A_121] : memref<1x8xf32, #tpu.memory_space<vmem>>, vector<1x8xf32>
      tpu.vector_store %arg7[%swap3A_120, %swap3A_121], %broadcast_in_dim3A_119 {strides = array<i32>} : memref<1x8xf32, #tpu.memory_space<vmem>>, vector<1x8xf32>,
    } else {
    }
    %get3A = arith.constant 0 : index
    %get3A_2 = arith.constant 0 : index
    %get3A_3 = vector.load %arg1[%get3A, %get3A_2] : memref<1024x768xf32, #tpu.memory_space<vmem>>, vector<1024x768xf32>
    %bitcast_convert_type3A = tpu.bitcast %get3A_3 : vector<1024x768xf32> -> vector<1024x768xi32>
    %add3A = arith.constant 32767 : i32
    %add3A_4 = vector.broadcast %add3A : i32 to vector<1024x768xi32>
    %add3A_5 = arith.addi %bitcast_convert_type3A, %add3A_4 : vector<1024x768xi32>
    %shift_right_logical3A = arith.constant 16 : i32
    %shift_right_logical3A_6 = vector.broadcast %shift_right_logical3A : i32 to vector<1024x768xi32>
    %shift_right_logical3A_7 = arith.shrui %bitcast_convert_type3A, %shift_right_logical3A_6 : vector<1024x768xi32>
    %and3A = arith.constant 1 : i32
    %and3A_8 = vector.broadcast %and3A : i32 to vector<1024x768xi32>
    %and3A_9 = arith.andi %shift_right_logical3A_7, %and3A_8 : vector<1024x768xi32>
    %add3A_10 = arith.addi %add3A_5, %and3A_9 : vector<1024x768xi32>
    %slice3A = vector.extract_strided_slice %add3A_10 {offsets = [0, 0], sizes = [1024, 384], strides = [1, 1]} : vector<1024x768xi32> to vector<1024x384xi32>
    %shift_right_logical3A_11 = arith.constant 16 : i32
    %shift_right_logical3A_12 = vector.broadcast %shift_right_logical3A_11 : i32 to vector<1024x384xi32>
    %shift_right_logical3A_13 = arith.shrui %slice3A, %shift_right_logical3A_12 : vector<1024x384xi32>
    %slice3A_14 = vector.extract_strided_slice %add3A_10 {offsets = [0, 384], sizes = [1024, 384], strides = [1, 1]} : vector<1024x768xi32> to vector<1024x384xi32>
    %and3A_15 = arith.constant -65536 : i32
    %and3A_16 = vector.broadcast %and3A_15 : i32 to vector<1024x384xi32>
    %and3A_17 = arith.andi %slice3A_14, %and3A_16 : vector<1024x384xi32>
    %or3A = arith.ori %shift_right_logical3A_13, %and3A_17 : vector<1024x384xi32>
    %swap3A = arith.constant 0 : index
    %swap3A_18 = arith.constant 0 : index
    %swap3A_19 = vector.load %arg4[%swap3A, %swap3A_18] : memref<1024x384xi32, #tpu.memory_space<vmem>>, vector<1024x384xi32>
    tpu.vector_store %arg4[%swap3A, %swap3A_18], %or3A {strides = array<i32>} : memref<1024x384xi32, #tpu.memory_space<vmem>>, vector<1024x384xi32>,
    %get3A_20 = arith.constant 0 : index
    %get3A_21 = arith.constant 0 : index
    %get3A_22 = vector.load %arg2[%get3A_20, %get3A_21] : memref<128x768xf32, #tpu.memory_space<vmem>>, vector<128x768xf32>
    %dot_general3A = arith.constant dense<0.000000e+00> : vector<1024x128xf32>
    %dot_general3A_23 = tpu.matmul %get3A_3, %get3A_22, %dot_general3A {dimension_numbers = #tpu.dot_dimension_numbers<[1], [1], [0], [0], [0, 0, 1, 0], [], []>, transpose_lhs_hint = false} : vector<1024x768xf32>, vector<128x768xf32>, vector<1024x128xf32> -> vector<1024x128xf32>
    %get3A_24 = arith.constant 0 : index
    %get3A_25 = arith.constant 0 : index
    %get3A_26 = vector.load %arg3[%get3A_24, %get3A_25] : memref<1x128xf32, #tpu.memory_space<vmem>>, vector<1x128xf32>
    %add3A_27 = vector.broadcast %get3A_26 : vector<1x128xf32> to vector<1024x128xf32>
    %add3A_28 = arith.addf %dot_general3A_23, %add3A_27 : vector<1024x128xf32>
    %iota3A = tpu.iota {dimensions = array<i32: 1>} : vector<1024x128xi32>
    %reduce_max3A = arith.constant dense<0xFF800000> : vector<1024xf32>
    %reduce_max3A_29 = vector.multi_reduction <maximumf>, %add3A_28, %reduce_max3A [1] : vector<1024x128xf32> to vector<1024xf32>
    %broadcast_in_dim3A = vector.shape_cast %reduce_max3A_29 : vector<1024xf32> to vector<1024x1xf32>
    %ge3A = vector.broadcast %broadcast_in_dim3A : vector<1024x1xf32> to vector<1024x128xf32>
    %ge3A_30 = arith.cmpf oge, %add3A_28, %ge3A : vector<1024x128xf32>
    %jit3A = arith.constant 128 : i32
    %broadcast_in_dim3A_31 = vector.broadcast %jit3A : i32 to vector<1024x128xi32>
    %select_n3A = arith.select %ge3A_30, %iota3A, %broadcast_in_dim3A_31 : vector<1024x128xi1>, vector<1024x128xi32>
    %reduce_min3A = arith.constant dense<2147483647> : vector<1024xi32>
    %reduce_min3A_32 = vector.multi_reduction <minsi>, %select_n3A, %reduce_min3A [1] : vector<1024x128xi32> to vector<1024xi32>
    %broadcast_in_dim3A_33 = vector.shape_cast %reduce_min3A_32 : vector<1024xi32> to vector<1024x1xi32>
    %eq3A_34 = vector.broadcast %broadcast_in_dim3A_33 : vector<1024x1xi32> to vector<1024x128xi32>
    %eq3A_35 = arith.cmpi eq, %iota3A, %eq3A_34 : vector<1024x128xi32>
    %jit3A_36 = arith.constant -1.000000e+30 : f32
    %broadcast_in_dim3A_37 = vector.broadcast %jit3A_36 : f32 to vector<1024x128xf32>
    %select_n3A_38 = arith.select %eq3A_35, %broadcast_in_dim3A_37, %add3A_28 : vector<1024x128xi1>, vector<1024x128xf32>
    %reduce_max3A_39 = arith.constant dense<0xFF800000> : vector<1024xf32>
    %reduce_max3A_40 = vector.multi_reduction <maximumf>, %select_n3A_38, %reduce_max3A_39 [1] : vector<1024x128xf32> to vector<1024xf32>
    %broadcast_in_dim3A_41 = vector.shape_cast %reduce_max3A_40 : vector<1024xf32> to vector<1024x1xf32>
    %ge3A_42 = vector.broadcast %broadcast_in_dim3A_41 : vector<1024x1xf32> to vector<1024x128xf32>
    %ge3A_43 = arith.cmpf oge, %select_n3A_38, %ge3A_42 : vector<1024x128xf32>
    %jit3A_44 = arith.constant 128 : i32
    %broadcast_in_dim3A_45 = vector.broadcast %jit3A_44 : i32 to vector<1024x128xi32>
    %select_n3A_46 = arith.select %ge3A_43, %iota3A, %broadcast_in_dim3A_45 : vector<1024x128xi1>, vector<1024x128xi32>
    %reduce_min3A_47 = arith.constant dense<2147483647> : vector<1024xi32>
    %reduce_min3A_48 = vector.multi_reduction <minsi>, %select_n3A_46, %reduce_min3A_47 [1] : vector<1024x128xi32> to vector<1024xi32>
    %broadcast_in_dim3A_49 = vector.shape_cast %reduce_min3A_48 : vector<1024xi32> to vector<1024x1xi32>
    %eq3A_50 = vector.broadcast %broadcast_in_dim3A_49 : vector<1024x1xi32> to vector<1024x128xi32>
    %eq3A_51 = arith.cmpi eq, %iota3A, %eq3A_50 : vector<1024x128xi32>
    %logistic3A = arith.negf %broadcast_in_dim3A : vector<1024x1xf32>
    %logistic3A_52 = math.exp %logistic3A : vector<1024x1xf32>
    %logistic3A_53 = arith.constant 1.000000e+00 : f32
    %logistic3A_54 = vector.broadcast %logistic3A_53 : f32 to vector<1024x1xf32>
    %logistic3A_55 = arith.addf %logistic3A_54, %logistic3A_52 : vector<1024x1xf32>
    %logistic3A_56 = arith.divf %logistic3A_54, %logistic3A_55 : vector<1024x1xf32>
    %logistic3A_57 = arith.negf %broadcast_in_dim3A_41 : vector<1024x1xf32>
    %logistic3A_58 = math.exp %logistic3A_57 : vector<1024x1xf32>
    %logistic3A_59 = arith.constant 1.000000e+00 : f32
    %logistic3A_60 = vector.broadcast %logistic3A_59 : f32 to vector<1024x1xf32>
    %logistic3A_61 = arith.addf %logistic3A_60, %logistic3A_58 : vector<1024x1xf32>
    %logistic3A_62 = arith.divf %logistic3A_60, %logistic3A_61 : vector<1024x1xf32>
    %slice3A_63 = vector.extract_strided_slice %eq3A_35 {offsets = [0, 0], sizes = [1024, 8], strides = [1, 1]} : vector<1024x128xi1> to vector<1024x8xi1>
    %slice3A_64 = vector.extract_strided_slice %eq3A_51 {offsets = [0, 0], sizes = [1024, 8], strides = [1, 1]} : vector<1024x128xi1> to vector<1024x8xi1>
    %convert_element_type3A_65 = arith.extui %slice3A_63 : vector<1024x8xi1> to vector<1024x8xi32>
    %convert_element_type3A_66 = arith.sitofp %convert_element_type3A_65 : vector<1024x8xi32> to vector<1024x8xf32>
    %convert_element_type3A_67 = arith.extui %slice3A_64 : vector<1024x8xi1> to vector<1024x8xi32>
    %convert_element_type3A_68 = arith.sitofp %convert_element_type3A_67 : vector<1024x8xi32> to vector<1024x8xf32>
    %add3A_69 = arith.addf %convert_element_type3A_66, %convert_element_type3A_68 : vector<1024x8xf32>
    %iota3A_70 = tpu.iota {dimensions = array<i32: 0>} : vector<1024x1024xi32>
    %iota3A_71 = tpu.iota {dimensions = array<i32: 1>} : vector<1024x1024xi32>
    %gt3A = arith.cmpi sgt, %iota3A_70, %iota3A_71 : vector<1024x1024xi32>
    %convert_element_type3A_72 = arith.extui %gt3A : vector<1024x1024xi1> to vector<1024x1024xi32>
    %convert_element_type3A_73 = arith.sitofp %convert_element_type3A_72 : vector<1024x1024xi32> to vector<1024x1024xf32>
    %convert_element_type3A_74 = arith.truncf %convert_element_type3A_73 : vector<1024x1024xf32> to vector<1024x1024xbf16>
    %convert_element_type3A_75 = arith.truncf %add3A_69 : vector<1024x8xf32> to vector<1024x8xbf16>
    %dot_general3A_76 = arith.constant dense<0.000000e+00> : vector<1024x8xf32>
    %dot_general3A_77 = tpu.matmul %convert_element_type3A_74, %convert_element_type3A_75, %dot_general3A_76 {dimension_numbers = #tpu.dot_dimension_numbers<[1], [0], [0], [1], [0, 0, 1, 1], [], []>, transpose_lhs_hint = false} : vector<1024x1024xbf16>, vector<1024x8xbf16>, vector<1024x8xf32> -> vector<1024x8xf32>
    %get3A_78 = arith.constant 0 : index
    %get3A_79 = arith.constant 0 : index
    %get3A_80 = vector.load %arg7[%get3A_78, %get3A_79] : memref<1x8xf32, #tpu.memory_space<vmem>>, vector<1x8xf32>
    %add3A_81 = vector.broadcast %get3A_80 : vector<1x8xf32> to vector<1024x8xf32>
    %add3A_82 = arith.addf %dot_general3A_77, %add3A_81 : vector<1024x8xf32>
    %jit3A_83 = arith.constant 0.000000e+00 : f32
    %broadcast_in_dim3A_84 = vector.broadcast %jit3A_83 : f32 to vector<1024x8xf32>
    %select_n3A_85 = arith.select %slice3A_63, %add3A_82, %broadcast_in_dim3A_84 : vector<1024x8xi1>, vector<1024x8xf32>
    %reduce_sum3A = arith.constant dense<0.000000e+00> : vector<1024xf32>
    %reduce_sum3A_86 = vector.multi_reduction <add>, %select_n3A_85, %reduce_sum3A [1] : vector<1024x8xf32> to vector<1024xf32>
    %broadcast_in_dim3A_87 = vector.shape_cast %reduce_sum3A_86 : vector<1024xf32> to vector<1024x1xf32>
    %jit3A_88 = arith.constant 0.000000e+00 : f32
    %broadcast_in_dim3A_89 = vector.broadcast %jit3A_88 : f32 to vector<1024x8xf32>
    %select_n3A_90 = arith.select %slice3A_64, %add3A_82, %broadcast_in_dim3A_89 : vector<1024x8xi1>, vector<1024x8xf32>
    %reduce_sum3A_91 = arith.constant dense<0.000000e+00> : vector<1024xf32>
    %reduce_sum3A_92 = vector.multi_reduction <add>, %select_n3A_90, %reduce_sum3A_91 [1] : vector<1024x8xf32> to vector<1024xf32>
    %broadcast_in_dim3A_93 = vector.shape_cast %reduce_sum3A_92 : vector<1024xf32> to vector<1024x1xf32>
    %get3A_94 = arith.constant 0 : index
    %get3A_95 = arith.constant 0 : index
    %get3A_96 = vector.load %arg7[%get3A_94, %get3A_95] : memref<1x8xf32, #tpu.memory_space<vmem>>, vector<1x8xf32>
    %reduce_sum3A_97 = arith.constant dense<0.000000e+00> : vector<8xf32>
    %reduce_sum3A_98 = vector.multi_reduction <add>, %add3A_69, %reduce_sum3A_97 [0] : vector<1024x8xf32> to vector<8xf32>
    %broadcast_in_dim3A_99 = vector.shape_cast %reduce_sum3A_98 : vector<8xf32> to vector<1x8xf32>
    %add3A_100 = arith.addf %get3A_96, %broadcast_in_dim3A_99 : vector<1x8xf32>
    %swap3A_101 = arith.constant 0 : index
    %swap3A_102 = arith.constant 0 : index
    %swap3A_103 = vector.load %arg7[%swap3A_101, %swap3A_102] : memref<1x8xf32, #tpu.memory_space<vmem>>, vector<1x8xf32>
    tpu.vector_store %arg7[%swap3A_101, %swap3A_102], %add3A_100 {strides = array<i32>} : memref<1x8xf32, #tpu.memory_space<vmem>>, vector<1x8xf32>,
    %broadcast_in_dim3A_104 = arith.constant 0 : i32
    %broadcast_in_dim3A_105 = vector.broadcast %broadcast_in_dim3A_104 : i32 to vector<1024x2xi32>
    %convert_element_type3A_106 = arith.fptosi %broadcast_in_dim3A_87 : vector<1024x1xf32> to vector<1024x1xi32>
    %convert_element_type3A_107 = arith.fptosi %broadcast_in_dim3A_93 : vector<1024x1xf32> to vector<1024x1xi32>
    %bitcast_convert_type3A_108 = tpu.bitcast %logistic3A_56 : vector<1024x1xf32> -> vector<1024x1xi32>
    %bitcast_convert_type3A_109 = tpu.bitcast %logistic3A_62 : vector<1024x1xf32> -> vector<1024x1xi32>
    %concatenate3A = tpu.concatenate %broadcast_in_dim3A_33, %broadcast_in_dim3A_49, %convert_element_type3A_106, %convert_element_type3A_107, %bitcast_convert_type3A_108, %bitcast_convert_type3A_109, %broadcast_in_dim3A_105 in 1 : vector<1024x1xi32>, vector<1024x1xi32>, vector<1024x1xi32>, vector<1024x1xi32>, vector<1024x1xi32>, vector<1024x1xi32>, vector<1024x2xi32> -> vector<1024x8xi32>
    %swap3A_110 = arith.constant 0 : index
    %swap3A_111 = arith.constant 0 : index
    %swap3A_112 = vector.load %arg5[%swap3A_110, %swap3A_111] : memref<1024x8xi32, #tpu.memory_space<vmem>>, vector<1024x8xi32>
    tpu.vector_store %arg5[%swap3A_110, %swap3A_111], %concatenate3A {strides = array<i32>} : memref<1024x8xi32, #tpu.memory_space<vmem>>, vector<1024x8xi32>,
    %eq3A_113 = arith.constant 7 : i32
    %eq3A_114 = arith.cmpi eq, %arg0, %eq3A_113 : i32
    %convert_element_type3A_115 = arith.extui %eq3A_114 : i1 to i32
    %cond3A_116 = arith.constant 0 : i32
    %cond3A_117 = arith.cmpi ne, %convert_element_type3A_115, %cond3A_116 : i32
    scf.if %cond3A_117 {
      %get3A_118 = arith.constant 0 : index
      %get3A_119 = arith.constant 0 : index
      %get3A_120 = vector.load %arg7[%get3A_118, %get3A_119] : memref<1x8xf32, #tpu.memory_space<vmem>>, vector<1x8xf32>
      %div3A = arith.constant 2.560000e+02 : f32
      %div3A_121 = vector.broadcast %div3A : f32 to vector<1x8xf32>
      %div3A_122 = arith.divf %get3A_120, %div3A_121 : vector<1x8xf32>
      %ceil3A = math.ceil %div3A_122 : vector<1x8xf32>
      %mul3A = arith.constant 2.560000e+02 : f32
      %mul3A_123 = vector.broadcast %mul3A : f32 to vector<1x8xf32>
      %mul3A_124 = arith.mulf %ceil3A, %mul3A_123 : vector<1x8xf32>
      %iota3A_125 = tpu.iota {dimensions = array<i32: 0>} : vector<8x8xi32>
      %iota3A_126 = tpu.iota {dimensions = array<i32: 1>} : vector<8x8xi32>
      %lt3A = arith.cmpi slt, %iota3A_125, %iota3A_126 : vector<8x8xi32>
      %convert_element_type3A_127 = arith.extui %lt3A : vector<8x8xi1> to vector<8x8xi32>
      %convert_element_type3A_128 = arith.sitofp %convert_element_type3A_127 : vector<8x8xi32> to vector<8x8xf32>
      %dot_general3A_129 = arith.constant dense<0.000000e+00> : vector<1x8xf32>
      %dot_general3A_130 = tpu.matmul %mul3A_124, %convert_element_type3A_128, %dot_general3A_129 {dimension_numbers = #tpu.dot_dimension_numbers<[1], [0], [0], [1], [0, 0, 1, 1], [], []>, transpose_lhs_hint = false} : vector<1x8xf32>, vector<8x8xf32>, vector<1x8xf32> -> vector<1x8xf32>
      %convert_element_type3A_131 = arith.fptosi %dot_general3A_130 : vector<1x8xf32> to vector<1x8xi32>
      %broadcast_in_dim3A_132 = arith.constant 0 : i32
      %broadcast_in_dim3A_133 = vector.broadcast %broadcast_in_dim3A_132 : i32 to vector<1x8xi32>
      %concatenate3A_134 = tpu.concatenate %convert_element_type3A_131, %broadcast_in_dim3A_133 in 1 : vector<1x8xi32>, vector<1x8xi32> -> vector<1x16xi32>
      %swap3A_135 = arith.constant 0 : index
      %swap3A_136 = arith.constant 0 : index
      %swap3A_137 = vector.load %arg6[%swap3A_135, %swap3A_136] : memref<1x16xi32, #tpu.memory_space<vmem>>, vector<1x16xi32>
      tpu.vector_store %arg6[%swap3A_135, %swap3A_136], %concatenate3A_134 {strides = array<i32>} : memref<1x16xi32, #tpu.memory_space<vmem>>, vector<1x16xi32>,
    } else {
    }
    return
  }
  func.func @transform_0(%arg0: i32) -> (i32, i32) {
    %c0_i32 = arith.constant 0 : i32
    %c0_i32_0 = arith.constant 0 : i32
    return %arg0, %c0_i32 : i32, i32
  }
  func.func @transform_1(%arg0: i32) -> (i32, i32) {
    %c0_i32 = arith.constant 0 : i32
    %c0_i32_0 = arith.constant 0 : i32
    %c0_i32_1 = arith.constant 0 : i32
    return %c0_i32, %c0_i32_0 : i32, i32
  }
  func.func @transform_2(%arg0: i32) -> (i32, i32) {
    %c0_i32 = arith.constant 0 : i32
    %c0_i32_0 = arith.constant 0 : i32
    %c0_i32_1 = arith.constant 0 : i32
    return %c0_i32, %c0_i32_0 : i32, i32
  }
  func.func @transform_3(%arg0: i32) -> (i32, i32) {
    %c0_i32 = arith.constant 0 : i32
    %c0_i32_0 = arith.constant 0 : i32
    return %arg0, %c0_i32 : i32, i32
  }
  func.func @transform_4(%arg0: i32) -> (i32, i32) {
    %c0_i32 = arith.constant 0 : i32
    %c0_i32_0 = arith.constant 0 : i32
    return %arg0, %c0_i32 : i32, i32
  }
  func.func @transform_5(%arg0: i32) -> (i32, i32) {
    %c0_i32 = arith.constant 0 : i32
    %c0_i32_0 = arith.constant 0 : i32
    %c0_i32_1 = arith.constant 0 : i32
    return %c0_i32, %c0_i32_0 : i32, i32
  }
}

module attributes {stable_mosaic.version = 14 : i64} {
  func.func @_gmm_block(%arg0: i32, %arg1: memref<72xi32, #tpu.memory_space<smem>>, %arg2: memref<256x384xi32, #tpu.memory_space<vmem>>, %arg3: memref<1x768x768xbf16, #tpu.memory_space<vmem>>, %arg4: memref<1x1x768xf32, #tpu.memory_space<vmem>>, %arg5: memref<256x384xi32, #tpu.memory_space<vmem>>) attributes {dimension_semantics = [#tpu.dimension_semantics<arbitrary>], iteration_bounds = array<i64: 72>, scalar_prefetch = 1 : i64, scratch_operands = 0 : i64, tpu.core_type = #tpu.core_type<tc>, window_params = [{transform_indices = @transform_0, window_bounds = array<i64: 256, 384>}, {transform_indices = @transform_1, window_bounds = array<i64: 1, 768, 768>}, {transform_indices = @transform_2, window_bounds = array<i64: 1, 1, 768>}, {transform_indices = @transform_3, window_bounds = array<i64: 256, 384>}]} {
    %get3A = arith.constant 0 : index
    %get3A_0 = arith.constant 0 : index
    %get3A_1 = vector.load %arg2[%get3A, %get3A_0] : memref<256x384xi32, #tpu.memory_space<vmem>>, vector<256x384xi32>
    %shift_left3A = arith.constant 16 : i32
    %shift_left3A_2 = vector.broadcast %shift_left3A : i32 to vector<256x384xi32>
    %shift_left3A_3 = arith.shli %get3A_1, %shift_left3A_2 : vector<256x384xi32>
    %bitcast_convert_type3A = tpu.bitcast %shift_left3A_3 : vector<256x384xi32> -> vector<256x384xf32>
    %and3A = arith.constant -65536 : i32
    %and3A_4 = vector.broadcast %and3A : i32 to vector<256x384xi32>
    %and3A_5 = arith.andi %get3A_1, %and3A_4 : vector<256x384xi32>
    %bitcast_convert_type3A_6 = tpu.bitcast %and3A_5 : vector<256x384xi32> -> vector<256x384xf32>
    %concatenate3A = tpu.concatenate %bitcast_convert_type3A, %bitcast_convert_type3A_6 in 1 : vector<256x384xf32>, vector<256x384xf32> -> vector<256x768xf32>
    %convert_element_type3A = arith.truncf %concatenate3A : vector<256x768xf32> to vector<256x768xbf16>
    %get3A_7 = arith.constant 0 : index
    %get3A_8 = arith.constant 0 : index
    %get3A_9 = arith.constant 0 : index
    %get3A_10 = vector.load %arg3[%get3A_7, %get3A_8, %get3A_9] : memref<1x768x768xbf16, #tpu.memory_space<vmem>>, vector<1x768x768xbf16>
    %get3A_11 = vector.shape_cast %get3A_10 : vector<1x768x768xbf16> to vector<768x768xbf16>
    %dot_general3A = arith.constant dense<0.000000e+00> : vector<256x768xf32>
    %dot_general3A_12 = tpu.matmul %convert_element_type3A, %get3A_11, %dot_general3A {dimension_numbers = #tpu.dot_dimension_numbers<[1], [1], [0], [0], [0, 0, 1, 0], [], []>, transpose_lhs_hint = false} : vector<256x768xbf16>, vector<768x768xbf16>, vector<256x768xf32> -> vector<256x768xf32>
    %get3A_13 = arith.constant 0 : index
    %get3A_14 = arith.constant 0 : index
    %get3A_15 = arith.constant 0 : index
    %get3A_16 = vector.load %arg4[%get3A_13, %get3A_14, %get3A_15] : memref<1x1x768xf32, #tpu.memory_space<vmem>>, vector<1x1x768xf32>
    %get3A_17 = vector.shape_cast %get3A_16 : vector<1x1x768xf32> to vector<1x768xf32>
    %add3A = vector.broadcast %get3A_17 : vector<1x768xf32> to vector<256x768xf32>
    %add3A_18 = arith.addf %dot_general3A_12, %add3A : vector<256x768xf32>
    %bitcast_convert_type3A_19 = tpu.bitcast %add3A_18 : vector<256x768xf32> -> vector<256x768xi32>
    %add3A_20 = arith.constant 32767 : i32
    %add3A_21 = vector.broadcast %add3A_20 : i32 to vector<256x768xi32>
    %add3A_22 = arith.addi %bitcast_convert_type3A_19, %add3A_21 : vector<256x768xi32>
    %shift_right_logical3A = arith.constant 16 : i32
    %shift_right_logical3A_23 = vector.broadcast %shift_right_logical3A : i32 to vector<256x768xi32>
    %shift_right_logical3A_24 = arith.shrui %bitcast_convert_type3A_19, %shift_right_logical3A_23 : vector<256x768xi32>
    %and3A_25 = arith.constant 1 : i32
    %and3A_26 = vector.broadcast %and3A_25 : i32 to vector<256x768xi32>
    %and3A_27 = arith.andi %shift_right_logical3A_24, %and3A_26 : vector<256x768xi32>
    %add3A_28 = arith.addi %add3A_22, %and3A_27 : vector<256x768xi32>
    %slice3A = vector.extract_strided_slice %add3A_28 {offsets = [0, 0], sizes = [256, 384], strides = [1, 1]} : vector<256x768xi32> to vector<256x384xi32>
    %shift_right_logical3A_29 = arith.constant 16 : i32
    %shift_right_logical3A_30 = vector.broadcast %shift_right_logical3A_29 : i32 to vector<256x384xi32>
    %shift_right_logical3A_31 = arith.shrui %slice3A, %shift_right_logical3A_30 : vector<256x384xi32>
    %slice3A_32 = vector.extract_strided_slice %add3A_28 {offsets = [0, 384], sizes = [256, 384], strides = [1, 1]} : vector<256x768xi32> to vector<256x384xi32>
    %and3A_33 = arith.constant -65536 : i32
    %and3A_34 = vector.broadcast %and3A_33 : i32 to vector<256x384xi32>
    %and3A_35 = arith.andi %slice3A_32, %and3A_34 : vector<256x384xi32>
    %or3A = arith.ori %shift_right_logical3A_31, %and3A_35 : vector<256x384xi32>
    %swap3A = arith.constant 0 : index
    %swap3A_36 = arith.constant 0 : index
    %swap3A_37 = vector.load %arg5[%swap3A, %swap3A_36] : memref<256x384xi32, #tpu.memory_space<vmem>>, vector<256x384xi32>
    tpu.vector_store %arg5[%swap3A, %swap3A_36], %or3A {strides = array<i32>} : memref<256x384xi32, #tpu.memory_space<vmem>>, vector<256x384xi32>,
    return
  }
  func.func @transform_0(%arg0: i32, %arg1: memref<72xi32, #tpu.memory_space<smem>>) -> (i32, i32) {
    %c0_i32 = arith.constant 0 : i32
    %c0_i32_0 = arith.constant 0 : i32
    return %arg0, %c0_i32 : i32, i32
  }
  func.func @transform_1(%arg0: i32, %arg1: memref<72xi32, #tpu.memory_space<smem>>) -> (i32, i32, i32) {
    %get3A = arith.index_cast %arg0 : i32 to index
    %get3A_0 = memref.load %arg1[%get3A] : memref<72xi32, #tpu.memory_space<smem>>
    %c0_i32 = arith.constant 0 : i32
    %c0_i32_1 = arith.constant 0 : i32
    %c0_i32_2 = arith.constant 0 : i32
    return %get3A_0, %c0_i32, %c0_i32_1 : i32, i32, i32
  }
  func.func @transform_2(%arg0: i32, %arg1: memref<72xi32, #tpu.memory_space<smem>>) -> (i32, i32, i32) {
    %get3A = arith.index_cast %arg0 : i32 to index
    %get3A_0 = memref.load %arg1[%get3A] : memref<72xi32, #tpu.memory_space<smem>>
    %c0_i32 = arith.constant 0 : i32
    %c0_i32_1 = arith.constant 0 : i32
    %c0_i32_2 = arith.constant 0 : i32
    return %get3A_0, %c0_i32, %c0_i32_1 : i32, i32, i32
  }
  func.func @transform_3(%arg0: i32, %arg1: memref<72xi32, #tpu.memory_space<smem>>) -> (i32, i32) {
    %c0_i32 = arith.constant 0 : i32
    %c0_i32_0 = arith.constant 0 : i32
    return %arg0, %c0_i32 : i32, i32
  }
}

module attributes {stable_mosaic.version = 14 : i64} {
  func.func @_comb_block(%arg0: i32, %arg1: memref<512x384xi32, #tpu.memory_space<vmem>>, %arg2: memref<512x384xi32, #tpu.memory_space<vmem>>, %arg3: memref<512x8xi32, #tpu.memory_space<vmem>>, %arg4: memref<512x768xf32, #tpu.memory_space<vmem>>) attributes {dimension_semantics = [#tpu.dimension_semantics<arbitrary>], iteration_bounds = array<i64: 16>, scalar_prefetch = 0 : i64, scratch_operands = 0 : i64, tpu.core_type = #tpu.core_type<tc>, window_params = [{transform_indices = @transform_0, window_bounds = array<i64: 512, 384>}, {transform_indices = @transform_1, window_bounds = array<i64: 512, 384>}, {transform_indices = @transform_2, window_bounds = array<i64: 512, 8>}, {transform_indices = @transform_3, window_bounds = array<i64: 512, 768>}]} {
    %get3A = arith.constant 0 : index
    %get3A_0 = arith.constant 0 : index
    %get3A_1 = vector.load %arg3[%get3A, %get3A_0] : memref<512x8xi32, #tpu.memory_space<vmem>>, vector<512x8xi32>
    %slice3A = vector.extract_strided_slice %get3A_1 {offsets = [0, 4], sizes = [512, 1], strides = [1, 1]} : vector<512x8xi32> to vector<512x1xi32>
    %bitcast_convert_type3A = tpu.bitcast %slice3A : vector<512x1xi32> -> vector<512x1xf32>
    %slice3A_2 = vector.extract_strided_slice %get3A_1 {offsets = [0, 5], sizes = [512, 1], strides = [1, 1]} : vector<512x8xi32> to vector<512x1xi32>
    %bitcast_convert_type3A_3 = tpu.bitcast %slice3A_2 : vector<512x1xi32> -> vector<512x1xf32>
    %get3A_4 = arith.constant 0 : index
    %get3A_5 = arith.constant 0 : index
    %get3A_6 = vector.load %arg1[%get3A_4, %get3A_5] : memref<512x384xi32, #tpu.memory_space<vmem>>, vector<512x384xi32>
    %shift_left3A = arith.constant 16 : i32
    %shift_left3A_7 = vector.broadcast %shift_left3A : i32 to vector<512x384xi32>
    %shift_left3A_8 = arith.shli %get3A_6, %shift_left3A_7 : vector<512x384xi32>
    %bitcast_convert_type3A_9 = tpu.bitcast %shift_left3A_8 : vector<512x384xi32> -> vector<512x384xf32>
    %and3A = arith.constant -65536 : i32
    %and3A_10 = vector.broadcast %and3A : i32 to vector<512x384xi32>
    %and3A_11 = arith.andi %get3A_6, %and3A_10 : vector<512x384xi32>
    %bitcast_convert_type3A_12 = tpu.bitcast %and3A_11 : vector<512x384xi32> -> vector<512x384xf32>
    %concatenate3A = tpu.concatenate %bitcast_convert_type3A_9, %bitcast_convert_type3A_12 in 1 : vector<512x384xf32>, vector<512x384xf32> -> vector<512x768xf32>
    %mul3A = vector.broadcast %bitcast_convert_type3A : vector<512x1xf32> to vector<512x768xf32>
    %mul3A_13 = arith.mulf %mul3A, %concatenate3A : vector<512x768xf32>
    %get3A_14 = arith.constant 0 : index
    %get3A_15 = arith.constant 0 : index
    %get3A_16 = vector.load %arg2[%get3A_14, %get3A_15] : memref<512x384xi32, #tpu.memory_space<vmem>>, vector<512x384xi32>
    %shift_left3A_17 = arith.constant 16 : i32
    %shift_left3A_18 = vector.broadcast %shift_left3A_17 : i32 to vector<512x384xi32>
    %shift_left3A_19 = arith.shli %get3A_16, %shift_left3A_18 : vector<512x384xi32>
    %bitcast_convert_type3A_20 = tpu.bitcast %shift_left3A_19 : vector<512x384xi32> -> vector<512x384xf32>
    %and3A_21 = arith.constant -65536 : i32
    %and3A_22 = vector.broadcast %and3A_21 : i32 to vector<512x384xi32>
    %and3A_23 = arith.andi %get3A_16, %and3A_22 : vector<512x384xi32>
    %bitcast_convert_type3A_24 = tpu.bitcast %and3A_23 : vector<512x384xi32> -> vector<512x384xf32>
    %concatenate3A_25 = tpu.concatenate %bitcast_convert_type3A_20, %bitcast_convert_type3A_24 in 1 : vector<512x384xf32>, vector<512x384xf32> -> vector<512x768xf32>
    %mul3A_26 = vector.broadcast %bitcast_convert_type3A_3 : vector<512x1xf32> to vector<512x768xf32>
    %mul3A_27 = arith.mulf %mul3A_26, %concatenate3A_25 : vector<512x768xf32>
    %add3A = arith.addf %mul3A_13, %mul3A_27 : vector<512x768xf32>
    %swap3A = arith.constant 0 : index
    %swap3A_28 = arith.constant 0 : index
    %swap3A_29 = vector.load %arg4[%swap3A, %swap3A_28] : memref<512x768xf32, #tpu.memory_space<vmem>>, vector<512x768xf32>
    tpu.vector_store %arg4[%swap3A, %swap3A_28], %add3A {strides = array<i32>} : memref<512x768xf32, #tpu.memory_space<vmem>>, vector<512x768xf32>,
    return
  }
  func.func @transform_0(%arg0: i32) -> (i32, i32) {
    %c0_i32 = arith.constant 0 : i32
    %c0_i32_0 = arith.constant 0 : i32
    return %arg0, %c0_i32 : i32, i32
  }
  func.func @transform_1(%arg0: i32) -> (i32, i32) {
    %c0_i32 = arith.constant 0 : i32
    %c0_i32_0 = arith.constant 0 : i32
    return %arg0, %c0_i32 : i32, i32
  }
  func.func @transform_2(%arg0: i32) -> (i32, i32) {
    %c0_i32 = arith.constant 0 : i32
    %c0_i32_0 = arith.constant 0 : i32
    return %arg0, %c0_i32 : i32, i32
  }
  func.func @transform_3(%arg0: i32) -> (i32, i32) {
    %c0_i32 = arith.constant 0 : i32
    %c0_i32_0 = arith.constant 0 : i32
    return %arg0, %c0_i32 : i32, i32
  }
}

</mosaic_0001>

<sc_bundles>
// kernel: kernel.11.cloned.1.call-start
scs
__scs_entry_jumppad:
0x0: {  	(pc) =	sbr.rel $0x88, $3  }
0x1: {  	(tag) =	ssettag $0x0;
	lr =	simm.s32 $0x1  }
0x2: {  	[smem:$0x3F9C] =	sst lr;
	_ =	strace $0xD0000000  }
0x3: {  	_ = 	snop  }
0x4: {  	_ = 	snop  }
0x5: {  	_ = 	snop  }
0x6: {  	_ = 	snop  }
0x7: {  	_ = 	snop  }
__scs_overlays_trampoline_lowered:
0x8: {  	[smem:$0x3FAB] =	sst s0  }
0x9: {  	[smem:$0x3FAC] =	sst s1  }
0xa: {  	[smem:$0x3FAD] =	sst s2  }
0xb: {  	[smem:$0x3FAE] =	sst s3  }
0xc: {  	[smem:$0x3FAF] =	sst s4  }
0xd: {  	[smem:$0x3FB0] =	sst s5  }
0xe: {  	[smem:$0x3FB1] =	sst s6  }
0xf: {  	[smem:$0x3FB2] =	sst s7  }
0x10: {  	[smem:$0x3FB3] =	sst s8  }
0x11: {  	[smem:$0x3FB4] =	sst s9;
	s0 =	simm.s32 @!p0 $0x0  }
0x12: {  	s1 =	sld [smem:$0x3F9A];
	s0 =	simm.s32 @p0 $0x1  }
0x13: {  	[smem:$0x3FB5] =	sst s0;
	s0 =	simm.s32 @!p1 $0x0  }
0x14: {  	s2 =	sld [smem:$0x3F99];
	s0 =	simm.s32 @p1 $0x1  }
0x15: {  	[smem:$0x3FB6] =	sst s0;
	s0 =	simm.s32 @!p2 $0x0  }
0x16: {  	s3 =	sld [smem:$0x3FDB];
	s0 =	simm.s32 @p2 $0x1  }
0x17: {  	s4 =	simm.s32 $0x1BF5;
	[smem:$0x3FB8] =	sst s0  }
0x18: {  	s0 =	sld [smem:$0x3F9B];
	_ =	swait.ge [sflag:s4], $0x0  }
0x19: {  	s7 =	sld [smem:$0x3F9C]  }
0x1a: {  	s8 =	sadd.s32 $0xFFFFE003, lr  }
0x1b: {  	s9 =	sadd.s32 $0xFFFFFEF7, lr;
	s5 =	simm.s32 $0xFFFFFFFF;
	p2 =	slt.u32 s8, $0xFFFFF086  }
0x1c: {  	p1 =	slt.u32 s9, $0xF7A;
	s5 =	simm.s32 @!p2 $0x0  }
0x1d: {  	s5 =	simm.s32 @p1 $0x1;
	p0 =	seq.s32 s7, s2  }
0x1e: {  	s7 =	smul.u32 @!p0 $0xF7A, s2;
	p2 =	seq.s32 @!p0 s5, $0x0  }
0x1f: {  	s9 =	smul.u32 $0xF7A, s1;
	s8 =	simm.s32 @!p0 $0x1BF5;
	p2 =	por !p2, p0  }
0x20: {  	[sflag:s8] =	ssyncset.s32 @!p0 $0xFFFFF086;
	s6 =	sadd.s32 @!p0 s3, s7;
	s7 =	simm.s32 @!p0 $0x108  }
0x21: {  	s3 =	sadd.s32 s3, s9;
	s6 =	sadd.s32 @!p0 $0x88, s6;
	s7 =	simm.s32 @p2 $0x1082  }
0x22: {  	[simem:s7], [sflag:s8] =	dma.local @!p0 [hbm:s6], $0xF7A  }
0x23: {  	s9 =	sor.u32 $0xD0000000, s2;
	s6 =	simm.s32 $0x108;
	_ =	swait.ge @!p0 [sflag:s8], $0x0  }
0x24: {  	s3 =	sadd.s32 $0x88, s3;
	s6 =	simm.s32 @!p1 $0x1082;
	[sflag:s4] =	ssyncset.s32 $0xFFFFF086  }
0x25: {  	[simem:s6], [sflag:s4] =	dma.local [hbm:s3], $0xF7A  }
0x26: {  	[smem:$0x3F9C] =	sst s1;
	(tag) =	ssettag s2;
	_ =	strace s9  }
0x27: {  	s1 =	sld [smem:$0x3FAC]  }
0x28: {  	s2 =	sld [smem:$0x3FAD]  }
0x29: {  	s4 =	sld [smem:$0x3FAF]  }
0x2a: {  	p0 =	seq.s32 s5, $0x0;
	s5 =	sld [smem:$0x3FB0]  }
0x2b: {  	s6 =	sld [smem:$0x3FB1]  }
0x2c: {  	s7 =	sld [smem:$0x3FB2]  }
0x2d: {  	s3 =	simm.s32 $0x108;
	s8 =	sld [smem:$0x3FB3]  }
0x2e: {  	s3 =	simm.s32 @!p0 $0x1082;
	s9 =	sld [smem:$0x3FB4]  }
0x2f: {  	lr =	sadd.s32 s0, s3;
	s0 =	sld [smem:$0x3FAB]  }
0x30: {  	s3 =	sld [smem:$0x3FAE]  }
0x31: {  	[smem:$0x3FB7] =	sst s10  }
0x32: {  	s10 =	sld [smem:$0x3FB5];
	_ =	sdelay $0x3  }
0x33: {  	p0 =	seq.s32 s10, $0x1;
	s10 =	sld [smem:$0x3FB7];
	_ =	sdelay $0x3  }
0x34: {  	[smem:$0x3FB7] =	sst s10  }
0x35: {  	s10 =	sld [smem:$0x3FB6];
	_ =	sdelay $0x3  }
0x36: {  	p1 =	seq.s32 s10, $0x1;
	s10 =	sld [smem:$0x3FB7];
	_ =	sdelay $0x3  }
0x37: {  	[smem:$0x3FB7] =	sst s10  }
0x38: {  	s10 =	sld [smem:$0x3FB8]  }
0x39: {  	_ = 	snop;
	(pc) =	sbr.ind lr, $3  }
0x3a: {  	_ = 	snop  }
0x3b: {  	_ = 	snop  }
0x3c: {  	p2 =	seq.s32 s10, $0x1;
	s10 =	sld [smem:$0x3FB7]  }
0x3d: {  	_ =	shalt  }
0x3e: {  	_ =	shalt  }
0x3f: {  	_ =	shalt  }
0x40: {  	_ =	shalt  }
0x41: {  	_ =	shalt  }
0x42: {  	_ =	shalt  }
0x43: {  	_ =	shalt  }
0x44: {  	_ =	shalt  }
0x45: {  	_ =	shalt  }
0x46: {  	_ =	shalt  }
0x47: {  	_ =	shalt  }
0x48: {  	_ =	shalt  }
0x49: {  	_ =	shalt  }
0x4a: {  	_ =	shalt  }
0x4b: {  	_ =	shalt  }
0x4c: {  	_ =	shalt  }
0x4d: {  	_ =	shalt  }
0x4e: {  	_ =	shalt  }
0x4f: {  	_ =	shalt  }
0x50: {  	_ =	shalt  }
0x51: {  	_ =	shalt  }
0x52: {  	_ =	shalt  }
0x53: {  	_ =	shalt  }
0x54: {  	_ =	shalt  }
0x55: {  	_ =	shalt  }
0x56: {  	_ =	shalt  }
0x57: {  	_ =	shalt  }
0x58: {  	_ =	shalt  }
0x59: {  	_ =	shalt  }
0x5a: {  	_ =	shalt  }
0x5b: {  	_ =	shalt  }
0x5c: {  	_ =	shalt  }
0x5d: {  	_ =	shalt  }
0x5e: {  	_ =	shalt  }
0x5f: {  	_ =	shalt  }
0x60: {  	_ =	shalt  }
0x61: {  	_ =	shalt  }
0x62: {  	_ =	shalt  }
0x63: {  	_ =	shalt  }
0x64: {  	_ =	shalt  }
0x65: {  	_ =	shalt  }
0x66: {  	_ =	shalt  }
0x67: {  	_ =	shalt  }
0x68: {  	_ =	shalt  }
0x69: {  	_ =	shalt  }
0x6a: {  	_ =	shalt  }
0x6b: {  	_ =	shalt  }
0x6c: {  	_ =	shalt  }
0x6d: {  	_ =	shalt  }
0x6e: {  	_ =	shalt  }
0x6f: {  	_ =	shalt  }
0x70: {  	_ =	shalt  }
0x71: {  	_ =	shalt  }
0x72: {  	_ =	shalt  }
0x73: {  	_ =	shalt  }
0x74: {  	_ =	shalt  }
0x75: {  	_ =	shalt  }
0x76: {  	_ =	shalt  }
0x77: {  	_ =	shalt  }
0x78: {  	_ =	shalt  }
0x79: {  	_ =	shalt  }
0x7a: {  	_ =	shalt  }
0x7b: {  	_ =	shalt  }
0x7c: {  	_ =	shalt  }
0x7d: {  	_ =	shalt  }
0x7e: {  	_ =	shalt  }
0x7f: {  	_ =	shalt  }
0x80: {  	_ =	shalt  }
0x81: {  	_ =	shalt  }
0x82: {  	_ =	shalt  }
0x83: {  	_ =	shalt  }
0x84: {  	_ =	shalt  }
0x85: {  	_ =	shalt  }
0x86: {  	_ =	shalt  }
0x87: {  	_ =	shalt  }
.Lfunc_end0:
.L_simem_size_0:
called_computation.1_lowered:
.L_overlay_start_0:
0x88: {  	s2 =	sld [smem:$0x3FD9]  }
0x89: {  	s3 =	sld [smem:$0x3FFE];
	_ =	sdelay $0x1  }
0x8a: {  	s1 =	srdreg.scid  }
0x8b: {  	s0 =	sand.u32 $0x1, s1  }
0x8c: {  	s17 =	sshll.u32 s0, $0xA;
	s2 =	sadd.s32 s3, s2  }
0x8d: {  	s2 =	sadd.s32 s2, s17  }
0x8e: {  	[smem:$0x3FC3] =	sst s2  }
0x8f: {  	_ = 	snop  }
0x90: {  	s2 =	sld [smem:$0x3FD0];
	(tm) =	ssettm $0x1  }
0x91: {  	s18 =	sld [smem:$0x3FFB];
	_ =	sdelay $0x3  }
0x92: {  	_ =	strace s18  }
0x93: {  	s3 =	sld [smem:$0x3FFC];
	_ =	sdelay $0x3  }
0x94: {  	_ =	strace s3  }
0x95: {  	s3 =	sld [smem:$0x3FFD];
	_ =	sdelay $0x3  }
0x96: {  	_ =	strace s3  }
0x97: {  	_ =	strace $0x8FFFFFFF  }
0x98: {  	s19 =	sld [smem:$0x3FDB];
	_ =	sdelay $0x1  }
0x99: {  	s4 =	simm.s32 $_scs_section_size  }
0x9a: {  	s5 =	simm.s32 $_size__tile_overlayer_lowered;
	s6 =	simm.s32 $_tile_overlayer_lowered  }
0x9b: {  	s22 =	simm.s32 $0x1BFF;
	s21 =	sshll.u32 s6, $0x1;
	s3 =	sadd.s32 s4, s19  }
0x9c: {  	s7 =	simm.s32 $0x0;
	s20 =	sshll.u32 s5, $0x1;
	s5 =	sadd.s32 s21, s3  }
0x9d: {  	[timem:s7], [sflag:s22] =	dma.local [hbm:s5], s20  }
0x9e: {  	_ =	swait.ge [sflag:s22], s20  }
0x9f: {  	s4 =	ssub.s32 $0x0, s20;
	[sflag:s22] =	ssyncset.done $0x0  }
0xa0: {  	[sflag:s22] =	ssyncadd.s32 s4;
	_ =	sdelay $0x1  }
0xa1: {  	s23 =	simm.s32 $0x1B8B  }
0xa2: {  	_ =	swait.ge [sflag:s23], $0x1  }
0xa3: {  	[sflag:s23] =	ssyncset.done $0x0  }
0xa4: {  	s25 =	simm.s32 $0x1B8E;
	s24 =	sld [smem:$0x3FFE];
	[sflag:s23] =	ssyncadd.s32 $0xFFFFFFFF  }
0xa5: {  	s26 =	simm.s32 $execute0_lowered;
	[smem:$0x3FD2] =	sst s25  }
0xa6: {  	s5 =	sshll.u32 s26, $0x1;
	_ =	strace $0x80000049;
	[dreg:$0x1] =	wrdreg $0xFFFFFFFF  }
0xa7: {  	s28 =	simm.s32 $_size_execute0_lowered;
	s3 =	sadd.s32 s3, s5;
	[dreg:$0x0] =	wrdreg $0x0  }
0xa8: {  	s5 =	sshll.u32 s28, $0x1;
	[dreg:$0x2] =	wrdreg s3  }
0xa9: {  	[dreg:$0x3] =	wrdreg s5  }
0xaa: {  	[dreg:$0x4] =	wrdreg $0xC0  }
0xab: {  	_ =	task [dreg:s7], $0x5FFFF  }
0xac: {  	[dreg:$0x1] =	wrdreg $0xFFFFFFFF  }
0xad: {  	[dreg:$0x0] =	wrdreg $0x60  }
0xae: {  	[dreg:$0x2] =	wrdreg s24  }
0xaf: {  	[dreg:$0x3] =	wrdreg s2  }
0xb0: {  	[dreg:$0x4] =	wrdreg $0x9  }
0xb1: {  	_ =	task.clear_ibuf [dreg:s7], $0x5FFFF;
	_ =	strace $0x90000049  }
0xb2: {  	s29 =	simm.s32 $0x9;
	_ =	strace $0x8000004B  }
0xb3: {  	_ =	swait.ge [sflag:s29], $0x1  }
0xb4: {  	[sflag:s29] =	ssyncadd.s32 $0xFFFFFFFF  }
0xb5: {  	_ =	strace $0x9000004B  }
0xb6: {  	_ =	sfence  }
0xb7: {  	s30 =	sld [smem:$0x0];
	_ =	sdelay $0x2  }
0xb8: {  	s31 =	sshll.u32 s1, $0xD;
	s1 =	sshrl.u32 s1, $0x2  }
0xb9: {  	s3 =	sand.u32 $0x4000, s31;
	s1 =	sadd.s32 s1, s30  }
0xba: {  	s0 =	sor.u32 s3, s0;
	s1 =	sshll.u32 s1, $0x11  }
0xbb: {  	s0 =	sor.u32 s1, s0  }
0xbc: {  	s0 =	sadd.s32 $0x8F2B, s0  }
0xbd: {  	[sflag:s0] =	ssyncadd.remote.s32 $0x1  }
0xbe: {  	_ =	sfence.sel $0xFFFF  }
0xbf: {  	[dreg:$0x0] =	wrdreg $0xFFFFFFFF;
	(pc) =	sbr.abs _section_cstart, $3  }
0xc0: {  	[dreg:$0x1] =	wrdreg $0xFFFFFFFF  }
0xc1: {  	_ =	task.clear_ibuf [dreg:s7], $0x2FFFF;
	_ =	strace $0x9FFFFFFF  }
0xc2: {  	(tm) =	ssettm $0x7FFFFFFF  }
0xc3: {  	_ =	shalt  }
tec
execute0_lowered:
.L_overlay_start_1:
0x0: {  	(tag) =	ssettag $0x1  }
0x1: {  	s0 =	rddreg [dreg:$0x0]  }
0x2: {  	s1 =	rddreg [dreg:$0x1]  }
0x3: {  	s2 =	srdreg.scid;
	s6 =	stileid.u32;
	s26 =	simm.s32 $0x200  }
0x4: {  	s28 =	simm.s32 $0x8400;
	s29 =	simm.s32 $0x8800;
	s30 =	simm.s32 $0x9000  }
0x5: {  	s31 =	simm.s32 $0x9400;
	s10 =	simm.s32 $0x6;
	s4 =	sand.u32 $0x1, s2  }
0x6: {  	s2 =	simm.s32 $0x0;
	s3 =	sshll.u32 s6, $0x7;
	s13 =	sshll.u32 s6, $0x1  }
0x7: {  	s9 =	sadd.s32 $0x3000, s0;
	s5 =	sshll.u32 s4, $0x6;
	[smem:$0x7FF] =	sst s2  }
0x8: {  	s3 =	sor.u32 s5, s3;
	_ =	strace $0x8000004A;
	s5 =	sor.u32 s4, s13  }
0x9: {  	s4 =	ssub.s32 $0x2, s4;
	[dreg:$0xd] =	wrdreg s26;
	s26 =	simm.s32 $0x7C00  }
0xa: {  	s14 =	sadd.s32 s3, s0;
	s3 =	sadd.s32 $0xDB000, s0;
	s8 =	smul.u32 $0x3000, s5  }
0xb: {  	s5 =	smul.u32 $0x18000, s5;
	s23 =	sshrl.u32 s4, $0x1;
	s7 =	sadd.s32 $0x2000, s14  }
0xc: {  	s6 =	sadd.s32 $0x2800, s14;
	s24 =	ssub.s32 s4, s23;
	[dreg:$0x3] =	wrdreg s7  }
0xd: {  	s4 =	sadd.s32 $0xDB100, s0;
	s23 =	simm.s32 $0x7000;
	[dreg:$0x4] =	wrdreg s6  }
0xe: {  	s15 =	sadd.s32 s1, s8;
	s16 =	sadd.s32 s9, s8;
	s17 =	sor.u32 $0xC00, s8  }
0xf: {  	s5 =	sshrl.u32 s5, $0x3;
	s7 =	simm.s32 $0xC400;
	[dreg:$0x5] =	wrdreg s15  }
0x10: {  	s6 =	simm.s32 $0x12400;
	[dreg:$0x6] =	wrdreg s16;
	s18 =	sadd.s32 s1, s17  }
0x11: {  	s19 =	sadd.s32 s9, s17;
	s20 =	sadd.s32 $0x1800, s5;
	s5 =	sadd.s32 $0x2400, s5  }
0x12: {  	s16 =	smax.u32 s24, $0x1;
	s17 =	simm.s32 $0x3000;
	[dreg:$0x7] =	wrdreg s18  }
0x13: {  	s24 =	simm.s32 $0x6C00;
	[dreg:$0x8] =	wrdreg s19;
	s21 =	sadd.s32 s1, s20  }
0x14: {  	s22 =	sadd.s32 s9, s20;
	s1 =	sadd.s32 s1, s5;
	[dreg:$0x9] =	wrdreg s21  }
0x15: {  	s25 =	sadd.s32 s9, s5;
	s18 =	simm.s32 $0x3400;
	[dreg:$0xa] =	wrdreg s22  }
0x16: {  	v2 =	vlaneseq.u32;
	s19 =	simm.s32 $0x3C00;
	s20 =	simm.s32 $0x4000;
	[dreg:$0xb] =	wrdreg s1  }
0x17: {  	vm0 =	vmmov $0xffff;
	vm1 =	vmmov $0xff;
	v1 =	vshrl.u32 v2, $0x3;
	s5 =	simm.s32 $0x5;
	[dreg:$0xc] =	wrdreg s25;
	s21 =	simm.s32 $0x4800  }
0x18: {  	v0 =	vand.u32 $0x7, v2;
	v2 =	vor.u32 $0x8, v2;
	v1 =	vmul.u32 $0x8, v1;
	s22 =	simm.s32 $0x4C00;
	s25 =	simm.s32 $0x7800;
	s1 =	simm.s32 $0x2  }
.LBB2_1:
0x19: {  	s8 =	rddreg [dreg:$0x3];
	s0 =	simm.s32 $0x9  }
0x1a: {  	[tilespmem:s2], [sflag:$0x9] =	stream.linear.gather [hbm4b:s8+s2], $0x200, $0x38;
	[tilespmem:$0x18400] =	vst v63  }
0x1b: {  	_ =	swait.ge [sflag:s0], $0x200  }
0x1c: {  	s12 =	rddreg [dreg:$0x4];
	[sflag:s0] =	ssyncset.done $0x0  }
0x1d: {  	s9 =	rddreg [dreg:$0xd];
	[sflag:s0] =	ssyncadd.s32 $0xFFFFFE00  }
0x1e: {  	[tilespmem:s9], [sflag:$0x9] =	stream.linear.gather [hbm4b:s12+s2], $0x200, $0x38;
	[tilespmem:$0x18400] =	vst v63  }
0x1f: {  	_ =	swait.ge [sflag:s0], $0x200  }
0x20: {  	[sflag:s0] =	ssyncset.done $0x0  }
0x21: {  	[sflag:s0] =	ssyncadd.s32 $0xFFFFFE00  }
0x22: {  	v3 =	vld [tilespmem:$0x0];
	_ =	sdelay $0x4  }
0x23: {  	v4 =	vshrl.u32 v3, $0x3  }
0x24: {  	v4 =	vmul.u32 $0x18, v4  }
0x25: {  	v3 =	vand.u32 $0x7, v3  }
0x26: {  	v3 =	vor.u32 v3, v4  }
0x27: {  	v4 =	vperm.xlane v3, v0;
	_ =	sdelay $0x1  }
0x28: {  	v4 =	vadd.s32 v1, v4;
	_ =	sdelay $0x1  }
0x29: {  	v3 =	vperm.xlane v3, v2;
	_ =	sdelay $0x1  }
0x2a: {  	s13 =	simm.s32 $0x400;
	v3 =	vadd.s32 v1, v3  }
0x2b: {  	[tilespmem:s13], [sflag:$0x1] =	stream.indirect_vreg.gather [hbm4b:s3+s2], $0x80, v4, vm0, $0xb8;
	[tilespmem:$0x18400] =	vst v63  }
0x2c: {  	s14 =	simm.s32 $0xC00  }
0x2d: {  	[tilespmem:s14], [sflag:$0x1] =	stream.indirect_vreg.gather [hbm4b:s4+s2], $0x80, v4, vm1, $0xb8;
	[tilespmem:$0x18400] =	vst v63  }
0x2e: {  	s15 =	simm.s32 $0x1000  }
0x2f: {  	[tilespmem:s15], [sflag:$0x1] =	stream.indirect_vreg.gather [hbm4b:s3+s2], $0x80, v3, vm0, $0xb8;
	[tilespmem:$0x18400] =	vst v63  }
0x30: {  	s12 =	simm.s32 $0x1800  }
0x31: {  	[tilespmem:s12], [sflag:$0x1] =	stream.indirect_vreg.gather [hbm4b:s4+s2], $0x80, v3, vm1, $0xb8;
	[tilespmem:$0x18400] =	vst v63  }
0x32: {  	v3 =	vld [tilespmem:$0x10];
	_ =	sdelay $0x4  }
0x33: {  	v33 =	vshrl.u32 v3, $0x3  }
0x34: {  	v4 =	vmul.u32 $0x18, v33  }
0x35: {  	v3 =	vand.u32 $0x7, v3  }
0x36: {  	v3 =	vor.u32 v3, v4  }
0x37: {  	v4 =	vperm.xlane v3, v0;
	_ =	sdelay $0x1  }
0x38: {  	v4 =	vadd.s32 v1, v4;
	_ =	sdelay $0x1  }
0x39: {  	v3 =	vperm.xlane v3, v2;
	_ =	sdelay $0x1  }
0x3a: {  	s13 =	simm.s32 $0x1C00;
	v3 =	vadd.s32 v1, v3  }
0x3b: {  	[tilespmem:s13], [sflag:$0x1] =	stream.indirect_vreg.gather [hbm4b:s3+s2], $0x80, v4, vm0, $0xb8;
	[tilespmem:$0x18400] =	vst v63  }
0x3c: {  	s15 =	simm.s32 $0x2400  }
0x3d: {  	[tilespmem:s15], [sflag:$0x1] =	stream.indirect_vreg.gather [hbm4b:s4+s2], $0x80, v4, vm1, $0xb8;
	[tilespmem:$0x18400] =	vst v63  }
0x3e: {  	s8 =	simm.s32 $0x2800  }
0x3f: {  	[tilespmem:s8], [sflag:$0x1] =	stream.indirect_vreg.gather [hbm4b:s3+s2], $0x80, v3, vm0, $0xb8;
	[tilespmem:$0x18400] =	vst v63  }
0x40: {  	_ = 	snop  }
0x41: {  	[tilespmem:s17], [sflag:$0x1] =	stream.indirect_vreg.gather [hbm4b:s4+s2], $0x80, v3, vm1, $0xb8;
	[tilespmem:$0x18400] =	vst v63  }
0x42: {  	v3 =	vld [tilespmem:$0x20];
	_ =	sdelay $0x4  }
0x43: {  	v34 =	vshrl.u32 v3, $0x3  }
0x44: {  	v4 =	vmul.u32 $0x18, v34  }
0x45: {  	v3 =	vand.u32 $0x7, v3  }
0x46: {  	v3 =	vor.u32 v3, v4  }
0x47: {  	v4 =	vperm.xlane v3, v0;
	_ =	sdelay $0x1  }
0x48: {  	v4 =	vadd.s32 v1, v4;
	_ =	sdelay $0x1  }
0x49: {  	v3 =	vperm.xlane v3, v2;
	_ =	sdelay $0x1  }
0x4a: {  	v3 =	vadd.s32 v1, v3  }
0x4b: {  	[tilespmem:s18], [sflag:$0x1] =	stream.indirect_vreg.gather [hbm4b:s3+s2], $0x80, v4, vm0, $0xb8;
	[tilespmem:$0x18400] =	vst v63  }
0x4c: {  	_ = 	snop  }
0x4d: {  	[tilespmem:s19], [sflag:$0x1] =	stream.indirect_vreg.gather [hbm4b:s4+s2], $0x80, v4, vm1, $0xb8;
	[tilespmem:$0x18400] =	vst v63  }
0x4e: {  	_ = 	snop  }
0x4f: {  	[tilespmem:s20], [sflag:$0x1] =	stream.indirect_vreg.gather [hbm4b:s3+s2], $0x80, v3, vm0, $0xb8;
	[tilespmem:$0x18400] =	vst v63  }
0x50: {  	_ = 	snop  }
0x51: {  	[tilespmem:s21], [sflag:$0x1] =	stream.indirect_vreg.gather [hbm4b:s4+s2], $0x80, v3, vm1, $0xb8;
	[tilespmem:$0x18400] =	vst v63  }
0x52: {  	v3 =	vld [tilespmem:$0x30];
	_ =	sdelay $0x4  }
0x53: {  	v35 =	vshrl.u32 v3, $0x3  }
0x54: {  	v4 =	vmul.u32 $0x18, v35  }
0x55: {  	v3 =	vand.u32 $0x7, v3  }
0x56: {  	v3 =	vor.u32 v3, v4  }
0x57: {  	v4 =	vperm.xlane v3, v0;
	_ =	sdelay $0x1  }
0x58: {  	v4 =	vadd.s32 v1, v4;
	_ =	sdelay $0x1  }
0x59: {  	v3 =	vperm.xlane v3, v2;
	_ =	sdelay $0x1  }
0x5a: {  	v3 =	vadd.s32 v1, v3  }
0x5b: {  	[tilespmem:s22], [sflag:$0x1] =	stream.indirect_vreg.gather [hbm4b:s3+s2], $0x80, v4, vm0, $0xb8;
	[tilespmem:$0x18400] =	vst v63  }
0x5c: {  	s9 =	simm.s32 $0x5400  }
0x5d: {  	[tilespmem:s9], [sflag:$0x1] =	stream.indirect_vreg.gather [hbm4b:s4+s2], $0x80, v4, vm1, $0xb8;
	[tilespmem:$0x18400] =	vst v63  }
0x5e: {  	s14 =	simm.s32 $0x5800  }
0x5f: {  	[tilespmem:s14], [sflag:$0x1] =	stream.indirect_vreg.gather [hbm4b:s3+s2], $0x80, v3, vm0, $0xb8;
	[tilespmem:$0x18400] =	vst v63  }
0x60: {  	s11 =	simm.s32 $0x6000  }
0x61: {  	[tilespmem:s11], [sflag:$0x1] =	stream.indirect_vreg.gather [hbm4b:s4+s2], $0x80, v3, vm1, $0xb8;
	[tilespmem:$0x18400] =	vst v63  }
0x62: {  	v3 =	vld [tilespmem:$0x200];
	_ =	sdelay $0x4  }
0x63: {  	v36 =	vshrl.u32 v3, $0x3  }
0x64: {  	v4 =	vmul.u32 $0x18, v36  }
0x65: {  	v3 =	vand.u32 $0x7, v3  }
0x66: {  	v3 =	vor.u32 v3, v4  }
0x67: {  	v4 =	vperm.xlane v3, v0;
	_ =	sdelay $0x1  }
0x68: {  	v4 =	vadd.s32 v1, v4;
	_ =	sdelay $0x1  }
0x69: {  	v3 =	vperm.xlane v3, v2;
	_ =	sdelay $0x1  }
0x6a: {  	s8 =	simm.s32 $0x6400;
	v3 =	vadd.s32 v1, v3  }
0x6b: {  	[tilespmem:s8], [sflag:$0x2] =	stream.indirect_vreg.gather [hbm4b:s3+s2], $0x80, v4, vm0, $0xb8;
	[tilespmem:$0x18400] =	vst v63  }
0x6c: {  	_ = 	snop  }
0x6d: {  	[tilespmem:s24], [sflag:$0x2] =	stream.indirect_vreg.gather [hbm4b:s4+s2], $0x80, v4, vm1, $0xb8;
	[tilespmem:$0x18400] =	vst v63  }
0x6e: {  	_ = 	snop  }
0x6f: {  	[tilespmem:s23], [sflag:$0x2] =	stream.indirect_vreg.gather [hbm4b:s3+s2], $0x80, v3, vm0, $0xb8;
	[tilespmem:$0x18400] =	vst v63  }
0x70: {  	_ = 	snop  }
0x71: {  	[tilespmem:s25], [sflag:$0x2] =	stream.indirect_vreg.gather [hbm4b:s4+s2], $0x80, v3, vm1, $0xb8;
	[tilespmem:$0x18400] =	vst v63  }
0x72: {  	v3 =	vld [tilespmem:$0x210];
	_ =	sdelay $0x4  }
0x73: {  	v37 =	vshrl.u32 v3, $0x3  }
0x74: {  	v4 =	vmul.u32 $0x18, v37  }
0x75: {  	v3 =	vand.u32 $0x7, v3  }
0x76: {  	v3 =	vor.u32 v3, v4  }
0x77: {  	v4 =	vperm.xlane v3, v0;
	_ =	sdelay $0x1  }
0x78: {  	v4 =	vadd.s32 v1, v4;
	_ =	sdelay $0x1  }
0x79: {  	v3 =	vperm.xlane v3, v2;
	_ =	sdelay $0x1  }
0x7a: {  	v3 =	vadd.s32 v1, v3  }
0x7b: {  	[tilespmem:s26], [sflag:$0x2] =	stream.indirect_vreg.gather [hbm4b:s3+s2], $0x80, v4, vm0, $0xb8;
	[tilespmem:$0x18400] =	vst v63  }
0x7c: {  	_ = 	snop  }
0x7d: {  	[tilespmem:s28], [sflag:$0x2] =	stream.indirect_vreg.gather [hbm4b:s4+s2], $0x80, v4, vm1, $0xb8;
	[tilespmem:$0x18400] =	vst v63  }
0x7e: {  	_ = 	snop  }
0x7f: {  	[tilespmem:s29], [sflag:$0x2] =	stream.indirect_vreg.gather [hbm4b:s3+s2], $0x80, v3, vm0, $0xb8;
	[tilespmem:$0x18400] =	vst v63  }
0x80: {  	_ = 	snop  }
0x81: {  	[tilespmem:s30], [sflag:$0x2] =	stream.indirect_vreg.gather [hbm4b:s4+s2], $0x80, v3, vm1, $0xb8;
	[tilespmem:$0x18400] =	vst v63  }
0x82: {  	v3 =	vld [tilespmem:$0x220];
	_ =	sdelay $0x4  }
0x83: {  	v38 =	vshrl.u32 v3, $0x3  }
0x84: {  	v4 =	vmul.u32 $0x18, v38  }
0x85: {  	v3 =	vand.u32 $0x7, v3  }
0x86: {  	v3 =	vor.u32 v3, v4  }
0x87: {  	v4 =	vperm.xlane v3, v0;
	_ =	sdelay $0x1  }
0x88: {  	v4 =	vadd.s32 v1, v4;
	_ =	sdelay $0x1  }
0x89: {  	v3 =	vperm.xlane v3, v2;
	_ =	sdelay $0x1  }
0x8a: {  	v3 =	vadd.s32 v1, v3  }
0x8b: {  	[tilespmem:s31], [sflag:$0x2] =	stream.indirect_vreg.gather [hbm4b:s3+s2], $0x80, v4, vm0, $0xb8;
	[tilespmem:$0x18400] =	vst v63  }
0x8c: {  	s9 =	simm.s32 $0x9C00  }
0x8d: {  	[tilespmem:s9], [sflag:$0x2] =	stream.indirect_vreg.gather [hbm4b:s4+s2], $0x80, v4, vm1, $0xb8;
	[tilespmem:$0x18400] =	vst v63  }
0x8e: {  	s11 =	simm.s32 $0xA000  }
0x8f: {  	[tilespmem:s11], [sflag:$0x2] =	stream.indirect_vreg.gather [hbm4b:s3+s2], $0x80, v3, vm0, $0xb8;
	[tilespmem:$0x18400] =	vst v63  }
0x90: {  	s8 =	simm.s32 $0xA800  }
0x91: {  	[tilespmem:s8], [sflag:$0x2] =	stream.indirect_vreg.gather [hbm4b:s4+s2], $0x80, v3, vm1, $0xb8;
	[tilespmem:$0x18400] =	vst v63  }
0x92: {  	v3 =	vld [tilespmem:$0x230];
	_ =	sdelay $0x4  }
0x93: {  	v39 =	vshrl.u32 v3, $0x3  }
0x94: {  	v4 =	vmul.u32 $0x18, v39  }
0x95: {  	v3 =	vand.u32 $0x7, v3  }
0x96: {  	v3 =	vor.u32 v3, v4  }
0x97: {  	v4 =	vperm.xlane v3, v0;
	_ =	sdelay $0x1  }
0x98: {  	v4 =	vadd.s32 v1, v4;
	_ =	sdelay $0x1  }
0x99: {  	v3 =	vperm.xlane v3, v2;
	_ =	sdelay $0x1  }
0x9a: {  	s9 =	simm.s32 $0xAC00;
	v3 =	vadd.s32 v1, v3  }
0x9b: {  	[tilespmem:s9], [sflag:$0x2] =	stream.indirect_vreg.gather [hbm4b:s3+s2], $0x80, v4, vm0, $0xb8;
	[tilespmem:$0x18400] =	vst v63  }
0x9c: {  	s11 =	simm.s32 $0xB400  }
0x9d: {  	[tilespmem:s11], [sflag:$0x2] =	stream.indirect_vreg.gather [hbm4b:s4+s2], $0x80, v4, vm1, $0xb8;
	[tilespmem:$0x18400] =	vst v63  }
0x9e: {  	s8 =	simm.s32 $0xB800  }
0x9f: {  	[tilespmem:s8], [sflag:$0x2] =	stream.indirect_vreg.gather [hbm4b:s3+s2], $0x80, v3, vm0, $0xb8;
	[tilespmem:$0x18400] =	vst v63  }
0xa0: {  	s9 =	simm.s32 $0xC000  }
0xa1: {  	[tilespmem:s9], [sflag:$0x2] =	stream.indirect_vreg.gather [hbm4b:s4+s2], $0x80, v3, vm1, $0xb8;
	[tilespmem:$0x18400] =	vst v63  }
0xa2: {  	v3 =	vld [tilespmem:$0x80];
	_ =	sdelay $0x4  }
0xa3: {  	v40 =	vshrl.u32 v3, $0x3  }
0xa4: {  	v4 =	vmul.u32 $0x18, v40  }
0xa5: {  	v3 =	vand.u32 $0x7, v3  }
0xa6: {  	v3 =	vor.u32 v3, v4  }
0xa7: {  	v4 =	vperm.xlane v3, v0;
	_ =	sdelay $0x1  }
0xa8: {  	v4 =	vadd.s32 v1, v4;
	_ =	sdelay $0x1  }
0xa9: {  	v3 =	vperm.xlane v3, v2;
	_ =	sdelay $0x1  }
0xaa: {  	v3 =	vadd.s32 v1, v3  }
0xab: {  	[tilespmem:s7], [sflag:$0x3] =	stream.indirect_vreg.gather [hbm4b:s3+s2], $0x80, v4, vm0, $0xb8;
	[tilespmem:$0x18400] =	vst v63  }
0xac: {  	s11 =	simm.s32 $0xCC00  }
0xad: {  	[tilespmem:s11], [sflag:$0x3] =	stream.indirect_vreg.gather [hbm4b:s4+s2], $0x80, v4, vm1, $0xb8;
	[tilespmem:$0x18400] =	vst v63  }
0xae: {  	s8 =	simm.s32 $0xD000  }
0xaf: {  	[tilespmem:s8], [sflag:$0x3] =	stream.indirect_vreg.gather [hbm4b:s3+s2], $0x80, v3, vm0, $0xb8;
	[tilespmem:$0x18400] =	vst v63  }
0xb0: {  	s9 =	simm.s32 $0xD800  }
0xb1: {  	[tilespmem:s9], [sflag:$0x3] =	stream.indirect_vreg.gather [hbm4b:s4+s2], $0x80, v3, vm1, $0xb8;
	[tilespmem:$0x18400] =	vst v63  }
0xb2: {  	v3 =	vld [tilespmem:$0x90];
	_ =	sdelay $0x4  }
0xb3: {  	v41 =	vshrl.u32 v3, $0x3  }
0xb4: {  	v4 =	vmul.u32 $0x18, v41  }
0xb5: {  	v3 =	vand.u32 $0x7, v3  }
0xb6: {  	v3 =	vor.u32 v3, v4  }
0xb7: {  	v4 =	vperm.xlane v3, v0;
	_ =	sdelay $0x1  }
0xb8: {  	v4 =	vadd.s32 v1, v4;
	_ =	sdelay $0x1  }
0xb9: {  	v3 =	vperm.xlane v3, v2;
	_ =	sdelay $0x1  }
0xba: {  	s11 =	simm.s32 $0xDC00;
	v3 =	vadd.s32 v1, v3  }
0xbb: {  	[tilespmem:s11], [sflag:$0x3] =	stream.indirect_vreg.gather [hbm4b:s3+s2], $0x80, v4, vm0, $0xb8;
	[tilespmem:$0x18400] =	vst v63  }
0xbc: {  	s8 =	simm.s32 $0xE400  }
0xbd: {  	[tilespmem:s8], [sflag:$0x3] =	stream.indirect_vreg.gather [hbm4b:s4+s2], $0x80, v4, vm1, $0xb8;
	[tilespmem:$0x18400] =	vst v63  }
0xbe: {  	s9 =	simm.s32 $0xE800  }
0xbf: {  	[tilespmem:s9], [sflag:$0x3] =	stream.indirect_vreg.gather [hbm4b:s3+s2], $0x80, v3, vm0, $0xb8;
	[tilespmem:$0x18400] =	vst v63  }
0xc0: {  	s11 =	simm.s32 $0xF000  }
0xc1: {  	[tilespmem:s11], [sflag:$0x3] =	stream.indirect_vreg.gather [hbm4b:s4+s2], $0x80, v3, vm1, $0xb8;
	[tilespmem:$0x18400] =	vst v63  }
0xc2: {  	v3 =	vld [tilespmem:$0xA0];
	_ =	sdelay $0x4  }
0xc3: {  	v42 =	vshrl.u32 v3, $0x3  }
0xc4: {  	v4 =	vmul.u32 $0x18, v42  }
0xc5: {  	v3 =	vand.u32 $0x7, v3  }
0xc6: {  	v3 =	vor.u32 v3, v4  }
0xc7: {  	v4 =	vperm.xlane v3, v0;
	_ =	sdelay $0x1  }
0xc8: {  	v4 =	vadd.s32 v1, v4;
	_ =	sdelay $0x1  }
0xc9: {  	v3 =	vperm.xlane v3, v2;
	_ =	sdelay $0x1  }
0xca: {  	s8 =	simm.s32 $0xF400;
	v3 =	vadd.s32 v1, v3  }
0xcb: {  	[tilespmem:s8], [sflag:$0x3] =	stream.indirect_vreg.gather [hbm4b:s3+s2], $0x80, v4, vm0, $0xb8;
	[tilespmem:$0x18400] =	vst v63  }
0xcc: {  	s9 =	simm.s32 $0xFC00  }
0xcd: {  	[tilespmem:s9], [sflag:$0x3] =	stream.indirect_vreg.gather [hbm4b:s4+s2], $0x80, v4, vm1, $0xb8;
	[tilespmem:$0x18400] =	vst v63  }
0xce: {  	s11 =	simm.s32 $0x10000  }
0xcf: {  	[tilespmem:s11], [sflag:$0x3] =	stream.indirect_vreg.gather [hbm4b:s3+s2], $0x80, v3, vm0, $0xb8;
	[tilespmem:$0x18400] =	vst v63  }
0xd0: {  	s8 =	simm.s32 $0x10800  }
0xd1: {  	[tilespmem:s8], [sflag:$0x3] =	stream.indirect_vreg.gather [hbm4b:s4+s2], $0x80, v3, vm1, $0xb8;
	[tilespmem:$0x18400] =	vst v63  }
0xd2: {  	v3 =	vld [tilespmem:$0xB0];
	_ =	sdelay $0x4  }
0xd3: {  	v43 =	vshrl.u32 v3, $0x3  }
0xd4: {  	v4 =	vmul.u32 $0x18, v43  }
0xd5: {  	v3 =	vand.u32 $0x7, v3  }
0xd6: {  	v3 =	vor.u32 v3, v4  }
0xd7: {  	v4 =	vperm.xlane v3, v0;
	_ =	sdelay $0x1  }
0xd8: {  	v4 =	vadd.s32 v1, v4;
	_ =	sdelay $0x1  }
0xd9: {  	v3 =	vperm.xlane v3, v2;
	_ =	sdelay $0x1  }
0xda: {  	s9 =	simm.s32 $0x10C00;
	v3 =	vadd.s32 v1, v3  }
0xdb: {  	[tilespmem:s9], [sflag:$0x3] =	stream.indirect_vreg.gather [hbm4b:s3+s2], $0x80, v4, vm0, $0xb8;
	[tilespmem:$0x18400] =	vst v63  }
0xdc: {  	s11 =	simm.s32 $0x11400  }
0xdd: {  	[tilespmem:s11], [sflag:$0x3] =	stream.indirect_vreg.gather [hbm4b:s4+s2], $0x80, v4, vm1, $0xb8;
	[tilespmem:$0x18400] =	vst v63  }
0xde: {  	s8 =	simm.s32 $0x11800  }
0xdf: {  	[tilespmem:s8], [sflag:$0x3] =	stream.indirect_vreg.gather [hbm4b:s3+s2], $0x80, v3, vm0, $0xb8;
	[tilespmem:$0x18400] =	vst v63  }
0xe0: {  	s9 =	simm.s32 $0x12000  }
0xe1: {  	[tilespmem:s9], [sflag:$0x3] =	stream.indirect_vreg.gather [hbm4b:s4+s2], $0x80, v3, vm1, $0xb8;
	[tilespmem:$0x18400] =	vst v63  }
0xe2: {  	v3 =	vld [tilespmem:$0x280];
	_ =	sdelay $0x4  }
0xe3: {  	v44 =	vshrl.u32 v3, $0x3  }
0xe4: {  	v4 =	vmul.u32 $0x18, v44  }
0xe5: {  	v3 =	vand.u32 $0x7, v3  }
0xe6: {  	v3 =	vor.u32 v3, v4  }
0xe7: {  	v4 =	vperm.xlane v3, v0;
	_ =	sdelay $0x1  }
0xe8: {  	v4 =	vadd.s32 v1, v4;
	_ =	sdelay $0x1  }
0xe9: {  	v3 =	vperm.xlane v3, v2;
	_ =	sdelay $0x1  }
0xea: {  	v3 =	vadd.s32 v1, v3  }
0xeb: {  	[tilespmem:s6], [sflag:$0x4] =	stream.indirect_vreg.gather [hbm4b:s3+s2], $0x80, v4, vm0, $0xb8;
	[tilespmem:$0x18400] =	vst v63  }
0xec: {  	s11 =	simm.s32 $0x12C00  }
0xed: {  	[tilespmem:s11], [sflag:$0x4] =	stream.indirect_vreg.gather [hbm4b:s4+s2], $0x80, v4, vm1, $0xb8;
	[tilespmem:$0x18400] =	vst v63  }
0xee: {  	s8 =	simm.s32 $0x13000  }
0xef: {  	[tilespmem:s8], [sflag:$0x4] =	stream.indirect_vreg.gather [hbm4b:s3+s2], $0x80, v3, vm0, $0xb8;
	[tilespmem:$0x18400] =	vst v63  }
0xf0: {  	s9 =	simm.s32 $0x13800  }
0xf1: {  	[tilespmem:s9], [sflag:$0x4] =	stream.indirect_vreg.gather [hbm4b:s4+s2], $0x80, v3, vm1, $0xb8;
	[tilespmem:$0x18400] =	vst v63  }
0xf2: {  	v3 =	vld [tilespmem:$0x290];
	_ =	sdelay $0x4  }
0xf3: {  	v45 =	vshrl.u32 v3, $0x3  }
0xf4: {  	v4 =	vmul.u32 $0x18, v45  }
0xf5: {  	v3 =	vand.u32 $0x7, v3  }
0xf6: {  	v3 =	vor.u32 v3, v4  }
0xf7: {  	v4 =	vperm.xlane v3, v0;
	_ =	sdelay $0x1  }
0xf8: {  	v4 =	vadd.s32 v1, v4;
	_ =	sdelay $0x1  }
0xf9: {  	v3 =	vperm.xlane v3, v2;
	_ =	sdelay $0x1  }
0xfa: {  	s11 =	simm.s32 $0x13C00;
	v3 =	vadd.s32 v1, v3  }
0xfb: {  	[tilespmem:s11], [sflag:$0x4] =	stream.indirect_vreg.gather [hbm4b:s3+s2], $0x80, v4, vm0, $0xb8;
	[tilespmem:$0x18400] =	vst v63  }
0xfc: {  	s8 =	simm.s32 $0x14400  }
0xfd: {  	[tilespmem:s8], [sflag:$0x4] =	stream.indirect_vreg.gather [hbm4b:s4+s2], $0x80, v4, vm1, $0xb8;
	[tilespmem:$0x18400] =	vst v63  }
0xfe: {  	s9 =	simm.s32 $0x14800  }
0xff: {  	[tilespmem:s9], [sflag:$0x4] =	stream.indirect_vreg.gather [hbm4b:s3+s2], $0x80, v3, vm0, $0xb8;
	[tilespmem:$0x18400] =	vst v63  }
0x100: {  	s11 =	simm.s32 $0x15000  }
0x101: {  	[tilespmem:s11], [sflag:$0x4] =	stream.indirect_vreg.gather [hbm4b:s4+s2], $0x80, v3, vm1, $0xb8;
	[tilespmem:$0x18400] =	vst v63  }
0x102: {  	v3 =	vld [tilespmem:$0x2A0];
	_ =	sdelay $0x4  }
0x103: {  	v46 =	vshrl.u32 v3, $0x3  }
0x104: {  	v4 =	vmul.u32 $0x18, v46  }
0x105: {  	v3 =	vand.u32 $0x7, v3  }
0x106: {  	v3 =	vor.u32 v3, v4  }
0x107: {  	v4 =	vperm.xlane v3, v0;
	_ =	sdelay $0x1  }
0x108: {  	v4 =	vadd.s32 v1, v4;
	_ =	sdelay $0x1  }
0x109: {  	v3 =	vperm.xlane v3, v2;
	_ =	sdelay $0x1  }
0x10a: {  	s8 =	simm.s32 $0x15400;
	v3 =	vadd.s32 v1, v3  }
0x10b: {  	[tilespmem:s8], [sflag:$0x4] =	stream.indirect_vreg.gather [hbm4b:s3+s2], $0x80, v4, vm0, $0xb8;
	[tilespmem:$0x18400] =	vst v63  }
0x10c: {  	s9 =	simm.s32 $0x15C00  }
0x10d: {  	[tilespmem:s9], [sflag:$0x4] =	stream.indirect_vreg.gather [hbm4b:s4+s2], $0x80, v4, vm1, $0xb8;
	[tilespmem:$0x18400] =	vst v63  }
0x10e: {  	s11 =	simm.s32 $0x16000  }
0x10f: {  	[tilespmem:s11], [sflag:$0x4] =	stream.indirect_vreg.gather [hbm4b:s3+s2], $0x80, v3, vm0, $0xb8;
	[tilespmem:$0x18400] =	vst v63  }
0x110: {  	s8 =	simm.s32 $0x16800  }
0x111: {  	[tilespmem:s8], [sflag:$0x4] =	stream.indirect_vreg.gather [hbm4b:s4+s2], $0x80, v3, vm1, $0xb8;
	[tilespmem:$0x18400] =	vst v63  }
0x112: {  	v3 =	vld [tilespmem:$0x2B0];
	_ =	sdelay $0x4  }
0x113: {  	v47 =	vshrl.u32 v3, $0x3  }
0x114: {  	v4 =	vmul.u32 $0x18, v47  }
0x115: {  	v3 =	vand.u32 $0x7, v3  }
0x116: {  	v3 =	vor.u32 v3, v4  }
0x117: {  	v4 =	vperm.xlane v3, v0;
	_ =	sdelay $0x1  }
0x118: {  	v4 =	vadd.s32 v1, v4;
	_ =	sdelay $0x1  }
0x119: {  	v3 =	vperm.xlane v3, v2;
	_ =	sdelay $0x1  }
0x11a: {  	s9 =	simm.s32 $0x16C00;
	v3 =	vadd.s32 v1, v3  }
0x11b: {  	[tilespmem:s9], [sflag:$0x4] =	stream.indirect_vreg.gather [hbm4b:s3+s2], $0x80, v4, vm0, $0xb8;
	[tilespmem:$0x18400] =	vst v63  }
0x11c: {  	s11 =	simm.s32 $0x17400  }
0x11d: {  	[tilespmem:s11], [sflag:$0x4] =	stream.indirect_vreg.gather [hbm4b:s4+s2], $0x80, v4, vm1, $0xb8;
	[tilespmem:$0x18400] =	vst v63  }
0x11e: {  	s8 =	simm.s32 $0x17800  }
0x11f: {  	[tilespmem:s8], [sflag:$0x4] =	stream.indirect_vreg.gather [hbm4b:s3+s2], $0x80, v3, vm0, $0xb8;
	[tilespmem:$0x18400] =	vst v63  }
0x120: {  	s0 =	simm.s32 $0x1;
	s9 =	simm.s32 $0x18000  }
0x121: {  	[tilespmem:s9], [sflag:$0x4] =	stream.indirect_vreg.gather [hbm4b:s4+s2], $0x80, v3, vm1, $0xb8;
	[tilespmem:$0x18400] =	vst v63  }
0x122: {  	_ =	swait.ge [sflag:s0], $0x6000  }
0x123: {  	[sflag:s0] =	ssyncset.done $0x0  }
0x124: {  	[sflag:s0] =	ssyncadd.s32 $0xFFFFA000  }
0x125: {  	_ =	swait.ge [sflag:s1], $0x6000  }
0x126: {  	[sflag:s1] =	ssyncset.done $0x0  }
0x127: {  	s11 =	simm.s32 $0x400;
	s8 =	rddreg [dreg:$0x5];
	[sflag:s1] =	ssyncadd.s32 $0xFFFFA000  }
0x128: {  	[hbm4b:s8+s2] =	stream.linear.scatter [tilespmem:s11], [sflag:$0x5], $0x6000, $0x38;
	[tilespmem:$0x18400] =	vst v63  }
0x129: {  	s9 =	rddreg [dreg:$0x6];
	s8 =	simm.s32 $0x6400  }
0x12a: {  	[hbm4b:s9+s2] =	stream.linear.scatter [tilespmem:s8], [sflag:$0x6], $0x6000, $0x38;
	[tilespmem:$0x18400] =	vst v63  }
0x12b: {  	_ =	swait.ge [sflag:s5], $0x6000  }
0x12c: {  	[sflag:s5] =	ssyncset.done $0x0  }
0x12d: {  	[sflag:s5] =	ssyncadd.s32 $0xFFFFA000  }
0x12e: {  	_ =	swait.ge [sflag:s10], $0x6000  }
0x12f: {  	[sflag:s10] =	ssyncset.done $0x0  }
0x130: {  	[sflag:s10] =	ssyncadd.s32 $0xFFFFA000  }
0x131: {  	v3 =	vld [tilespmem:$0x100];
	_ =	sdelay $0x4  }
0x132: {  	v48 =	vshrl.u32 v3, $0x3  }
0x133: {  	v4 =	vmul.u32 $0x18, v48  }
0x134: {  	v3 =	vand.u32 $0x7, v3  }
0x135: {  	v3 =	vor.u32 v3, v4  }
0x136: {  	v4 =	vperm.xlane v3, v0;
	_ =	sdelay $0x1  }
0x137: {  	v4 =	vadd.s32 v1, v4;
	_ =	sdelay $0x1  }
0x138: {  	v3 =	vperm.xlane v3, v2;
	_ =	sdelay $0x1  }
0x139: {  	v3 =	vadd.s32 v1, v3  }
0x13a: {  	[tilespmem:s11], [sflag:$0x1] =	stream.indirect_vreg.gather [hbm4b:s3+s2], $0x80, v4, vm0, $0xb8;
	[tilespmem:$0x18400] =	vst v63  }
0x13b: {  	s11 =	simm.s32 $0xC00  }
0x13c: {  	[tilespmem:s11], [sflag:$0x1] =	stream.indirect_vreg.gather [hbm4b:s4+s2], $0x80, v4, vm1, $0xb8;
	[tilespmem:$0x18400] =	vst v63  }
0x13d: {  	s11 =	simm.s32 $0x1000  }
0x13e: {  	[tilespmem:s11], [sflag:$0x1] =	stream.indirect_vreg.gather [hbm4b:s3+s2], $0x80, v3, vm0, $0xb8;
	[tilespmem:$0x18400] =	vst v63  }
0x13f: {  	_ = 	snop  }
0x140: {  	[tilespmem:s12], [sflag:$0x1] =	stream.indirect_vreg.gather [hbm4b:s4+s2], $0x80, v3, vm1, $0xb8;
	[tilespmem:$0x18400] =	vst v63  }
0x141: {  	v3 =	vld [tilespmem:$0x110];
	_ =	sdelay $0x4  }
0x142: {  	v49 =	vshrl.u32 v3, $0x3  }
0x143: {  	v4 =	vmul.u32 $0x18, v49  }
0x144: {  	v3 =	vand.u32 $0x7, v3  }
0x145: {  	v3 =	vor.u32 v3, v4  }
0x146: {  	v4 =	vperm.xlane v3, v0;
	_ =	sdelay $0x1  }
0x147: {  	v4 =	vadd.s32 v1, v4;
	_ =	sdelay $0x1  }
0x148: {  	v3 =	vperm.xlane v3, v2;
	_ =	sdelay $0x1  }
0x149: {  	v3 =	vadd.s32 v1, v3  }
0x14a: {  	[tilespmem:s13], [sflag:$0x1] =	stream.indirect_vreg.gather [hbm4b:s3+s2], $0x80, v4, vm0, $0xb8;
	[tilespmem:$0x18400] =	vst v63  }
0x14b: {  	_ = 	snop  }
0x14c: {  	[tilespmem:s15], [sflag:$0x1] =	stream.indirect_vreg.gather [hbm4b:s4+s2], $0x80, v4, vm1, $0xb8;
	[tilespmem:$0x18400] =	vst v63  }
0x14d: {  	s13 =	simm.s32 $0x2800  }
0x14e: {  	[tilespmem:s13], [sflag:$0x1] =	stream.indirect_vreg.gather [hbm4b:s3+s2], $0x80, v3, vm0, $0xb8;
	[tilespmem:$0x18400] =	vst v63  }
0x14f: {  	_ = 	snop  }
0x150: {  	[tilespmem:s17], [sflag:$0x1] =	stream.indirect_vreg.gather [hbm4b:s4+s2], $0x80, v3, vm1, $0xb8;
	[tilespmem:$0x18400] =	vst v63  }
0x151: {  	v3 =	vld [tilespmem:$0x120];
	_ =	sdelay $0x4  }
0x152: {  	v50 =	vshrl.u32 v3, $0x3  }
0x153: {  	v4 =	vmul.u32 $0x18, v50  }
0x154: {  	v3 =	vand.u32 $0x7, v3  }
0x155: {  	v3 =	vor.u32 v3, v4  }
0x156: {  	v4 =	vperm.xlane v3, v0;
	_ =	sdelay $0x1  }
0x157: {  	v4 =	vadd.s32 v1, v4;
	_ =	sdelay $0x1  }
0x158: {  	v3 =	vperm.xlane v3, v2;
	_ =	sdelay $0x1  }
0x159: {  	v3 =	vadd.s32 v1, v3  }
0x15a: {  	[tilespmem:s18], [sflag:$0x1] =	stream.indirect_vreg.gather [hbm4b:s3+s2], $0x80, v4, vm0, $0xb8;
	[tilespmem:$0x18400] =	vst v63  }
0x15b: {  	_ = 	snop  }
0x15c: {  	[tilespmem:s19], [sflag:$0x1] =	stream.indirect_vreg.gather [hbm4b:s4+s2], $0x80, v4, vm1, $0xb8;
	[tilespmem:$0x18400] =	vst v63  }
0x15d: {  	_ = 	snop  }
0x15e: {  	[tilespmem:s20], [sflag:$0x1] =	stream.indirect_vreg.gather [hbm4b:s3+s2], $0x80, v3, vm0, $0xb8;
	[tilespmem:$0x18400] =	vst v63  }
0x15f: {  	_ = 	snop  }
0x160: {  	[tilespmem:s21], [sflag:$0x1] =	stream.indirect_vreg.gather [hbm4b:s4+s2], $0x80, v3, vm1, $0xb8;
	[tilespmem:$0x18400] =	vst v63  }
0x161: {  	v3 =	vld [tilespmem:$0x130];
	_ =	sdelay $0x4  }
0x162: {  	v51 =	vshrl.u32 v3, $0x3  }
0x163: {  	v4 =	vmul.u32 $0x18, v51  }
0x164: {  	v3 =	vand.u32 $0x7, v3  }
0x165: {  	v3 =	vor.u32 v3, v4  }
0x166: {  	v4 =	vperm.xlane v3, v0;
	_ =	sdelay $0x1  }
0x167: {  	v4 =	vadd.s32 v1, v4;
	_ =	sdelay $0x1  }
0x168: {  	v3 =	vperm.xlane v3, v2;
	_ =	sdelay $0x1  }
0x169: {  	v3 =	vadd.s32 v1, v3  }
0x16a: {  	[tilespmem:s22], [sflag:$0x1] =	stream.indirect_vreg.gather [hbm4b:s3+s2], $0x80, v4, vm0, $0xb8;
	[tilespmem:$0x18400] =	vst v63  }
0x16b: {  	s15 =	simm.s32 $0x5400  }
0x16c: {  	[tilespmem:s15], [sflag:$0x1] =	stream.indirect_vreg.gather [hbm4b:s4+s2], $0x80, v4, vm1, $0xb8;
	[tilespmem:$0x18400] =	vst v63  }
0x16d: {  	_ = 	snop  }
0x16e: {  	[tilespmem:s14], [sflag:$0x1] =	stream.indirect_vreg.gather [hbm4b:s3+s2], $0x80, v3, vm0, $0xb8;
	[tilespmem:$0x18400] =	vst v63  }
0x16f: {  	s11 =	simm.s32 $0x6000  }
0x170: {  	[tilespmem:s11], [sflag:$0x1] =	stream.indirect_vreg.gather [hbm4b:s4+s2], $0x80, v3, vm1, $0xb8;
	[tilespmem:$0x18400] =	vst v63  }
0x171: {  	v3 =	vld [tilespmem:$0x300];
	_ =	sdelay $0x4  }
0x172: {  	v52 =	vshrl.u32 v3, $0x3  }
0x173: {  	v4 =	vmul.u32 $0x18, v52  }
0x174: {  	v3 =	vand.u32 $0x7, v3  }
0x175: {  	v3 =	vor.u32 v3, v4  }
0x176: {  	v4 =	vperm.xlane v3, v0;
	_ =	sdelay $0x1  }
0x177: {  	v4 =	vadd.s32 v1, v4;
	_ =	sdelay $0x1  }
0x178: {  	v3 =	vperm.xlane v3, v2;
	_ =	sdelay $0x1  }
0x179: {  	v3 =	vadd.s32 v1, v3  }
0x17a: {  	[tilespmem:s8], [sflag:$0x2] =	stream.indirect_vreg.gather [hbm4b:s3+s2], $0x80, v4, vm0, $0xb8;
	[tilespmem:$0x18400] =	vst v63  }
0x17b: {  	_ = 	snop  }
0x17c: {  	[tilespmem:s24], [sflag:$0x2] =	stream.indirect_vreg.gather [hbm4b:s4+s2], $0x80, v4, vm1, $0xb8;
	[tilespmem:$0x18400] =	vst v63  }
0x17d: {  	_ = 	snop  }
0x17e: {  	[tilespmem:s23], [sflag:$0x2] =	stream.indirect_vreg.gather [hbm4b:s3+s2], $0x80, v3, vm0, $0xb8;
	[tilespmem:$0x18400] =	vst v63  }
0x17f: {  	_ = 	snop  }
0x180: {  	[tilespmem:s25], [sflag:$0x2] =	stream.indirect_vreg.gather [hbm4b:s4+s2], $0x80, v3, vm1, $0xb8;
	[tilespmem:$0x18400] =	vst v63  }
0x181: {  	v3 =	vld [tilespmem:$0x310];
	_ =	sdelay $0x4  }
0x182: {  	v53 =	vshrl.u32 v3, $0x3  }
0x183: {  	v4 =	vmul.u32 $0x18, v53  }
0x184: {  	v3 =	vand.u32 $0x7, v3  }
0x185: {  	v3 =	vor.u32 v3, v4  }
0x186: {  	v4 =	vperm.xlane v3, v0;
	_ =	sdelay $0x1  }
0x187: {  	v4 =	vadd.s32 v1, v4;
	_ =	sdelay $0x1  }
0x188: {  	v3 =	vperm.xlane v3, v2;
	_ =	sdelay $0x1  }
0x189: {  	v3 =	vadd.s32 v1, v3  }
0x18a: {  	[tilespmem:s26], [sflag:$0x2] =	stream.indirect_vreg.gather [hbm4b:s3+s2], $0x80, v4, vm0, $0xb8;
	[tilespmem:$0x18400] =	vst v63  }
0x18b: {  	_ = 	snop  }
0x18c: {  	[tilespmem:s28], [sflag:$0x2] =	stream.indirect_vreg.gather [hbm4b:s4+s2], $0x80, v4, vm1, $0xb8;
	[tilespmem:$0x18400] =	vst v63  }
0x18d: {  	_ = 	snop  }
0x18e: {  	[tilespmem:s29], [sflag:$0x2] =	stream.indirect_vreg.gather [hbm4b:s3+s2], $0x80, v3, vm0, $0xb8;
	[tilespmem:$0x18400] =	vst v63  }
0x18f: {  	_ = 	snop  }
0x190: {  	[tilespmem:s30], [sflag:$0x2] =	stream.indirect_vreg.gather [hbm4b:s4+s2], $0x80, v3, vm1, $0xb8;
	[tilespmem:$0x18400] =	vst v63  }
0x191: {  	v3 =	vld [tilespmem:$0x320];
	_ =	sdelay $0x4  }
0x192: {  	v54 =	vshrl.u32 v3, $0x3  }
0x193: {  	v4 =	vmul.u32 $0x18, v54  }
0x194: {  	v3 =	vand.u32 $0x7, v3  }
0x195: {  	v3 =	vor.u32 v3, v4  }
0x196: {  	v4 =	vperm.xlane v3, v0;
	_ =	sdelay $0x1  }
0x197: {  	v4 =	vadd.s32 v1, v4;
	_ =	sdelay $0x1  }
0x198: {  	v3 =	vperm.xlane v3, v2;
	_ =	sdelay $0x1  }
0x199: {  	v3 =	vadd.s32 v1, v3  }
0x19a: {  	[tilespmem:s31], [sflag:$0x2] =	stream.indirect_vreg.gather [hbm4b:s3+s2], $0x80, v4, vm0, $0xb8;
	[tilespmem:$0x18400] =	vst v63  }
0x19b: {  	s12 =	simm.s32 $0x9C00  }
0x19c: {  	[tilespmem:s12], [sflag:$0x2] =	stream.indirect_vreg.gather [hbm4b:s4+s2], $0x80, v4, vm1, $0xb8;
	[tilespmem:$0x18400] =	vst v63  }
0x19d: {  	s13 =	simm.s32 $0xA000  }
0x19e: {  	[tilespmem:s13], [sflag:$0x2] =	stream.indirect_vreg.gather [hbm4b:s3+s2], $0x80, v3, vm0, $0xb8;
	[tilespmem:$0x18400] =	vst v63  }
0x19f: {  	s14 =	simm.s32 $0xA800  }
0x1a0: {  	[tilespmem:s14], [sflag:$0x2] =	stream.indirect_vreg.gather [hbm4b:s4+s2], $0x80, v3, vm1, $0xb8;
	[tilespmem:$0x18400] =	vst v63  }
0x1a1: {  	v3 =	vld [tilespmem:$0x330];
	_ =	sdelay $0x4  }
0x1a2: {  	v55 =	vshrl.u32 v3, $0x3  }
0x1a3: {  	v4 =	vmul.u32 $0x18, v55  }
0x1a4: {  	v3 =	vand.u32 $0x7, v3  }
0x1a5: {  	v3 =	vor.u32 v3, v4  }
0x1a6: {  	v4 =	vperm.xlane v3, v0;
	_ =	sdelay $0x1  }
0x1a7: {  	v4 =	vadd.s32 v1, v4;
	_ =	sdelay $0x1  }
0x1a8: {  	v3 =	vperm.xlane v3, v2;
	_ =	sdelay $0x1  }
0x1a9: {  	s15 =	simm.s32 $0xAC00;
	v3 =	vadd.s32 v1, v3  }
0x1aa: {  	[tilespmem:s15], [sflag:$0x2] =	stream.indirect_vreg.gather [hbm4b:s3+s2], $0x80, v4, vm0, $0xb8;
	[tilespmem:$0x18400] =	vst v63  }
0x1ab: {  	s9 =	simm.s32 $0xB400  }
0x1ac: {  	[tilespmem:s9], [sflag:$0x2] =	stream.indirect_vreg.gather [hbm4b:s4+s2], $0x80, v4, vm1, $0xb8;
	[tilespmem:$0x18400] =	vst v63  }
0x1ad: {  	s12 =	simm.s32 $0xB800  }
0x1ae: {  	[tilespmem:s12], [sflag:$0x2] =	stream.indirect_vreg.gather [hbm4b:s3+s2], $0x80, v3, vm0, $0xb8;
	[tilespmem:$0x18400] =	vst v63  }
0x1af: {  	s13 =	simm.s32 $0xC000;
	s12 =	simm.s32 $0x3  }
0x1b0: {  	[tilespmem:s13], [sflag:$0x2] =	stream.indirect_vreg.gather [hbm4b:s4+s2], $0x80, v3, vm1, $0xb8;
	[tilespmem:$0x18400] =	vst v63  }
0x1b1: {  	_ =	swait.ge [sflag:s12], $0x6000  }
0x1b2: {  	[sflag:s12] =	ssyncset.done $0x0  }
0x1b3: {  	s13 =	simm.s32 $0x4;
	[sflag:s12] =	ssyncadd.s32 $0xFFFFA000  }
0x1b4: {  	_ =	swait.ge [sflag:s13], $0x6000  }
0x1b5: {  	[sflag:s13] =	ssyncset.done $0x0  }
0x1b6: {  	s14 =	rddreg [dreg:$0x7];
	[sflag:s13] =	ssyncadd.s32 $0xFFFFA000  }
0x1b7: {  	[hbm4b:s14+s2] =	stream.linear.scatter [tilespmem:s7], [sflag:$0x7], $0x6000, $0x38;
	[tilespmem:$0x18400] =	vst v63  }
0x1b8: {  	s15 =	rddreg [dreg:$0x8];
	s14 =	simm.s32 $0x7  }
0x1b9: {  	[hbm4b:s15+s2] =	stream.linear.scatter [tilespmem:s6], [sflag:$0x8], $0x6000, $0x38;
	[tilespmem:$0x18400] =	vst v63  }
0x1ba: {  	_ =	swait.ge [sflag:s14], $0x6000  }
0x1bb: {  	[sflag:s14] =	ssyncset.done $0x0  }
0x1bc: {  	s15 =	simm.s32 $0x8;
	[sflag:s14] =	ssyncadd.s32 $0xFFFFA000  }
0x1bd: {  	_ =	swait.ge [sflag:s15], $0x6000  }
0x1be: {  	[sflag:s15] =	ssyncset.done $0x0  }
0x1bf: {  	[sflag:s15] =	ssyncadd.s32 $0xFFFFA000  }
0x1c0: {  	v3 =	vld [tilespmem:$0x180];
	_ =	sdelay $0x4  }
0x1c1: {  	v56 =	vshrl.u32 v3, $0x3  }
0x1c2: {  	v4 =	vmul.u32 $0x18, v56  }
0x1c3: {  	v3 =	vand.u32 $0x7, v3  }
0x1c4: {  	v3 =	vor.u32 v3, v4  }
0x1c5: {  	v4 =	vperm.xlane v3, v0;
	_ =	sdelay $0x1  }
0x1c6: {  	v4 =	vadd.s32 v1, v4;
	_ =	sdelay $0x1  }
0x1c7: {  	v3 =	vperm.xlane v3, v2;
	_ =	sdelay $0x1  }
0x1c8: {  	v3 =	vadd.s32 v1, v3  }
0x1c9: {  	[tilespmem:s7], [sflag:$0x3] =	stream.indirect_vreg.gather [hbm4b:s3+s2], $0x80, v4, vm0, $0xb8;
	[tilespmem:$0x18400] =	vst v63  }
0x1ca: {  	s9 =	simm.s32 $0xCC00  }
0x1cb: {  	[tilespmem:s9], [sflag:$0x3] =	stream.indirect_vreg.gather [hbm4b:s4+s2], $0x80, v4, vm1, $0xb8;
	[tilespmem:$0x18400] =	vst v63  }
0x1cc: {  	s9 =	simm.s32 $0xD000  }
0x1cd: {  	[tilespmem:s9], [sflag:$0x3] =	stream.indirect_vreg.gather [hbm4b:s3+s2], $0x80, v3, vm0, $0xb8;
	[tilespmem:$0x18400] =	vst v63  }
0x1ce: {  	s9 =	simm.s32 $0xD800  }
0x1cf: {  	[tilespmem:s9], [sflag:$0x3] =	stream.indirect_vreg.gather [hbm4b:s4+s2], $0x80, v3, vm1, $0xb8;
	[tilespmem:$0x18400] =	vst v63  }
0x1d0: {  	v3 =	vld [tilespmem:$0x190];
	_ =	sdelay $0x4  }
0x1d1: {  	v57 =	vshrl.u32 v3, $0x3  }
0x1d2: {  	v4 =	vmul.u32 $0x18, v57  }
0x1d3: {  	v3 =	vand.u32 $0x7, v3  }
0x1d4: {  	v3 =	vor.u32 v3, v4  }
0x1d5: {  	v4 =	vperm.xlane v3, v0;
	_ =	sdelay $0x1  }
0x1d6: {  	v4 =	vadd.s32 v1, v4;
	_ =	sdelay $0x1  }
0x1d7: {  	v3 =	vperm.xlane v3, v2;
	_ =	sdelay $0x1  }
0x1d8: {  	s9 =	simm.s32 $0xDC00;
	v3 =	vadd.s32 v1, v3  }
0x1d9: {  	[tilespmem:s9], [sflag:$0x3] =	stream.indirect_vreg.gather [hbm4b:s3+s2], $0x80, v4, vm0, $0xb8;
	[tilespmem:$0x18400] =	vst v63  }
0x1da: {  	s9 =	simm.s32 $0xE400  }
0x1db: {  	[tilespmem:s9], [sflag:$0x3] =	stream.indirect_vreg.gather [hbm4b:s4+s2], $0x80, v4, vm1, $0xb8;
	[tilespmem:$0x18400] =	vst v63  }
0x1dc: {  	s9 =	simm.s32 $0xE800  }
0x1dd: {  	[tilespmem:s9], [sflag:$0x3] =	stream.indirect_vreg.gather [hbm4b:s3+s2], $0x80, v3, vm0, $0xb8;
	[tilespmem:$0x18400] =	vst v63  }
0x1de: {  	s9 =	simm.s32 $0xF000  }
0x1df: {  	[tilespmem:s9], [sflag:$0x3] =	stream.indirect_vreg.gather [hbm4b:s4+s2], $0x80, v3, vm1, $0xb8;
	[tilespmem:$0x18400] =	vst v63  }
0x1e0: {  	v3 =	vld [tilespmem:$0x1A0];
	_ =	sdelay $0x4  }
0x1e1: {  	v58 =	vshrl.u32 v3, $0x3  }
0x1e2: {  	v4 =	vmul.u32 $0x18, v58  }
0x1e3: {  	v3 =	vand.u32 $0x7, v3  }
0x1e4: {  	v3 =	vor.u32 v3, v4  }
0x1e5: {  	v4 =	vperm.xlane v3, v0;
	_ =	sdelay $0x1  }
0x1e6: {  	v4 =	vadd.s32 v1, v4;
	_ =	sdelay $0x1  }
0x1e7: {  	v3 =	vperm.xlane v3, v2;
	_ =	sdelay $0x1  }
0x1e8: {  	s9 =	simm.s32 $0xF400;
	v3 =	vadd.s32 v1, v3  }
0x1e9: {  	[tilespmem:s9], [sflag:$0x3] =	stream.indirect_vreg.gather [hbm4b:s3+s2], $0x80, v4, vm0, $0xb8;
	[tilespmem:$0x18400] =	vst v63  }
0x1ea: {  	s9 =	simm.s32 $0xFC00  }
0x1eb: {  	[tilespmem:s9], [sflag:$0x3] =	stream.indirect_vreg.gather [hbm4b:s4+s2], $0x80, v4, vm1, $0xb8;
	[tilespmem:$0x18400] =	vst v63  }
0x1ec: {  	s9 =	simm.s32 $0x10000  }
0x1ed: {  	[tilespmem:s9], [sflag:$0x3] =	stream.indirect_vreg.gather [hbm4b:s3+s2], $0x80, v3, vm0, $0xb8;
	[tilespmem:$0x18400] =	vst v63  }
0x1ee: {  	s9 =	simm.s32 $0x10800  }
0x1ef: {  	[tilespmem:s9], [sflag:$0x3] =	stream.indirect_vreg.gather [hbm4b:s4+s2], $0x80, v3, vm1, $0xb8;
	[tilespmem:$0x18400] =	vst v63  }
0x1f0: {  	v3 =	vld [tilespmem:$0x1B0];
	_ =	sdelay $0x4  }
0x1f1: {  	v59 =	vshrl.u32 v3, $0x3  }
0x1f2: {  	v4 =	vmul.u32 $0x18, v59  }
0x1f3: {  	v3 =	vand.u32 $0x7, v3  }
0x1f4: {  	v3 =	vor.u32 v3, v4  }
0x1f5: {  	v4 =	vperm.xlane v3, v0;
	_ =	sdelay $0x1  }
0x1f6: {  	v4 =	vadd.s32 v1, v4;
	_ =	sdelay $0x1  }
0x1f7: {  	v3 =	vperm.xlane v3, v2;
	_ =	sdelay $0x1  }
0x1f8: {  	s9 =	simm.s32 $0x10C00;
	v3 =	vadd.s32 v1, v3  }
0x1f9: {  	[tilespmem:s9], [sflag:$0x3] =	stream.indirect_vreg.gather [hbm4b:s3+s2], $0x80, v4, vm0, $0xb8;
	[tilespmem:$0x18400] =	vst v63  }
0x1fa: {  	s9 =	simm.s32 $0x11400  }
0x1fb: {  	[tilespmem:s9], [sflag:$0x3] =	stream.indirect_vreg.gather [hbm4b:s4+s2], $0x80, v4, vm1, $0xb8;
	[tilespmem:$0x18400] =	vst v63  }
0x1fc: {  	s9 =	simm.s32 $0x11800  }
0x1fd: {  	[tilespmem:s9], [sflag:$0x3] =	stream.indirect_vreg.gather [hbm4b:s3+s2], $0x80, v3, vm0, $0xb8;
	[tilespmem:$0x18400] =	vst v63  }
0x1fe: {  	s9 =	simm.s32 $0x12000  }
0x1ff: {  	[tilespmem:s9], [sflag:$0x3] =	stream.indirect_vreg.gather [hbm4b:s4+s2], $0x80, v3, vm1, $0xb8;
	[tilespmem:$0x18400] =	vst v63  }
0x200: {  	v3 =	vld [tilespmem:$0x380];
	_ =	sdelay $0x4  }
0x201: {  	v60 =	vshrl.u32 v3, $0x3  }
0x202: {  	v4 =	vmul.u32 $0x18, v60  }
0x203: {  	v3 =	vand.u32 $0x7, v3  }
0x204: {  	v3 =	vor.u32 v3, v4  }
0x205: {  	v4 =	vperm.xlane v3, v0;
	_ =	sdelay $0x1  }
0x206: {  	v4 =	vadd.s32 v1, v4;
	_ =	sdelay $0x1  }
0x207: {  	v3 =	vperm.xlane v3, v2;
	_ =	sdelay $0x1  }
0x208: {  	v3 =	vadd.s32 v1, v3  }
0x209: {  	[tilespmem:s6], [sflag:$0x4] =	stream.indirect_vreg.gather [hbm4b:s3+s2], $0x80, v4, vm0, $0xb8;
	[tilespmem:$0x18400] =	vst v63  }
0x20a: {  	s9 =	simm.s32 $0x12C00  }
0x20b: {  	[tilespmem:s9], [sflag:$0x4] =	stream.indirect_vreg.gather [hbm4b:s4+s2], $0x80, v4, vm1, $0xb8;
	[tilespmem:$0x18400] =	vst v63  }
0x20c: {  	s9 =	simm.s32 $0x13000  }
0x20d: {  	[tilespmem:s9], [sflag:$0x4] =	stream.indirect_vreg.gather [hbm4b:s3+s2], $0x80, v3, vm0, $0xb8;
	[tilespmem:$0x18400] =	vst v63  }
0x20e: {  	s9 =	simm.s32 $0x13800  }
0x20f: {  	[tilespmem:s9], [sflag:$0x4] =	stream.indirect_vreg.gather [hbm4b:s4+s2], $0x80, v3, vm1, $0xb8;
	[tilespmem:$0x18400] =	vst v63  }
0x210: {  	v3 =	vld [tilespmem:$0x390];
	_ =	sdelay $0x4  }
0x211: {  	v61 =	vshrl.u32 v3, $0x3  }
0x212: {  	v4 =	vmul.u32 $0x18, v61  }
0x213: {  	v3 =	vand.u32 $0x7, v3  }
0x214: {  	v3 =	vor.u32 v3, v4  }
0x215: {  	v4 =	vperm.xlane v3, v0;
	_ =	sdelay $0x1  }
0x216: {  	v4 =	vadd.s32 v1, v4;
	_ =	sdelay $0x1  }
0x217: {  	v3 =	vperm.xlane v3, v2;
	_ =	sdelay $0x1  }
0x218: {  	s9 =	simm.s32 $0x13C00;
	v3 =	vadd.s32 v1, v3  }
0x219: {  	[tilespmem:s9], [sflag:$0x4] =	stream.indirect_vreg.gather [hbm4b:s3+s2], $0x80, v4, vm0, $0xb8;
	[tilespmem:$0x18400] =	vst v63  }
0x21a: {  	s9 =	simm.s32 $0x14400  }
0x21b: {  	[tilespmem:s9], [sflag:$0x4] =	stream.indirect_vreg.gather [hbm4b:s4+s2], $0x80, v4, vm1, $0xb8;
	[tilespmem:$0x18400] =	vst v63  }
0x21c: {  	s9 =	simm.s32 $0x14800  }
0x21d: {  	[tilespmem:s9], [sflag:$0x4] =	stream.indirect_vreg.gather [hbm4b:s3+s2], $0x80, v3, vm0, $0xb8;
	[tilespmem:$0x18400] =	vst v63  }
0x21e: {  	s9 =	simm.s32 $0x15000  }
0x21f: {  	[tilespmem:s9], [sflag:$0x4] =	stream.indirect_vreg.gather [hbm4b:s4+s2], $0x80, v3, vm1, $0xb8;
	[tilespmem:$0x18400] =	vst v63  }
0x220: {  	v3 =	vld [tilespmem:$0x3A0];
	_ =	sdelay $0x4  }
0x221: {  	v62 =	vshrl.u32 v3, $0x3  }
0x222: {  	v4 =	vmul.u32 $0x18, v62  }
0x223: {  	v3 =	vand.u32 $0x7, v3  }
0x224: {  	v3 =	vor.u32 v3, v4  }
0x225: {  	v4 =	vperm.xlane v3, v0;
	_ =	sdelay $0x1  }
0x226: {  	v4 =	vadd.s32 v1, v4;
	_ =	sdelay $0x1  }
0x227: {  	v3 =	vperm.xlane v3, v2;
	_ =	sdelay $0x1  }
0x228: {  	s9 =	simm.s32 $0x15400;
	v3 =	vadd.s32 v1, v3  }
0x229: {  	[tilespmem:s9], [sflag:$0x4] =	stream.indirect_vreg.gather [hbm4b:s3+s2], $0x80, v4, vm0, $0xb8;
	[tilespmem:$0x18400] =	vst v63  }
0x22a: {  	s9 =	simm.s32 $0x15C00  }
0x22b: {  	[tilespmem:s9], [sflag:$0x4] =	stream.indirect_vreg.gather [hbm4b:s4+s2], $0x80, v4, vm1, $0xb8;
	[tilespmem:$0x18400] =	vst v63  }
0x22c: {  	s9 =	simm.s32 $0x16000  }
0x22d: {  	[tilespmem:s9], [sflag:$0x4] =	stream.indirect_vreg.gather [hbm4b:s3+s2], $0x80, v3, vm0, $0xb8;
	[tilespmem:$0x18400] =	vst v63  }
0x22e: {  	s9 =	simm.s32 $0x16800  }
0x22f: {  	[tilespmem:s9], [sflag:$0x4] =	stream.indirect_vreg.gather [hbm4b:s4+s2], $0x80, v3, vm1, $0xb8;
	[tilespmem:$0x18400] =	vst v63  }
0x230: {  	v3 =	vld [tilespmem:$0x3B0];
	_ =	sdelay $0x4  }
0x231: {  	v63 =	vshrl.u32 v3, $0x3  }
0x232: {  	v4 =	vmul.u32 $0x18, v63  }
0x233: {  	v3 =	vand.u32 $0x7, v3  }
0x234: {  	v3 =	vor.u32 v3, v4  }
0x235: {  	v4 =	vperm.xlane v3, v0;
	_ =	sdelay $0x1  }
0x236: {  	v4 =	vadd.s32 v1, v4;
	_ =	sdelay $0x1  }
0x237: {  	v3 =	vperm.xlane v3, v2;
	_ =	sdelay $0x1  }
0x238: {  	s9 =	simm.s32 $0x16C00;
	v3 =	vadd.s32 v1, v3  }
0x239: {  	[tilespmem:s9], [sflag:$0x4] =	stream.indirect_vreg.gather [hbm4b:s3+s2], $0x80, v4, vm0, $0xb8;
	[tilespmem:$0x18400] =	vst v63  }
0x23a: {  	s9 =	simm.s32 $0x17400  }
0x23b: {  	[tilespmem:s9], [sflag:$0x4] =	stream.indirect_vreg.gather [hbm4b:s4+s2], $0x80, v4, vm1, $0xb8;
	[tilespmem:$0x18400] =	vst v63  }
0x23c: {  	s9 =	simm.s32 $0x17800  }
0x23d: {  	[tilespmem:s9], [sflag:$0x4] =	stream.indirect_vreg.gather [hbm4b:s3+s2], $0x80, v3, vm0, $0xb8;
	[tilespmem:$0x18400] =	vst v63  }
0x23e: {  	s9 =	simm.s32 $0x18000  }
0x23f: {  	[tilespmem:s9], [sflag:$0x4] =	stream.indirect_vreg.gather [hbm4b:s4+s2], $0x80, v3, vm1, $0xb8;
	[tilespmem:$0x18400] =	vst v63  }
0x240: {  	_ =	swait.ge [sflag:s0], $0x6000  }
0x241: {  	[sflag:s0] =	ssyncset.done $0x0  }
0x242: {  	[sflag:s0] =	ssyncadd.s32 $0xFFFFA000  }
0x243: {  	_ =	swait.ge [sflag:s1], $0x6000  }
0x244: {  	[sflag:s1] =	ssyncset.done $0x0  }
0x245: {  	s0 =	simm.s32 $0x400;
	s8 =	rddreg [dreg:$0x9];
	[sflag:s1] =	ssyncadd.s32 $0xFFFFA000  }
0x246: {  	[hbm4b:s8+s2] =	stream.linear.scatter [tilespmem:s0], [sflag:$0x5], $0x6000, $0x38;
	[tilespmem:$0x18400] =	vst v63  }
0x247: {  	s11 =	simm.s32 $0x6400;
	s9 =	rddreg [dreg:$0xa]  }
0x248: {  	[hbm4b:s9+s2] =	stream.linear.scatter [tilespmem:s11], [sflag:$0x6], $0x6000, $0x38;
	[tilespmem:$0x18400] =	vst v63  }
0x249: {  	_ =	swait.ge [sflag:s5], $0x6000  }
0x24a: {  	[sflag:s5] =	ssyncset.done $0x0  }
0x24b: {  	[sflag:s5] =	ssyncadd.s32 $0xFFFFA000  }
0x24c: {  	_ =	swait.ge [sflag:s10], $0x6000  }
0x24d: {  	[sflag:s10] =	ssyncset.done $0x0  }
0x24e: {  	[sflag:s10] =	ssyncadd.s32 $0xFFFFA000  }
0x24f: {  	_ =	swait.ge [sflag:s12], $0x6000  }
0x250: {  	[sflag:s12] =	ssyncset.done $0x0  }
0x251: {  	[sflag:s12] =	ssyncadd.s32 $0xFFFFA000  }
0x252: {  	_ =	swait.ge [sflag:s13], $0x6000  }
0x253: {  	[sflag:s13] =	ssyncset.done $0x0  }
0x254: {  	s12 =	rddreg [dreg:$0xb];
	[sflag:s13] =	ssyncadd.s32 $0xFFFFA000  }
0x255: {  	[hbm4b:s12+s2] =	stream.linear.scatter [tilespmem:s7], [sflag:$0x7], $0x6000, $0x38;
	[tilespmem:$0x18400] =	vst v63  }
0x256: {  	s13 =	rddreg [dreg:$0xc]  }
0x257: {  	[hbm4b:s13+s2] =	stream.linear.scatter [tilespmem:s6], [sflag:$0x8], $0x6000, $0x38;
	[tilespmem:$0x18400] =	vst v63  }
0x258: {  	p0 =	sne.s32 s16, $0x1;
	_ =	swait.ge [sflag:s14], $0x6000  }
.Ltmp0:
0x259: {  	[sflag:s14] =	ssyncset.done $0x0;
	(pc) =	sbr.rel @p0 .LBB2_1-.Ltmp0, $4  }
0x25a: {  	[sflag:s14] =	ssyncadd.s32 $0xFFFFA000  }
0x25b: {  	_ =	swait.ge [sflag:s15], $0x6000  }
0x25c: {  	[sflag:s15] =	ssyncset.done $0x0  }
0x25d: {  	s16 =	sadd.s32 $0xFFFFFFFF, s16;
	[sflag:s15] =	ssyncadd.s32 $0xFFFFA000  }
0x25e: {  	_ =	sfence.sel $0x180000  }
0x25f: {  	[bflag:$0x0] =	sbarrier.arrive $0xFFFF  }
0x260: {  	_ =	strace $0x9000004A  }
0x261: {  	s0 =	stileid.u32;
	[bflag:$0x2] =	sbarrier.arrive $0xFFFF  }
0x262: {  	p0 =	sne.s32 s0, $0x0;
	s0 =	rddreg [dreg:$0x2]  }
0x263: {  	s0 =	sadd.s32 @!p0 $0x100000, s0  }
0x264: {  	[sflag:s0] =	ssyncadd.tile.s32 @!p0 $0x1;
	_ =	shalt  }
.Lfunc_end2:
_tile_overlayer_lowered:
.L_overlay_start_2:
0x265: {  	(tag) =	ssettag $0x2  }
0x266: {  	s0 =	rddreg [dreg:$0x0];
	s2 =	stileid.u32  }
0x267: {  	s1 =	rddreg [dreg:$0x1];
	p0 =	sne.s32 s2, $0x0  }
0x268: {  	s3 =	rddreg [dreg:$0x2];
	[bflag:$0x3] =	sbarrier.arrive $0xFFFF;
	s2 =	simm.s32 @!p0 $0x1C09  }
0x269: {  	[timem:s3], [sflag:s2] =	dma.local @!p0 [hbm:s0], s1  }
0x26a: {  	s0 =	simm.s32 @!p0 $0x9  }
0x26b: {  	_ =	swait.ge @!p0 [sflag:s0], s1  }
0x26c: {  	s1 =	ssub.s32 @!p0 $0x0, s1;
	[sflag:s0] =	ssyncset.done @!p0 $0x0  }
0x26d: {  	[sflag:s0] =	ssyncadd.s32 @!p0 s1  }
0x26e: {  	[bflag:$0x3] =	sbarrier.arrive $0xFFFF  }
0x26f: {  	_ =	shalt  }

// kernel: kernel.8.cloned.1.call-start
scs
__scs_entry_jumppad:
0x0: {  	(pc) =	sbr.rel $0x88, $3  }
0x1: {  	(tag) =	ssettag $0x0;
	lr =	simm.s32 $0x1  }
0x2: {  	[smem:$0x3F9C] =	sst lr;
	_ =	strace $0xD0000000  }
0x3: {  	_ = 	snop  }
0x4: {  	_ = 	snop  }
0x5: {  	_ = 	snop  }
0x6: {  	_ = 	snop  }
0x7: {  	_ = 	snop  }
__scs_overlays_trampoline_lowered:
0x8: {  	[smem:$0x3FAB] =	sst s0  }
0x9: {  	[smem:$0x3FAC] =	sst s1  }
0xa: {  	[smem:$0x3FAD] =	sst s2  }
0xb: {  	[smem:$0x3FAE] =	sst s3  }
0xc: {  	[smem:$0x3FAF] =	sst s4  }
0xd: {  	[smem:$0x3FB0] =	sst s5  }
0xe: {  	[smem:$0x3FB1] =	sst s6  }
0xf: {  	[smem:$0x3FB2] =	sst s7  }
0x10: {  	[smem:$0x3FB3] =	sst s8  }
0x11: {  	[smem:$0x3FB4] =	sst s9;
	s0 =	simm.s32 @!p0 $0x0  }
0x12: {  	s1 =	sld [smem:$0x3F9A];
	s0 =	simm.s32 @p0 $0x1  }
0x13: {  	[smem:$0x3FB5] =	sst s0;
	s0 =	simm.s32 @!p1 $0x0  }
0x14: {  	s2 =	sld [smem:$0x3F99];
	s0 =	simm.s32 @p1 $0x1  }
0x15: {  	[smem:$0x3FB6] =	sst s0;
	s0 =	simm.s32 @!p2 $0x0  }
0x16: {  	s3 =	sld [smem:$0x3FDB];
	s0 =	simm.s32 @p2 $0x1  }
0x17: {  	s4 =	simm.s32 $0x1BF5;
	[smem:$0x3FB8] =	sst s0  }
0x18: {  	s0 =	sld [smem:$0x3F9B];
	_ =	swait.ge [sflag:s4], $0x0  }
0x19: {  	s7 =	sld [smem:$0x3F9C]  }
0x1a: {  	s8 =	sadd.s32 $0xFFFFE003, lr  }
0x1b: {  	s9 =	sadd.s32 $0xFFFFFEF7, lr;
	s5 =	simm.s32 $0xFFFFFFFF;
	p2 =	slt.u32 s8, $0xFFFFF086  }
0x1c: {  	p1 =	slt.u32 s9, $0xF7A;
	s5 =	simm.s32 @!p2 $0x0  }
0x1d: {  	s5 =	simm.s32 @p1 $0x1;
	p0 =	seq.s32 s7, s2  }
0x1e: {  	s7 =	smul.u32 @!p0 $0xF7A, s2;
	p2 =	seq.s32 @!p0 s5, $0x0  }
0x1f: {  	s9 =	smul.u32 $0xF7A, s1;
	s8 =	simm.s32 @!p0 $0x1BF5;
	p2 =	por !p2, p0  }
0x20: {  	[sflag:s8] =	ssyncset.s32 @!p0 $0xFFFFF086;
	s6 =	sadd.s32 @!p0 s3, s7;
	s7 =	simm.s32 @!p0 $0x108  }
0x21: {  	s3 =	sadd.s32 s3, s9;
	s6 =	sadd.s32 @!p0 $0x88, s6;
	s7 =	simm.s32 @p2 $0x1082  }
0x22: {  	[simem:s7], [sflag:s8] =	dma.local @!p0 [hbm:s6], $0xF7A  }
0x23: {  	s9 =	sor.u32 $0xD0000000, s2;
	s6 =	simm.s32 $0x108;
	_ =	swait.ge @!p0 [sflag:s8], $0x0  }
0x24: {  	s3 =	sadd.s32 $0x88, s3;
	s6 =	simm.s32 @!p1 $0x1082;
	[sflag:s4] =	ssyncset.s32 $0xFFFFF086  }
0x25: {  	[simem:s6], [sflag:s4] =	dma.local [hbm:s3], $0xF7A  }
0x26: {  	[smem:$0x3F9C] =	sst s1;
	(tag) =	ssettag s2;
	_ =	strace s9  }
0x27: {  	s1 =	sld [smem:$0x3FAC]  }
0x28: {  	s2 =	sld [smem:$0x3FAD]  }
0x29: {  	s4 =	sld [smem:$0x3FAF]  }
0x2a: {  	p0 =	seq.s32 s5, $0x0;
	s5 =	sld [smem:$0x3FB0]  }
0x2b: {  	s6 =	sld [smem:$0x3FB1]  }
0x2c: {  	s7 =	sld [smem:$0x3FB2]  }
0x2d: {  	s3 =	simm.s32 $0x108;
	s8 =	sld [smem:$0x3FB3]  }
0x2e: {  	s3 =	simm.s32 @!p0 $0x1082;
	s9 =	sld [smem:$0x3FB4]  }
0x2f: {  	lr =	sadd.s32 s0, s3;
	s0 =	sld [smem:$0x3FAB]  }
0x30: {  	s3 =	sld [smem:$0x3FAE]  }
0x31: {  	[smem:$0x3FB7] =	sst s10  }
0x32: {  	s10 =	sld [smem:$0x3FB5];
	_ =	sdelay $0x3  }
0x33: {  	p0 =	seq.s32 s10, $0x1;
	s10 =	sld [smem:$0x3FB7];
	_ =	sdelay $0x3  }
0x34: {  	[smem:$0x3FB7] =	sst s10  }
0x35: {  	s10 =	sld [smem:$0x3FB6];
	_ =	sdelay $0x3  }
0x36: {  	p1 =	seq.s32 s10, $0x1;
	s10 =	sld [smem:$0x3FB7];
	_ =	sdelay $0x3  }
0x37: {  	[smem:$0x3FB7] =	sst s10  }
0x38: {  	s10 =	sld [smem:$0x3FB8]  }
0x39: {  	_ = 	snop;
	(pc) =	sbr.ind lr, $3  }
0x3a: {  	_ = 	snop  }
0x3b: {  	_ = 	snop  }
0x3c: {  	p2 =	seq.s32 s10, $0x1;
	s10 =	sld [smem:$0x3FB7]  }
0x3d: {  	_ =	shalt  }
0x3e: {  	_ =	shalt  }
0x3f: {  	_ =	shalt  }
0x40: {  	_ =	shalt  }
0x41: {  	_ =	shalt  }
0x42: {  	_ =	shalt  }
0x43: {  	_ =	shalt  }
0x44: {  	_ =	shalt  }
0x45: {  	_ =	shalt  }
0x46: {  	_ =	shalt  }
0x47: {  	_ =	shalt  }
0x48: {  	_ =	shalt  }
0x49: {  	_ =	shalt  }
0x4a: {  	_ =	shalt  }
0x4b: {  	_ =	shalt  }
0x4c: {  	_ =	shalt  }
0x4d: {  	_ =	shalt  }
0x4e: {  	_ =	shalt  }
0x4f: {  	_ =	shalt  }
0x50: {  	_ =	shalt  }
0x51: {  	_ =	shalt  }
0x52: {  	_ =	shalt  }
0x53: {  	_ =	shalt  }
0x54: {  	_ =	shalt  }
0x55: {  	_ =	shalt  }
0x56: {  	_ =	shalt  }
0x57: {  	_ =	shalt  }
0x58: {  	_ =	shalt  }
0x59: {  	_ =	shalt  }
0x5a: {  	_ =	shalt  }
0x5b: {  	_ =	shalt  }
0x5c: {  	_ =	shalt  }
0x5d: {  	_ =	shalt  }
0x5e: {  	_ =	shalt  }
0x5f: {  	_ =	shalt  }
0x60: {  	_ =	shalt  }
0x61: {  	_ =	shalt  }
0x62: {  	_ =	shalt  }
0x63: {  	_ =	shalt  }
0x64: {  	_ =	shalt  }
0x65: {  	_ =	shalt  }
0x66: {  	_ =	shalt  }
0x67: {  	_ =	shalt  }
0x68: {  	_ =	shalt  }
0x69: {  	_ =	shalt  }
0x6a: {  	_ =	shalt  }
0x6b: {  	_ =	shalt  }
0x6c: {  	_ =	shalt  }
0x6d: {  	_ =	shalt  }
0x6e: {  	_ =	shalt  }
0x6f: {  	_ =	shalt  }
0x70: {  	_ =	shalt  }
0x71: {  	_ =	shalt  }
0x72: {  	_ =	shalt  }
0x73: {  	_ =	shalt  }
0x74: {  	_ =	shalt  }
0x75: {  	_ =	shalt  }
0x76: {  	_ =	shalt  }
0x77: {  	_ =	shalt  }
0x78: {  	_ =	shalt  }
0x79: {  	_ =	shalt  }
0x7a: {  	_ =	shalt  }
0x7b: {  	_ =	shalt  }
0x7c: {  	_ =	shalt  }
0x7d: {  	_ =	shalt  }
0x7e: {  	_ =	shalt  }
0x7f: {  	_ =	shalt  }
0x80: {  	_ =	shalt  }
0x81: {  	_ =	shalt  }
0x82: {  	_ =	shalt  }
0x83: {  	_ =	shalt  }
0x84: {  	_ =	shalt  }
0x85: {  	_ =	shalt  }
0x86: {  	_ =	shalt  }
0x87: {  	_ =	shalt  }
.Lfunc_end0:
.L_simem_size_0:
called_computation_lowered:
.L_overlay_start_0:
0x88: {  	s2 =	sld [smem:$0x3FD9]  }
0x89: {  	s3 =	sld [smem:$0x3FFE];
	_ =	sdelay $0x1  }
0x8a: {  	s1 =	srdreg.scid  }
0x8b: {  	s0 =	sand.u32 $0x1, s1  }
0x8c: {  	s17 =	sshll.u32 s0, $0xA;
	s2 =	sadd.s32 s3, s2  }
0x8d: {  	s2 =	sadd.s32 s2, s17  }
0x8e: {  	[smem:$0x3FC3] =	sst s2  }
0x8f: {  	_ = 	snop  }
0x90: {  	s2 =	sld [smem:$0x3FD0];
	(tm) =	ssettm $0x1  }
0x91: {  	s18 =	sld [smem:$0x3FFB];
	_ =	sdelay $0x3  }
0x92: {  	_ =	strace s18  }
0x93: {  	s3 =	sld [smem:$0x3FFC];
	_ =	sdelay $0x3  }
0x94: {  	_ =	strace s3  }
0x95: {  	s3 =	sld [smem:$0x3FFD];
	_ =	sdelay $0x3  }
0x96: {  	_ =	strace s3  }
0x97: {  	_ =	strace $0x8FFFFFFF  }
0x98: {  	s19 =	sld [smem:$0x3FDB];
	_ =	sdelay $0x1  }
0x99: {  	s4 =	simm.s32 $_scs_section_size  }
0x9a: {  	s5 =	simm.s32 $_size__tile_overlayer_lowered;
	s6 =	simm.s32 $_tile_overlayer_lowered  }
0x9b: {  	s22 =	simm.s32 $0x1BFF;
	s21 =	sshll.u32 s6, $0x1;
	s3 =	sadd.s32 s4, s19  }
0x9c: {  	s7 =	simm.s32 $0x0;
	s20 =	sshll.u32 s5, $0x1;
	s5 =	sadd.s32 s21, s3  }
0x9d: {  	[timem:s7], [sflag:s22] =	dma.local [hbm:s5], s20  }
0x9e: {  	_ =	swait.ge [sflag:s22], s20  }
0x9f: {  	s4 =	ssub.s32 $0x0, s20;
	[sflag:s22] =	ssyncset.done $0x0  }
0xa0: {  	[sflag:s22] =	ssyncadd.s32 s4;
	_ =	sdelay $0x1  }
0xa1: {  	s23 =	simm.s32 $0x1B8B  }
0xa2: {  	_ =	swait.ge [sflag:s23], $0x1  }
0xa3: {  	[sflag:s23] =	ssyncset.done $0x0  }
0xa4: {  	s25 =	simm.s32 $0x1B8E;
	s24 =	sld [smem:$0x3FFE];
	[sflag:s23] =	ssyncadd.s32 $0xFFFFFFFF  }
0xa5: {  	s26 =	simm.s32 $execute0_lowered;
	[smem:$0x3FD2] =	sst s25  }
0xa6: {  	s5 =	sshll.u32 s26, $0x1;
	_ =	strace $0x80000046;
	[dreg:$0x1] =	wrdreg $0xFFFFFFFF  }
0xa7: {  	s28 =	simm.s32 $_size_execute0_lowered;
	s3 =	sadd.s32 s3, s5;
	[dreg:$0x0] =	wrdreg $0x0  }
0xa8: {  	s5 =	sshll.u32 s28, $0x1;
	[dreg:$0x2] =	wrdreg s3  }
0xa9: {  	[dreg:$0x3] =	wrdreg s5  }
0xaa: {  	[dreg:$0x4] =	wrdreg $0xC0  }
0xab: {  	_ =	task [dreg:s7], $0x5FFFF  }
0xac: {  	[dreg:$0x1] =	wrdreg $0xFFFFFFFF  }
0xad: {  	[dreg:$0x0] =	wrdreg $0x60  }
0xae: {  	[dreg:$0x2] =	wrdreg s2  }
0xaf: {  	[dreg:$0x3] =	wrdreg s24  }
0xb0: {  	[dreg:$0x4] =	wrdreg $0x9  }
0xb1: {  	_ =	task.clear_ibuf [dreg:s7], $0x5FFFF;
	_ =	strace $0x90000046  }
0xb2: {  	s29 =	simm.s32 $0x9;
	_ =	strace $0x80000048  }
0xb3: {  	_ =	swait.ge [sflag:s29], $0x1  }
0xb4: {  	[sflag:s29] =	ssyncadd.s32 $0xFFFFFFFF  }
0xb5: {  	_ =	strace $0x90000048  }
0xb6: {  	_ =	sfence  }
0xb7: {  	s30 =	sld [smem:$0x0];
	_ =	sdelay $0x2  }
0xb8: {  	s31 =	sshll.u32 s1, $0xD;
	s1 =	sshrl.u32 s1, $0x2  }
0xb9: {  	s3 =	sand.u32 $0x4000, s31;
	s1 =	sadd.s32 s1, s30  }
0xba: {  	s0 =	sor.u32 s3, s0;
	s1 =	sshll.u32 s1, $0x11  }
0xbb: {  	s0 =	sor.u32 s1, s0  }
0xbc: {  	s0 =	sadd.s32 $0x8F2B, s0  }
0xbd: {  	[sflag:s0] =	ssyncadd.remote.s32 $0x1  }
0xbe: {  	_ =	sfence.sel $0xFFFF  }
0xbf: {  	[dreg:$0x0] =	wrdreg $0xFFFFFFFF;
	(pc) =	sbr.abs _section_cstart, $3  }
0xc0: {  	[dreg:$0x1] =	wrdreg $0xFFFFFFFF  }
0xc1: {  	_ =	task.clear_ibuf [dreg:s7], $0x2FFFF;
	_ =	strace $0x9FFFFFFF  }
0xc2: {  	(tm) =	ssettm $0x7FFFFFFF  }
0xc3: {  	_ =	shalt  }
tec
execute0_lowered:
.L_overlay_start_1:
0x0: {  	(tag) =	ssettag $0x1  }
0x1: {  	s0 =	rddreg [dreg:$0x0]  }
0x2: {  	s1 =	rddreg [dreg:$0x1];
	s2 =	srdreg.scid  }
0x3: {  	s6 =	stileid.u32;
	s26 =	simm.s32 $0x200;
	s28 =	simm.s32 $0x3  }
0x4: {  	s29 =	simm.s32 $0x4;
	s21 =	simm.s32 $0x2;
	s30 =	simm.s32 $0x3C00  }
0x5: {  	s31 =	simm.s32 $0x4000;
	s4 =	sand.u32 $0x1, s2;
	s3 =	sshll.u32 s6, $0x7  }
0x6: {  	s6 =	sshll.u32 s6, $0x1;
	s2 =	simm.s32 $0x0;
	s5 =	sshll.u32 s4, $0x6  }
0x7: {  	s22 =	sor.u32 s4, s6;
	[smem:$0x7FF] =	sst s2;
	s4 =	ssub.s32 $0x2, s4  }
0x8: {  	s3 =	sor.u32 s5, s3;
	s7 =	smul.u32 $0x3000, s22;
	_ =	strace $0x80000047  }
0x9: {  	s5 =	smul.u32 $0x18000, s22;
	s25 =	sshrl.u32 s4, $0x1;
	s23 =	sadd.s32 s3, s1  }
0xa: {  	[dreg:$0x8] =	wrdreg s26;
	s22 =	simm.s32 $0x5800;
	s8 =	sadd.s32 $0x2000, s23  }
0xb: {  	s3 =	sadd.s32 $0x3000, s1;
	s6 =	sadd.s32 $0x2800, s23;
	[dreg:$0x3] =	wrdreg s8  }
0xc: {  	s7 =	sadd.s32 s0, s7;
	s5 =	sshrl.u32 s5, $0x3;
	[dreg:$0x4] =	wrdreg s6  }
0xd: {  	[dreg:$0x9] =	wrdreg s7;
	s24 =	sadd.s32 $0xC00, s7;
	s0 =	sadd.s32 s0, s5  }
0xe: {  	v2 =	vlaneseq.u32;
	s4 =	ssub.s32 s4, s25;
	[dreg:$0x5] =	wrdreg s24;
	s5 =	sadd.s32 $0x1800, s0  }
0xf: {  	vm0 =	vmmov $0xffff;
	vm1 =	vmmov $0xff;
	v1 =	vshrl.u32 v2, $0x3;
	s25 =	simm.s32 $0x3400;
	s0 =	sadd.s32 $0x2400, s0;
	[dreg:$0x6] =	wrdreg s5  }
0x10: {  	v0 =	vand.u32 $0x7, v2;
	v2 =	vor.u32 $0x8, v2;
	v1 =	vmul.u32 $0x8, v1;
	s4 =	smax.u32 s4, $0x1;
	s5 =	sadd.s32 $0x3100, s1;
	[dreg:$0x7] =	wrdreg s0  }
.LBB2_1:
0x11: {  	[dreg:$0xa] =	wrdreg s4  }
0x12: {  	s23 =	rddreg [dreg:$0x3];
	s0 =	simm.s32 $0x7  }
0x13: {  	[tilespmem:s2], [sflag:$0x7] =	stream.linear.gather [hbm4b:s23+s2], $0x200, $0x38;
	[tilespmem:$0xC400] =	vst v63  }
0x14: {  	_ =	swait.ge [sflag:s0], $0x200  }
0x15: {  	s16 =	rddreg [dreg:$0x4];
	[sflag:s0] =	ssyncset.done $0x0  }
0x16: {  	s24 =	rddreg [dreg:$0x8];
	[sflag:s0] =	ssyncadd.s32 $0xFFFFFE00  }
0x17: {  	[tilespmem:s24], [sflag:$0x7] =	stream.linear.gather [hbm4b:s16+s2], $0x200, $0x38;
	[tilespmem:$0xC400] =	vst v63  }
0x18: {  	_ =	swait.ge [sflag:s0], $0x200  }
0x19: {  	[sflag:s0] =	ssyncset.done $0x0  }
0x1a: {  	s19 =	simm.s32 $0x400;
	s18 =	rddreg [dreg:$0x9];
	[sflag:s0] =	ssyncadd.s32 $0xFFFFFE00  }
0x1b: {  	[tilespmem:s19], [sflag:$0x1] =	stream.linear.gather [hbm4b:s18+s2], $0x6000, $0x38;
	[tilespmem:$0xC400] =	vst v63  }
0x1c: {  	s20 =	simm.s32 $0x6400;
	s26 =	simm.s32 $0x1;
	s17 =	rddreg [dreg:$0x5]  }
0x1d: {  	[tilespmem:s20], [sflag:$0x2] =	stream.linear.gather [hbm4b:s17+s2], $0x6000, $0x38;
	[tilespmem:$0xC400] =	vst v63  }
0x1e: {  	_ =	swait.ge [sflag:s26], $0x6000  }
0x1f: {  	[sflag:s26] =	ssyncset.done $0x0  }
0x20: {  	[sflag:s26] =	ssyncadd.s32 $0xFFFFA000  }
0x21: {  	v3 =	vld [tilespmem:$0x0];
	_ =	sdelay $0x4  }
0x22: {  	v4 =	vshrl.u32 v3, $0x3  }
0x23: {  	v4 =	vmul.u32 $0x18, v4  }
0x24: {  	v3 =	vand.u32 $0x7, v3  }
0x25: {  	v3 =	vor.u32 v3, v4  }
0x26: {  	v4 =	vperm.xlane v3, v0;
	_ =	sdelay $0x1  }
0x27: {  	v4 =	vadd.s32 v1, v4;
	_ =	sdelay $0x1  }
0x28: {  	v3 =	vperm.xlane v3, v2;
	_ =	sdelay $0x1  }
0x29: {  	s24 =	simm.s32 $0x400;
	v3 =	vadd.s32 v1, v3  }
0x2a: {  	[hbm4b:s3+s2] =	stream.indirect_vreg.scatter [tilespmem:s24], [sflag:$0x3], $0x80, v4, vm0, $0xb8;
	[tilespmem:$0xC400] =	vst v63  }
0x2b: {  	s23 =	simm.s32 $0xC00  }
0x2c: {  	[hbm4b:s5+s2] =	stream.indirect_vreg.scatter [tilespmem:s23], [sflag:$0x3], $0x80, v4, vm1, $0xb8;
	[tilespmem:$0xC400] =	vst v63  }
0x2d: {  	s1 =	simm.s32 $0x1000  }
0x2e: {  	[hbm4b:s3+s2] =	stream.indirect_vreg.scatter [tilespmem:s1], [sflag:$0x3], $0x80, v3, vm0, $0xb8;
	[tilespmem:$0xC400] =	vst v63  }
0x2f: {  	s4 =	simm.s32 $0x1800  }
0x30: {  	[hbm4b:s5+s2] =	stream.indirect_vreg.scatter [tilespmem:s4], [sflag:$0x3], $0x80, v3, vm1, $0xb8;
	[tilespmem:$0xC400] =	vst v63  }
0x31: {  	v3 =	vld [tilespmem:$0x10];
	_ =	sdelay $0x4  }
0x32: {  	v33 =	vshrl.u32 v3, $0x3  }
0x33: {  	v4 =	vmul.u32 $0x18, v33  }
0x34: {  	v3 =	vand.u32 $0x7, v3  }
0x35: {  	v3 =	vor.u32 v3, v4  }
0x36: {  	v4 =	vperm.xlane v3, v0;
	_ =	sdelay $0x1  }
0x37: {  	v4 =	vadd.s32 v1, v4;
	_ =	sdelay $0x1  }
0x38: {  	v3 =	vperm.xlane v3, v2;
	_ =	sdelay $0x1  }
0x39: {  	s7 =	simm.s32 $0x1C00;
	v3 =	vadd.s32 v1, v3  }
0x3a: {  	[hbm4b:s3+s2] =	stream.indirect_vreg.scatter [tilespmem:s7], [sflag:$0x3], $0x80, v4, vm0, $0xb8;
	[tilespmem:$0xC400] =	vst v63  }
0x3b: {  	s8 =	simm.s32 $0x2400  }
0x3c: {  	[hbm4b:s5+s2] =	stream.indirect_vreg.scatter [tilespmem:s8], [sflag:$0x3], $0x80, v4, vm1, $0xb8;
	[tilespmem:$0xC400] =	vst v63  }
0x3d: {  	s9 =	simm.s32 $0x2800  }
0x3e: {  	[hbm4b:s3+s2] =	stream.indirect_vreg.scatter [tilespmem:s9], [sflag:$0x3], $0x80, v3, vm0, $0xb8;
	[tilespmem:$0xC400] =	vst v63  }
0x3f: {  	s10 =	simm.s32 $0x3000  }
0x40: {  	[hbm4b:s5+s2] =	stream.indirect_vreg.scatter [tilespmem:s10], [sflag:$0x3], $0x80, v3, vm1, $0xb8;
	[tilespmem:$0xC400] =	vst v63  }
0x41: {  	v3 =	vld [tilespmem:$0x20];
	_ =	sdelay $0x4  }
0x42: {  	v34 =	vshrl.u32 v3, $0x3  }
0x43: {  	v4 =	vmul.u32 $0x18, v34  }
0x44: {  	v3 =	vand.u32 $0x7, v3  }
0x45: {  	v3 =	vor.u32 v3, v4  }
0x46: {  	v4 =	vperm.xlane v3, v0;
	_ =	sdelay $0x1  }
0x47: {  	v4 =	vadd.s32 v1, v4;
	_ =	sdelay $0x1  }
0x48: {  	v3 =	vperm.xlane v3, v2;
	_ =	sdelay $0x1  }
0x49: {  	s11 =	simm.s32 $0x3400;
	v3 =	vadd.s32 v1, v3  }
0x4a: {  	[hbm4b:s3+s2] =	stream.indirect_vreg.scatter [tilespmem:s11], [sflag:$0x3], $0x80, v4, vm0, $0xb8;
	[tilespmem:$0xC400] =	vst v63  }
0x4b: {  	s12 =	simm.s32 $0x3C00  }
0x4c: {  	[hbm4b:s5+s2] =	stream.indirect_vreg.scatter [tilespmem:s12], [sflag:$0x3], $0x80, v4, vm1, $0xb8;
	[tilespmem:$0xC400] =	vst v63  }
0x4d: {  	s13 =	simm.s32 $0x4000  }
0x4e: {  	[hbm4b:s3+s2] =	stream.indirect_vreg.scatter [tilespmem:s13], [sflag:$0x3], $0x80, v3, vm0, $0xb8;
	[tilespmem:$0xC400] =	vst v63  }
0x4f: {  	s15 =	simm.s32 $0x4800  }
0x50: {  	[hbm4b:s5+s2] =	stream.indirect_vreg.scatter [tilespmem:s15], [sflag:$0x3], $0x80, v3, vm1, $0xb8;
	[tilespmem:$0xC400] =	vst v63  }
0x51: {  	v3 =	vld [tilespmem:$0x30];
	_ =	sdelay $0x4  }
0x52: {  	v35 =	vshrl.u32 v3, $0x3  }
0x53: {  	v4 =	vmul.u32 $0x18, v35  }
0x54: {  	v3 =	vand.u32 $0x7, v3  }
0x55: {  	v3 =	vor.u32 v3, v4  }
0x56: {  	v4 =	vperm.xlane v3, v0;
	_ =	sdelay $0x1  }
0x57: {  	v4 =	vadd.s32 v1, v4;
	_ =	sdelay $0x1  }
0x58: {  	v3 =	vperm.xlane v3, v2;
	_ =	sdelay $0x1  }
0x59: {  	s18 =	simm.s32 $0x4C00;
	v3 =	vadd.s32 v1, v3  }
0x5a: {  	[hbm4b:s3+s2] =	stream.indirect_vreg.scatter [tilespmem:s18], [sflag:$0x3], $0x80, v4, vm0, $0xb8;
	[tilespmem:$0xC400] =	vst v63  }
0x5b: {  	s20 =	simm.s32 $0x5400  }
0x5c: {  	[hbm4b:s5+s2] =	stream.indirect_vreg.scatter [tilespmem:s20], [sflag:$0x3], $0x80, v4, vm1, $0xb8;
	[tilespmem:$0xC400] =	vst v63  }
0x5d: {  	s23 =	simm.s32 $0x5800  }
0x5e: {  	[hbm4b:s3+s2] =	stream.indirect_vreg.scatter [tilespmem:s23], [sflag:$0x3], $0x80, v3, vm0, $0xb8;
	[tilespmem:$0xC400] =	vst v63  }
0x5f: {  	s9 =	simm.s32 $0x6000  }
0x60: {  	[hbm4b:s5+s2] =	stream.indirect_vreg.scatter [tilespmem:s9], [sflag:$0x3], $0x80, v3, vm1, $0xb8;
	[tilespmem:$0xC400] =	vst v63  }
0x61: {  	v3 =	vld [tilespmem:$0x200];
	_ =	sdelay $0x4  }
0x62: {  	v36 =	vshrl.u32 v3, $0x3  }
0x63: {  	v4 =	vmul.u32 $0x18, v36  }
0x64: {  	v3 =	vand.u32 $0x7, v3  }
0x65: {  	v3 =	vor.u32 v3, v4  }
0x66: {  	v4 =	vperm.xlane v3, v0;
	_ =	sdelay $0x1  }
0x67: {  	v4 =	vadd.s32 v1, v4;
	_ =	sdelay $0x1  }
0x68: {  	v3 =	vperm.xlane v3, v2;
	_ =	sdelay $0x1  }
0x69: {  	v3 =	vadd.s32 v1, v3  }
0x6a: {  	[hbm4b:s3+s2] =	stream.indirect_vreg.scatter [tilespmem:s24], [sflag:$0x4], $0x80, v4, vm0, $0xb8;
	[tilespmem:$0xC400] =	vst v63  }
0x6b: {  	s19 =	simm.s32 $0xC00  }
0x6c: {  	[hbm4b:s5+s2] =	stream.indirect_vreg.scatter [tilespmem:s19], [sflag:$0x4], $0x80, v4, vm1, $0xb8;
	[tilespmem:$0xC400] =	vst v63  }
0x6d: {  	s6 =	simm.s32 $0x1000  }
0x6e: {  	[hbm4b:s3+s2] =	stream.indirect_vreg.scatter [tilespmem:s6], [sflag:$0x4], $0x80, v3, vm0, $0xb8;
	[tilespmem:$0xC400] =	vst v63  }
0x6f: {  	s16 =	simm.s32 $0x1800  }
0x70: {  	[hbm4b:s5+s2] =	stream.indirect_vreg.scatter [tilespmem:s16], [sflag:$0x4], $0x80, v3, vm1, $0xb8;
	[tilespmem:$0xC400] =	vst v63  }
0x71: {  	v3 =	vld [tilespmem:$0x210];
	_ =	sdelay $0x4  }
0x72: {  	v37 =	vshrl.u32 v3, $0x3  }
0x73: {  	v4 =	vmul.u32 $0x18, v37  }
0x74: {  	v3 =	vand.u32 $0x7, v3  }
0x75: {  	v3 =	vor.u32 v3, v4  }
0x76: {  	v4 =	vperm.xlane v3, v0;
	_ =	sdelay $0x1  }
0x77: {  	v4 =	vadd.s32 v1, v4;
	_ =	sdelay $0x1  }
0x78: {  	v3 =	vperm.xlane v3, v2;
	_ =	sdelay $0x1  }
0x79: {  	s17 =	simm.s32 $0x1C00;
	v3 =	vadd.s32 v1, v3  }
0x7a: {  	[hbm4b:s3+s2] =	stream.indirect_vreg.scatter [tilespmem:s17], [sflag:$0x4], $0x80, v4, vm0, $0xb8;
	[tilespmem:$0xC400] =	vst v63  }
0x7b: {  	s1 =	simm.s32 $0x2400  }
0x7c: {  	[hbm4b:s5+s2] =	stream.indirect_vreg.scatter [tilespmem:s1], [sflag:$0x4], $0x80, v4, vm1, $0xb8;
	[tilespmem:$0xC400] =	vst v63  }
0x7d: {  	s4 =	simm.s32 $0x2800  }
0x7e: {  	[hbm4b:s3+s2] =	stream.indirect_vreg.scatter [tilespmem:s4], [sflag:$0x4], $0x80, v3, vm0, $0xb8;
	[tilespmem:$0xC400] =	vst v63  }
0x7f: {  	s14 =	simm.s32 $0x3000  }
0x80: {  	[hbm4b:s5+s2] =	stream.indirect_vreg.scatter [tilespmem:s14], [sflag:$0x4], $0x80, v3, vm1, $0xb8;
	[tilespmem:$0xC400] =	vst v63  }
0x81: {  	v3 =	vld [tilespmem:$0x220];
	_ =	sdelay $0x4  }
0x82: {  	v38 =	vshrl.u32 v3, $0x3  }
0x83: {  	v4 =	vmul.u32 $0x18, v38  }
0x84: {  	v3 =	vand.u32 $0x7, v3  }
0x85: {  	v3 =	vor.u32 v3, v4  }
0x86: {  	v4 =	vperm.xlane v3, v0;
	_ =	sdelay $0x1  }
0x87: {  	v4 =	vadd.s32 v1, v4;
	_ =	sdelay $0x1  }
0x88: {  	v3 =	vperm.xlane v3, v2;
	_ =	sdelay $0x1  }
0x89: {  	s7 =	simm.s32 $0x3400;
	v3 =	vadd.s32 v1, v3  }
0x8a: {  	[hbm4b:s3+s2] =	stream.indirect_vreg.scatter [tilespmem:s7], [sflag:$0x4], $0x80, v4, vm0, $0xb8;
	[tilespmem:$0xC400] =	vst v63  }
0x8b: {  	s8 =	simm.s32 $0x3C00  }
0x8c: {  	[hbm4b:s5+s2] =	stream.indirect_vreg.scatter [tilespmem:s8], [sflag:$0x4], $0x80, v4, vm1, $0xb8;
	[tilespmem:$0xC400] =	vst v63  }
0x8d: {  	s10 =	simm.s32 $0x4000  }
0x8e: {  	[hbm4b:s3+s2] =	stream.indirect_vreg.scatter [tilespmem:s10], [sflag:$0x4], $0x80, v3, vm0, $0xb8;
	[tilespmem:$0xC400] =	vst v63  }
0x8f: {  	s15 =	simm.s32 $0x4800  }
0x90: {  	[hbm4b:s5+s2] =	stream.indirect_vreg.scatter [tilespmem:s15], [sflag:$0x4], $0x80, v3, vm1, $0xb8;
	[tilespmem:$0xC400] =	vst v63  }
0x91: {  	v3 =	vld [tilespmem:$0x230];
	_ =	sdelay $0x4  }
0x92: {  	v39 =	vshrl.u32 v3, $0x3  }
0x93: {  	v4 =	vmul.u32 $0x18, v39  }
0x94: {  	v3 =	vand.u32 $0x7, v3  }
0x95: {  	v3 =	vor.u32 v3, v4  }
0x96: {  	v4 =	vperm.xlane v3, v0;
	_ =	sdelay $0x1  }
0x97: {  	v4 =	vadd.s32 v1, v4;
	_ =	sdelay $0x1  }
0x98: {  	v3 =	vperm.xlane v3, v2;
	_ =	sdelay $0x1  }
0x99: {  	s11 =	simm.s32 $0x4C00;
	v3 =	vadd.s32 v1, v3  }
0x9a: {  	[hbm4b:s3+s2] =	stream.indirect_vreg.scatter [tilespmem:s11], [sflag:$0x4], $0x80, v4, vm0, $0xb8;
	[tilespmem:$0xC400] =	vst v63  }
0x9b: {  	s12 =	simm.s32 $0x5400  }
0x9c: {  	[hbm4b:s5+s2] =	stream.indirect_vreg.scatter [tilespmem:s12], [sflag:$0x4], $0x80, v4, vm1, $0xb8;
	[tilespmem:$0xC400] =	vst v63  }
0x9d: {  	s13 =	simm.s32 $0x5800  }
0x9e: {  	[hbm4b:s3+s2] =	stream.indirect_vreg.scatter [tilespmem:s13], [sflag:$0x4], $0x80, v3, vm0, $0xb8;
	[tilespmem:$0xC400] =	vst v63  }
0x9f: {  	s18 =	simm.s32 $0x6000  }
0xa0: {  	[hbm4b:s5+s2] =	stream.indirect_vreg.scatter [tilespmem:s18], [sflag:$0x4], $0x80, v3, vm1, $0xb8;
	[tilespmem:$0xC400] =	vst v63  }
0xa1: {  	_ =	swait.ge [sflag:s28], $0x6000  }
0xa2: {  	[sflag:s28] =	ssyncset.done $0x0  }
0xa3: {  	[sflag:s28] =	ssyncadd.s32 $0xFFFFA000  }
0xa4: {  	_ =	swait.ge [sflag:s29], $0x6000  }
0xa5: {  	[sflag:s29] =	ssyncset.done $0x0  }
0xa6: {  	s20 =	rddreg [dreg:$0x6];
	[sflag:s29] =	ssyncadd.s32 $0xFFFFA000  }
0xa7: {  	[tilespmem:s24], [sflag:$0x1] =	stream.linear.gather [hbm4b:s20+s2], $0x6000, $0x38;
	[tilespmem:$0xC400] =	vst v63  }
0xa8: {  	_ =	swait.ge [sflag:s21], $0x6000  }
0xa9: {  	[sflag:s21] =	ssyncset.done $0x0  }
0xaa: {  	[sflag:s21] =	ssyncadd.s32 $0xFFFFA000  }
0xab: {  	v3 =	vld [tilespmem:$0x80];
	_ =	sdelay $0x4  }
0xac: {  	v40 =	vshrl.u32 v3, $0x3  }
0xad: {  	v4 =	vmul.u32 $0x18, v40  }
0xae: {  	v3 =	vand.u32 $0x7, v3  }
0xaf: {  	v3 =	vor.u32 v3, v4  }
0xb0: {  	v4 =	vperm.xlane v3, v0;
	_ =	sdelay $0x1  }
0xb1: {  	v4 =	vadd.s32 v1, v4;
	_ =	sdelay $0x1  }
0xb2: {  	v3 =	vperm.xlane v3, v2;
	_ =	sdelay $0x1  }
0xb3: {  	s23 =	simm.s32 $0x6400;
	v3 =	vadd.s32 v1, v3  }
0xb4: {  	[hbm4b:s3+s2] =	stream.indirect_vreg.scatter [tilespmem:s23], [sflag:$0x5], $0x80, v4, vm0, $0xb8;
	[tilespmem:$0xC400] =	vst v63  }
0xb5: {  	s19 =	simm.s32 $0x6C00  }
0xb6: {  	[hbm4b:s5+s2] =	stream.indirect_vreg.scatter [tilespmem:s19], [sflag:$0x5], $0x80, v4, vm1, $0xb8;
	[tilespmem:$0xC400] =	vst v63  }
0xb7: {  	s10 =	simm.s32 $0x7000  }
0xb8: {  	[hbm4b:s3+s2] =	stream.indirect_vreg.scatter [tilespmem:s10], [sflag:$0x5], $0x80, v3, vm0, $0xb8;
	[tilespmem:$0xC400] =	vst v63  }
0xb9: {  	s11 =	simm.s32 $0x7800  }
0xba: {  	[hbm4b:s5+s2] =	stream.indirect_vreg.scatter [tilespmem:s11], [sflag:$0x5], $0x80, v3, vm1, $0xb8;
	[tilespmem:$0xC400] =	vst v63  }
0xbb: {  	v3 =	vld [tilespmem:$0x90];
	_ =	sdelay $0x4  }
0xbc: {  	v41 =	vshrl.u32 v3, $0x3  }
0xbd: {  	v4 =	vmul.u32 $0x18, v41  }
0xbe: {  	v3 =	vand.u32 $0x7, v3  }
0xbf: {  	v3 =	vor.u32 v3, v4  }
0xc0: {  	v4 =	vperm.xlane v3, v0;
	_ =	sdelay $0x1  }
0xc1: {  	v4 =	vadd.s32 v1, v4;
	_ =	sdelay $0x1  }
0xc2: {  	v3 =	vperm.xlane v3, v2;
	_ =	sdelay $0x1  }
0xc3: {  	s12 =	simm.s32 $0x7C00;
	v3 =	vadd.s32 v1, v3  }
0xc4: {  	[hbm4b:s3+s2] =	stream.indirect_vreg.scatter [tilespmem:s12], [sflag:$0x5], $0x80, v4, vm0, $0xb8;
	[tilespmem:$0xC400] =	vst v63  }
0xc5: {  	s13 =	simm.s32 $0x8400  }
0xc6: {  	[hbm4b:s5+s2] =	stream.indirect_vreg.scatter [tilespmem:s13], [sflag:$0x5], $0x80, v4, vm1, $0xb8;
	[tilespmem:$0xC400] =	vst v63  }
0xc7: {  	s17 =	simm.s32 $0x8800  }
0xc8: {  	[hbm4b:s3+s2] =	stream.indirect_vreg.scatter [tilespmem:s17], [sflag:$0x5], $0x80, v3, vm0, $0xb8;
	[tilespmem:$0xC400] =	vst v63  }
0xc9: {  	s14 =	simm.s32 $0x9000  }
0xca: {  	[hbm4b:s5+s2] =	stream.indirect_vreg.scatter [tilespmem:s14], [sflag:$0x5], $0x80, v3, vm1, $0xb8;
	[tilespmem:$0xC400] =	vst v63  }
0xcb: {  	v3 =	vld [tilespmem:$0xA0];
	_ =	sdelay $0x4  }
0xcc: {  	v42 =	vshrl.u32 v3, $0x3  }
0xcd: {  	v4 =	vmul.u32 $0x18, v42  }
0xce: {  	v3 =	vand.u32 $0x7, v3  }
0xcf: {  	v3 =	vor.u32 v3, v4  }
0xd0: {  	v4 =	vperm.xlane v3, v0;
	_ =	sdelay $0x1  }
0xd1: {  	v4 =	vadd.s32 v1, v4;
	_ =	sdelay $0x1  }
0xd2: {  	v3 =	vperm.xlane v3, v2;
	_ =	sdelay $0x1  }
0xd3: {  	s15 =	simm.s32 $0x9400;
	v3 =	vadd.s32 v1, v3  }
0xd4: {  	[hbm4b:s3+s2] =	stream.indirect_vreg.scatter [tilespmem:s15], [sflag:$0x5], $0x80, v4, vm0, $0xb8;
	[tilespmem:$0xC400] =	vst v63  }
0xd5: {  	s16 =	simm.s32 $0x9C00  }
0xd6: {  	[hbm4b:s5+s2] =	stream.indirect_vreg.scatter [tilespmem:s16], [sflag:$0x5], $0x80, v4, vm1, $0xb8;
	[tilespmem:$0xC400] =	vst v63  }
0xd7: {  	s18 =	simm.s32 $0xA000  }
0xd8: {  	[hbm4b:s3+s2] =	stream.indirect_vreg.scatter [tilespmem:s18], [sflag:$0x5], $0x80, v3, vm0, $0xb8;
	[tilespmem:$0xC400] =	vst v63  }
0xd9: {  	s12 =	simm.s32 $0xA800  }
0xda: {  	[hbm4b:s5+s2] =	stream.indirect_vreg.scatter [tilespmem:s12], [sflag:$0x5], $0x80, v3, vm1, $0xb8;
	[tilespmem:$0xC400] =	vst v63  }
0xdb: {  	v3 =	vld [tilespmem:$0xB0];
	_ =	sdelay $0x4  }
0xdc: {  	v43 =	vshrl.u32 v3, $0x3  }
0xdd: {  	v4 =	vmul.u32 $0x18, v43  }
0xde: {  	v3 =	vand.u32 $0x7, v3  }
0xdf: {  	v3 =	vor.u32 v3, v4  }
0xe0: {  	v4 =	vperm.xlane v3, v0;
	_ =	sdelay $0x1  }
0xe1: {  	v4 =	vadd.s32 v1, v4;
	_ =	sdelay $0x1  }
0xe2: {  	v3 =	vperm.xlane v3, v2;
	_ =	sdelay $0x1  }
0xe3: {  	s13 =	simm.s32 $0xAC00;
	v3 =	vadd.s32 v1, v3  }
0xe4: {  	[hbm4b:s3+s2] =	stream.indirect_vreg.scatter [tilespmem:s13], [sflag:$0x5], $0x80, v4, vm0, $0xb8;
	[tilespmem:$0xC400] =	vst v63  }
0xe5: {  	s14 =	simm.s32 $0xB400  }
0xe6: {  	[hbm4b:s5+s2] =	stream.indirect_vreg.scatter [tilespmem:s14], [sflag:$0x5], $0x80, v4, vm1, $0xb8;
	[tilespmem:$0xC400] =	vst v63  }
0xe7: {  	s15 =	simm.s32 $0xB800  }
0xe8: {  	[hbm4b:s3+s2] =	stream.indirect_vreg.scatter [tilespmem:s15], [sflag:$0x5], $0x80, v3, vm0, $0xb8;
	[tilespmem:$0xC400] =	vst v63  }
0xe9: {  	s16 =	simm.s32 $0xC000  }
0xea: {  	[hbm4b:s5+s2] =	stream.indirect_vreg.scatter [tilespmem:s16], [sflag:$0x5], $0x80, v3, vm1, $0xb8;
	[tilespmem:$0xC400] =	vst v63  }
0xeb: {  	v3 =	vld [tilespmem:$0x280];
	_ =	sdelay $0x4  }
0xec: {  	v44 =	vshrl.u32 v3, $0x3  }
0xed: {  	v4 =	vmul.u32 $0x18, v44  }
0xee: {  	v3 =	vand.u32 $0x7, v3  }
0xef: {  	v3 =	vor.u32 v3, v4  }
0xf0: {  	v4 =	vperm.xlane v3, v0;
	_ =	sdelay $0x1  }
0xf1: {  	v4 =	vadd.s32 v1, v4;
	_ =	sdelay $0x1  }
0xf2: {  	v3 =	vperm.xlane v3, v2;
	_ =	sdelay $0x1  }
0xf3: {  	v3 =	vadd.s32 v1, v3  }
0xf4: {  	[hbm4b:s3+s2] =	stream.indirect_vreg.scatter [tilespmem:s23], [sflag:$0x6], $0x80, v4, vm0, $0xb8;
	[tilespmem:$0xC400] =	vst v63  }
0xf5: {  	_ = 	snop  }
0xf6: {  	[hbm4b:s5+s2] =	stream.indirect_vreg.scatter [tilespmem:s19], [sflag:$0x6], $0x80, v4, vm1, $0xb8;
	[tilespmem:$0xC400] =	vst v63  }
0xf7: {  	s1 =	simm.s32 $0x7000  }
0xf8: {  	[hbm4b:s3+s2] =	stream.indirect_vreg.scatter [tilespmem:s1], [sflag:$0x6], $0x80, v3, vm0, $0xb8;
	[tilespmem:$0xC400] =	vst v63  }
0xf9: {  	s7 =	simm.s32 $0x7800  }
0xfa: {  	[hbm4b:s5+s2] =	stream.indirect_vreg.scatter [tilespmem:s7], [sflag:$0x6], $0x80, v3, vm1, $0xb8;
	[tilespmem:$0xC400] =	vst v63  }
0xfb: {  	v3 =	vld [tilespmem:$0x290];
	_ =	sdelay $0x4  }
0xfc: {  	v45 =	vshrl.u32 v3, $0x3  }
0xfd: {  	v4 =	vmul.u32 $0x18, v45  }
0xfe: {  	v3 =	vand.u32 $0x7, v3  }
0xff: {  	v3 =	vor.u32 v3, v4  }
0x100: {  	v4 =	vperm.xlane v3, v0;
	_ =	sdelay $0x1  }
0x101: {  	v4 =	vadd.s32 v1, v4;
	_ =	sdelay $0x1  }
0x102: {  	v3 =	vperm.xlane v3, v2;
	_ =	sdelay $0x1  }
0x103: {  	s8 =	simm.s32 $0x7C00;
	v3 =	vadd.s32 v1, v3  }
0x104: {  	[hbm4b:s3+s2] =	stream.indirect_vreg.scatter [tilespmem:s8], [sflag:$0x6], $0x80, v4, vm0, $0xb8;
	[tilespmem:$0xC400] =	vst v63  }
0x105: {  	s6 =	simm.s32 $0x8400  }
0x106: {  	[hbm4b:s5+s2] =	stream.indirect_vreg.scatter [tilespmem:s6], [sflag:$0x6], $0x80, v4, vm1, $0xb8;
	[tilespmem:$0xC400] =	vst v63  }
0x107: {  	_ = 	snop  }
0x108: {  	[hbm4b:s3+s2] =	stream.indirect_vreg.scatter [tilespmem:s17], [sflag:$0x6], $0x80, v3, vm0, $0xb8;
	[tilespmem:$0xC400] =	vst v63  }
0x109: {  	s9 =	simm.s32 $0x9000  }
0x10a: {  	[hbm4b:s5+s2] =	stream.indirect_vreg.scatter [tilespmem:s9], [sflag:$0x6], $0x80, v3, vm1, $0xb8;
	[tilespmem:$0xC400] =	vst v63  }
0x10b: {  	v3 =	vld [tilespmem:$0x2A0];
	_ =	sdelay $0x4  }
0x10c: {  	v46 =	vshrl.u32 v3, $0x3  }
0x10d: {  	v4 =	vmul.u32 $0x18, v46  }
0x10e: {  	v3 =	vand.u32 $0x7, v3  }
0x10f: {  	v3 =	vor.u32 v3, v4  }
0x110: {  	v4 =	vperm.xlane v3, v0;
	_ =	sdelay $0x1  }
0x111: {  	v4 =	vadd.s32 v1, v4;
	_ =	sdelay $0x1  }
0x112: {  	v3 =	vperm.xlane v3, v2;
	_ =	sdelay $0x1  }
0x113: {  	s4 =	simm.s32 $0x9400;
	v3 =	vadd.s32 v1, v3  }
0x114: {  	[hbm4b:s3+s2] =	stream.indirect_vreg.scatter [tilespmem:s4], [sflag:$0x6], $0x80, v4, vm0, $0xb8;
	[tilespmem:$0xC400] =	vst v63  }
0x115: {  	s10 =	simm.s32 $0x9C00  }
0x116: {  	[hbm4b:s5+s2] =	stream.indirect_vreg.scatter [tilespmem:s10], [sflag:$0x6], $0x80, v4, vm1, $0xb8;
	[tilespmem:$0xC400] =	vst v63  }
0x117: {  	s20 =	simm.s32 $0xA000  }
0x118: {  	[hbm4b:s3+s2] =	stream.indirect_vreg.scatter [tilespmem:s20], [sflag:$0x6], $0x80, v3, vm0, $0xb8;
	[tilespmem:$0xC400] =	vst v63  }
0x119: {  	_ = 	snop  }
0x11a: {  	[hbm4b:s5+s2] =	stream.indirect_vreg.scatter [tilespmem:s12], [sflag:$0x6], $0x80, v3, vm1, $0xb8;
	[tilespmem:$0xC400] =	vst v63  }
0x11b: {  	v3 =	vld [tilespmem:$0x2B0];
	_ =	sdelay $0x4  }
0x11c: {  	v47 =	vshrl.u32 v3, $0x3  }
0x11d: {  	v4 =	vmul.u32 $0x18, v47  }
0x11e: {  	v3 =	vand.u32 $0x7, v3  }
0x11f: {  	v3 =	vor.u32 v3, v4  }
0x120: {  	v4 =	vperm.xlane v3, v0;
	_ =	sdelay $0x1  }
0x121: {  	v4 =	vadd.s32 v1, v4;
	_ =	sdelay $0x1  }
0x122: {  	v3 =	vperm.xlane v3, v2;
	_ =	sdelay $0x1  }
0x123: {  	v3 =	vadd.s32 v1, v3  }
0x124: {  	[hbm4b:s3+s2] =	stream.indirect_vreg.scatter [tilespmem:s13], [sflag:$0x6], $0x80, v4, vm0, $0xb8;
	[tilespmem:$0xC400] =	vst v63  }
0x125: {  	_ = 	snop  }
0x126: {  	[hbm4b:s5+s2] =	stream.indirect_vreg.scatter [tilespmem:s14], [sflag:$0x6], $0x80, v4, vm1, $0xb8;
	[tilespmem:$0xC400] =	vst v63  }
0x127: {  	_ = 	snop  }
0x128: {  	[hbm4b:s3+s2] =	stream.indirect_vreg.scatter [tilespmem:s15], [sflag:$0x6], $0x80, v3, vm0, $0xb8;
	[tilespmem:$0xC400] =	vst v63  }
0x129: {  	s10 =	simm.s32 $0x5  }
0x12a: {  	[hbm4b:s5+s2] =	stream.indirect_vreg.scatter [tilespmem:s16], [sflag:$0x6], $0x80, v3, vm1, $0xb8;
	[tilespmem:$0xC400] =	vst v63  }
0x12b: {  	_ =	swait.ge [sflag:s10], $0x6000  }
0x12c: {  	[sflag:s10] =	ssyncset.done $0x0  }
0x12d: {  	s11 =	simm.s32 $0x6;
	[sflag:s10] =	ssyncadd.s32 $0xFFFFA000  }
0x12e: {  	_ =	swait.ge [sflag:s11], $0x6000  }
0x12f: {  	[sflag:s11] =	ssyncset.done $0x0  }
0x130: {  	s23 =	simm.s32 $0x6400;
	s1 =	rddreg [dreg:$0x7];
	[sflag:s11] =	ssyncadd.s32 $0xFFFFA000  }
0x131: {  	[tilespmem:s23], [sflag:$0x2] =	stream.linear.gather [hbm4b:s1+s2], $0x6000, $0x38;
	[tilespmem:$0xC400] =	vst v63  }
0x132: {  	_ =	swait.ge [sflag:s26], $0x6000  }
0x133: {  	[sflag:s26] =	ssyncset.done $0x0  }
0x134: {  	[sflag:s26] =	ssyncadd.s32 $0xFFFFA000  }
0x135: {  	v3 =	vld [tilespmem:$0x100];
	_ =	sdelay $0x4  }
0x136: {  	v48 =	vshrl.u32 v3, $0x3  }
0x137: {  	v4 =	vmul.u32 $0x18, v48  }
0x138: {  	v3 =	vand.u32 $0x7, v3  }
0x139: {  	v3 =	vor.u32 v3, v4  }
0x13a: {  	v4 =	vperm.xlane v3, v0;
	_ =	sdelay $0x1  }
0x13b: {  	v4 =	vadd.s32 v1, v4;
	_ =	sdelay $0x1  }
0x13c: {  	v3 =	vperm.xlane v3, v2;
	_ =	sdelay $0x1  }
0x13d: {  	v3 =	vadd.s32 v1, v3  }
0x13e: {  	[hbm4b:s3+s2] =	stream.indirect_vreg.scatter [tilespmem:s24], [sflag:$0x3], $0x80, v4, vm0, $0xb8;
	[tilespmem:$0xC400] =	vst v63  }
0x13f: {  	s9 =	simm.s32 $0xC00  }
0x140: {  	[hbm4b:s5+s2] =	stream.indirect_vreg.scatter [tilespmem:s9], [sflag:$0x3], $0x80, v4, vm1, $0xb8;
	[tilespmem:$0xC400] =	vst v63  }
0x141: {  	s4 =	simm.s32 $0x1000  }
0x142: {  	[hbm4b:s3+s2] =	stream.indirect_vreg.scatter [tilespmem:s4], [sflag:$0x3], $0x80, v3, vm0, $0xb8;
	[tilespmem:$0xC400] =	vst v63  }
0x143: {  	s7 =	simm.s32 $0x1800  }
0x144: {  	[hbm4b:s5+s2] =	stream.indirect_vreg.scatter [tilespmem:s7], [sflag:$0x3], $0x80, v3, vm1, $0xb8;
	[tilespmem:$0xC400] =	vst v63  }
0x145: {  	v3 =	vld [tilespmem:$0x110];
	_ =	sdelay $0x4  }
0x146: {  	v49 =	vshrl.u32 v3, $0x3  }
0x147: {  	v4 =	vmul.u32 $0x18, v49  }
0x148: {  	v3 =	vand.u32 $0x7, v3  }
0x149: {  	v3 =	vor.u32 v3, v4  }
0x14a: {  	v4 =	vperm.xlane v3, v0;
	_ =	sdelay $0x1  }
0x14b: {  	v4 =	vadd.s32 v1, v4;
	_ =	sdelay $0x1  }
0x14c: {  	v3 =	vperm.xlane v3, v2;
	_ =	sdelay $0x1  }
0x14d: {  	s8 =	simm.s32 $0x1C00;
	v3 =	vadd.s32 v1, v3  }
0x14e: {  	[hbm4b:s3+s2] =	stream.indirect_vreg.scatter [tilespmem:s8], [sflag:$0x3], $0x80, v4, vm0, $0xb8;
	[tilespmem:$0xC400] =	vst v63  }
0x14f: {  	s26 =	simm.s32 $0x2400  }
0x150: {  	[hbm4b:s5+s2] =	stream.indirect_vreg.scatter [tilespmem:s26], [sflag:$0x3], $0x80, v4, vm1, $0xb8;
	[tilespmem:$0xC400] =	vst v63  }
0x151: {  	s6 =	simm.s32 $0x2800  }
0x152: {  	[hbm4b:s3+s2] =	stream.indirect_vreg.scatter [tilespmem:s6], [sflag:$0x3], $0x80, v3, vm0, $0xb8;
	[tilespmem:$0xC400] =	vst v63  }
0x153: {  	s0 =	simm.s32 $0x3000  }
0x154: {  	[hbm4b:s5+s2] =	stream.indirect_vreg.scatter [tilespmem:s0], [sflag:$0x3], $0x80, v3, vm1, $0xb8;
	[tilespmem:$0xC400] =	vst v63  }
0x155: {  	v3 =	vld [tilespmem:$0x120];
	_ =	sdelay $0x4  }
0x156: {  	v50 =	vshrl.u32 v3, $0x3  }
0x157: {  	v4 =	vmul.u32 $0x18, v50  }
0x158: {  	v3 =	vand.u32 $0x7, v3  }
0x159: {  	v3 =	vor.u32 v3, v4  }
0x15a: {  	v4 =	vperm.xlane v3, v0;
	_ =	sdelay $0x1  }
0x15b: {  	v4 =	vadd.s32 v1, v4;
	_ =	sdelay $0x1  }
0x15c: {  	v3 =	vperm.xlane v3, v2;
	_ =	sdelay $0x1  }
0x15d: {  	v3 =	vadd.s32 v1, v3  }
0x15e: {  	[hbm4b:s3+s2] =	stream.indirect_vreg.scatter [tilespmem:s25], [sflag:$0x3], $0x80, v4, vm0, $0xb8;
	[tilespmem:$0xC400] =	vst v63  }
0x15f: {  	_ = 	snop  }
0x160: {  	[hbm4b:s5+s2] =	stream.indirect_vreg.scatter [tilespmem:s30], [sflag:$0x3], $0x80, v4, vm1, $0xb8;
	[tilespmem:$0xC400] =	vst v63  }
0x161: {  	_ = 	snop  }
0x162: {  	[hbm4b:s3+s2] =	stream.indirect_vreg.scatter [tilespmem:s31], [sflag:$0x3], $0x80, v3, vm0, $0xb8;
	[tilespmem:$0xC400] =	vst v63  }
0x163: {  	s1 =	simm.s32 $0x4800  }
0x164: {  	[hbm4b:s5+s2] =	stream.indirect_vreg.scatter [tilespmem:s1], [sflag:$0x3], $0x80, v3, vm1, $0xb8;
	[tilespmem:$0xC400] =	vst v63  }
0x165: {  	v3 =	vld [tilespmem:$0x130];
	_ =	sdelay $0x4  }
0x166: {  	v51 =	vshrl.u32 v3, $0x3  }
0x167: {  	v4 =	vmul.u32 $0x18, v51  }
0x168: {  	v3 =	vand.u32 $0x7, v3  }
0x169: {  	v3 =	vor.u32 v3, v4  }
0x16a: {  	v4 =	vperm.xlane v3, v0;
	_ =	sdelay $0x1  }
0x16b: {  	v4 =	vadd.s32 v1, v4;
	_ =	sdelay $0x1  }
0x16c: {  	v3 =	vperm.xlane v3, v2;
	_ =	sdelay $0x1  }
0x16d: {  	s18 =	simm.s32 $0x4C00;
	v3 =	vadd.s32 v1, v3  }
0x16e: {  	[hbm4b:s3+s2] =	stream.indirect_vreg.scatter [tilespmem:s18], [sflag:$0x3], $0x80, v4, vm0, $0xb8;
	[tilespmem:$0xC400] =	vst v63  }
0x16f: {  	s20 =	simm.s32 $0x5400  }
0x170: {  	[hbm4b:s5+s2] =	stream.indirect_vreg.scatter [tilespmem:s20], [sflag:$0x3], $0x80, v4, vm1, $0xb8;
	[tilespmem:$0xC400] =	vst v63  }
0x171: {  	_ = 	snop  }
0x172: {  	[hbm4b:s3+s2] =	stream.indirect_vreg.scatter [tilespmem:s22], [sflag:$0x3], $0x80, v3, vm0, $0xb8;
	[tilespmem:$0xC400] =	vst v63  }
0x173: {  	s23 =	simm.s32 $0x6000  }
0x174: {  	[hbm4b:s5+s2] =	stream.indirect_vreg.scatter [tilespmem:s23], [sflag:$0x3], $0x80, v3, vm1, $0xb8;
	[tilespmem:$0xC400] =	vst v63  }
0x175: {  	v3 =	vld [tilespmem:$0x300];
	_ =	sdelay $0x4  }
0x176: {  	v52 =	vshrl.u32 v3, $0x3  }
0x177: {  	v4 =	vmul.u32 $0x18, v52  }
0x178: {  	v3 =	vand.u32 $0x7, v3  }
0x179: {  	v3 =	vor.u32 v3, v4  }
0x17a: {  	v4 =	vperm.xlane v3, v0;
	_ =	sdelay $0x1  }
0x17b: {  	v4 =	vadd.s32 v1, v4;
	_ =	sdelay $0x1  }
0x17c: {  	v3 =	vperm.xlane v3, v2;
	_ =	sdelay $0x1  }
0x17d: {  	v3 =	vadd.s32 v1, v3  }
0x17e: {  	[hbm4b:s3+s2] =	stream.indirect_vreg.scatter [tilespmem:s24], [sflag:$0x4], $0x80, v4, vm0, $0xb8;
	[tilespmem:$0xC400] =	vst v63  }
0x17f: {  	_ = 	snop  }
0x180: {  	[hbm4b:s5+s2] =	stream.indirect_vreg.scatter [tilespmem:s9], [sflag:$0x4], $0x80, v4, vm1, $0xb8;
	[tilespmem:$0xC400] =	vst v63  }
0x181: {  	_ = 	snop  }
0x182: {  	[hbm4b:s3+s2] =	stream.indirect_vreg.scatter [tilespmem:s4], [sflag:$0x4], $0x80, v3, vm0, $0xb8;
	[tilespmem:$0xC400] =	vst v63  }
0x183: {  	_ = 	snop  }
0x184: {  	[hbm4b:s5+s2] =	stream.indirect_vreg.scatter [tilespmem:s7], [sflag:$0x4], $0x80, v3, vm1, $0xb8;
	[tilespmem:$0xC400] =	vst v63  }
0x185: {  	v3 =	vld [tilespmem:$0x310];
	_ =	sdelay $0x4  }
0x186: {  	v53 =	vshrl.u32 v3, $0x3  }
0x187: {  	v4 =	vmul.u32 $0x18, v53  }
0x188: {  	v3 =	vand.u32 $0x7, v3  }
0x189: {  	v3 =	vor.u32 v3, v4  }
0x18a: {  	v4 =	vperm.xlane v3, v0;
	_ =	sdelay $0x1  }
0x18b: {  	v4 =	vadd.s32 v1, v4;
	_ =	sdelay $0x1  }
0x18c: {  	v3 =	vperm.xlane v3, v2;
	_ =	sdelay $0x1  }
0x18d: {  	v3 =	vadd.s32 v1, v3  }
0x18e: {  	[hbm4b:s3+s2] =	stream.indirect_vreg.scatter [tilespmem:s8], [sflag:$0x4], $0x80, v4, vm0, $0xb8;
	[tilespmem:$0xC400] =	vst v63  }
0x18f: {  	_ = 	snop  }
0x190: {  	[hbm4b:s5+s2] =	stream.indirect_vreg.scatter [tilespmem:s26], [sflag:$0x4], $0x80, v4, vm1, $0xb8;
	[tilespmem:$0xC400] =	vst v63  }
0x191: {  	_ = 	snop  }
0x192: {  	[hbm4b:s3+s2] =	stream.indirect_vreg.scatter [tilespmem:s6], [sflag:$0x4], $0x80, v3, vm0, $0xb8;
	[tilespmem:$0xC400] =	vst v63  }
0x193: {  	_ = 	snop  }
0x194: {  	[hbm4b:s5+s2] =	stream.indirect_vreg.scatter [tilespmem:s0], [sflag:$0x4], $0x80, v3, vm1, $0xb8;
	[tilespmem:$0xC400] =	vst v63  }
0x195: {  	v3 =	vld [tilespmem:$0x320];
	_ =	sdelay $0x4  }
0x196: {  	v54 =	vshrl.u32 v3, $0x3  }
0x197: {  	v4 =	vmul.u32 $0x18, v54  }
0x198: {  	v3 =	vand.u32 $0x7, v3  }
0x199: {  	v3 =	vor.u32 v3, v4  }
0x19a: {  	v4 =	vperm.xlane v3, v0;
	_ =	sdelay $0x1  }
0x19b: {  	v4 =	vadd.s32 v1, v4;
	_ =	sdelay $0x1  }
0x19c: {  	v3 =	vperm.xlane v3, v2;
	_ =	sdelay $0x1  }
0x19d: {  	v3 =	vadd.s32 v1, v3  }
0x19e: {  	[hbm4b:s3+s2] =	stream.indirect_vreg.scatter [tilespmem:s25], [sflag:$0x4], $0x80, v4, vm0, $0xb8;
	[tilespmem:$0xC400] =	vst v63  }
0x19f: {  	_ = 	snop  }
0x1a0: {  	[hbm4b:s5+s2] =	stream.indirect_vreg.scatter [tilespmem:s30], [sflag:$0x4], $0x80, v4, vm1, $0xb8;
	[tilespmem:$0xC400] =	vst v63  }
0x1a1: {  	_ = 	snop  }
0x1a2: {  	[hbm4b:s3+s2] =	stream.indirect_vreg.scatter [tilespmem:s31], [sflag:$0x4], $0x80, v3, vm0, $0xb8;
	[tilespmem:$0xC400] =	vst v63  }
0x1a3: {  	_ = 	snop  }
0x1a4: {  	[hbm4b:s5+s2] =	stream.indirect_vreg.scatter [tilespmem:s1], [sflag:$0x4], $0x80, v3, vm1, $0xb8;
	[tilespmem:$0xC400] =	vst v63  }
0x1a5: {  	v3 =	vld [tilespmem:$0x330];
	_ =	sdelay $0x4  }
0x1a6: {  	v55 =	vshrl.u32 v3, $0x3  }
0x1a7: {  	v4 =	vmul.u32 $0x18, v55  }
0x1a8: {  	v3 =	vand.u32 $0x7, v3  }
0x1a9: {  	v3 =	vor.u32 v3, v4  }
0x1aa: {  	v4 =	vperm.xlane v3, v0;
	_ =	sdelay $0x1  }
0x1ab: {  	v4 =	vadd.s32 v1, v4;
	_ =	sdelay $0x1  }
0x1ac: {  	v3 =	vperm.xlane v3, v2;
	_ =	sdelay $0x1  }
0x1ad: {  	v3 =	vadd.s32 v1, v3  }
0x1ae: {  	[hbm4b:s3+s2] =	stream.indirect_vreg.scatter [tilespmem:s18], [sflag:$0x4], $0x80, v4, vm0, $0xb8;
	[tilespmem:$0xC400] =	vst v63  }
0x1af: {  	_ = 	snop  }
0x1b0: {  	[hbm4b:s5+s2] =	stream.indirect_vreg.scatter [tilespmem:s20], [sflag:$0x4], $0x80, v4, vm1, $0xb8;
	[tilespmem:$0xC400] =	vst v63  }
0x1b1: {  	_ = 	snop  }
0x1b2: {  	[hbm4b:s3+s2] =	stream.indirect_vreg.scatter [tilespmem:s22], [sflag:$0x4], $0x80, v3, vm0, $0xb8;
	[tilespmem:$0xC400] =	vst v63  }
0x1b3: {  	_ = 	snop  }
0x1b4: {  	[hbm4b:s5+s2] =	stream.indirect_vreg.scatter [tilespmem:s23], [sflag:$0x4], $0x80, v3, vm1, $0xb8;
	[tilespmem:$0xC400] =	vst v63  }
0x1b5: {  	_ =	swait.ge [sflag:s28], $0x6000  }
0x1b6: {  	[sflag:s28] =	ssyncset.done $0x0  }
0x1b7: {  	[sflag:s28] =	ssyncadd.s32 $0xFFFFA000  }
0x1b8: {  	_ =	swait.ge [sflag:s29], $0x6000  }
0x1b9: {  	[sflag:s29] =	ssyncset.done $0x0  }
0x1ba: {  	[sflag:s29] =	ssyncadd.s32 $0xFFFFA000  }
0x1bb: {  	_ =	swait.ge [sflag:s21], $0x6000  }
0x1bc: {  	[sflag:s21] =	ssyncset.done $0x0  }
0x1bd: {  	[sflag:s21] =	ssyncadd.s32 $0xFFFFA000  }
0x1be: {  	v3 =	vld [tilespmem:$0x180];
	_ =	sdelay $0x4  }
0x1bf: {  	v56 =	vshrl.u32 v3, $0x3  }
0x1c0: {  	v4 =	vmul.u32 $0x18, v56  }
0x1c1: {  	v3 =	vand.u32 $0x7, v3  }
0x1c2: {  	v3 =	vor.u32 v3, v4  }
0x1c3: {  	v4 =	vperm.xlane v3, v0;
	_ =	sdelay $0x1  }
0x1c4: {  	v4 =	vadd.s32 v1, v4;
	_ =	sdelay $0x1  }
0x1c5: {  	v3 =	vperm.xlane v3, v2;
	_ =	sdelay $0x1  }
0x1c6: {  	s4 =	simm.s32 $0x6400;
	v3 =	vadd.s32 v1, v3  }
0x1c7: {  	[hbm4b:s3+s2] =	stream.indirect_vreg.scatter [tilespmem:s4], [sflag:$0x5], $0x80, v4, vm0, $0xb8;
	[tilespmem:$0xC400] =	vst v63  }
0x1c8: {  	_ = 	snop  }
0x1c9: {  	[hbm4b:s5+s2] =	stream.indirect_vreg.scatter [tilespmem:s19], [sflag:$0x5], $0x80, v4, vm1, $0xb8;
	[tilespmem:$0xC400] =	vst v63  }
0x1ca: {  	s9 =	simm.s32 $0x7000  }
0x1cb: {  	[hbm4b:s3+s2] =	stream.indirect_vreg.scatter [tilespmem:s9], [sflag:$0x5], $0x80, v3, vm0, $0xb8;
	[tilespmem:$0xC400] =	vst v63  }
0x1cc: {  	s18 =	simm.s32 $0x7800  }
0x1cd: {  	[hbm4b:s5+s2] =	stream.indirect_vreg.scatter [tilespmem:s18], [sflag:$0x5], $0x80, v3, vm1, $0xb8;
	[tilespmem:$0xC400] =	vst v63  }
0x1ce: {  	v3 =	vld [tilespmem:$0x190];
	_ =	sdelay $0x4  }
0x1cf: {  	v57 =	vshrl.u32 v3, $0x3  }
0x1d0: {  	v4 =	vmul.u32 $0x18, v57  }
0x1d1: {  	v3 =	vand.u32 $0x7, v3  }
0x1d2: {  	v3 =	vor.u32 v3, v4  }
0x1d3: {  	v4 =	vperm.xlane v3, v0;
	_ =	sdelay $0x1  }
0x1d4: {  	v4 =	vadd.s32 v1, v4;
	_ =	sdelay $0x1  }
0x1d5: {  	v3 =	vperm.xlane v3, v2;
	_ =	sdelay $0x1  }
0x1d6: {  	s26 =	simm.s32 $0x7C00;
	v3 =	vadd.s32 v1, v3  }
0x1d7: {  	[hbm4b:s3+s2] =	stream.indirect_vreg.scatter [tilespmem:s26], [sflag:$0x5], $0x80, v4, vm0, $0xb8;
	[tilespmem:$0xC400] =	vst v63  }
0x1d8: {  	s4 =	simm.s32 $0x8400  }
0x1d9: {  	[hbm4b:s5+s2] =	stream.indirect_vreg.scatter [tilespmem:s4], [sflag:$0x5], $0x80, v4, vm1, $0xb8;
	[tilespmem:$0xC400] =	vst v63  }
0x1da: {  	_ = 	snop  }
0x1db: {  	[hbm4b:s3+s2] =	stream.indirect_vreg.scatter [tilespmem:s17], [sflag:$0x5], $0x80, v3, vm0, $0xb8;
	[tilespmem:$0xC400] =	vst v63  }
0x1dc: {  	s7 =	simm.s32 $0x9000  }
0x1dd: {  	[hbm4b:s5+s2] =	stream.indirect_vreg.scatter [tilespmem:s7], [sflag:$0x5], $0x80, v3, vm1, $0xb8;
	[tilespmem:$0xC400] =	vst v63  }
0x1de: {  	v3 =	vld [tilespmem:$0x1A0];
	_ =	sdelay $0x4  }
0x1df: {  	v58 =	vshrl.u32 v3, $0x3  }
0x1e0: {  	v4 =	vmul.u32 $0x18, v58  }
0x1e1: {  	v3 =	vand.u32 $0x7, v3  }
0x1e2: {  	v3 =	vor.u32 v3, v4  }
0x1e3: {  	v4 =	vperm.xlane v3, v0;
	_ =	sdelay $0x1  }
0x1e4: {  	v4 =	vadd.s32 v1, v4;
	_ =	sdelay $0x1  }
0x1e5: {  	v3 =	vperm.xlane v3, v2;
	_ =	sdelay $0x1  }
0x1e6: {  	s8 =	simm.s32 $0x9400;
	v3 =	vadd.s32 v1, v3  }
0x1e7: {  	[hbm4b:s3+s2] =	stream.indirect_vreg.scatter [tilespmem:s8], [sflag:$0x5], $0x80, v4, vm0, $0xb8;
	[tilespmem:$0xC400] =	vst v63  }
0x1e8: {  	s23 =	simm.s32 $0x9C00  }
0x1e9: {  	[hbm4b:s5+s2] =	stream.indirect_vreg.scatter [tilespmem:s23], [sflag:$0x5], $0x80, v4, vm1, $0xb8;
	[tilespmem:$0xC400] =	vst v63  }
0x1ea: {  	s24 =	simm.s32 $0xA000  }
0x1eb: {  	[hbm4b:s3+s2] =	stream.indirect_vreg.scatter [tilespmem:s24], [sflag:$0x5], $0x80, v3, vm0, $0xb8;
	[tilespmem:$0xC400] =	vst v63  }
0x1ec: {  	_ = 	snop  }
0x1ed: {  	[hbm4b:s5+s2] =	stream.indirect_vreg.scatter [tilespmem:s12], [sflag:$0x5], $0x80, v3, vm1, $0xb8;
	[tilespmem:$0xC400] =	vst v63  }
0x1ee: {  	v3 =	vld [tilespmem:$0x1B0];
	_ =	sdelay $0x4  }
0x1ef: {  	v59 =	vshrl.u32 v3, $0x3  }
0x1f0: {  	v4 =	vmul.u32 $0x18, v59  }
0x1f1: {  	v3 =	vand.u32 $0x7, v3  }
0x1f2: {  	v3 =	vor.u32 v3, v4  }
0x1f3: {  	v4 =	vperm.xlane v3, v0;
	_ =	sdelay $0x1  }
0x1f4: {  	v4 =	vadd.s32 v1, v4;
	_ =	sdelay $0x1  }
0x1f5: {  	v3 =	vperm.xlane v3, v2;
	_ =	sdelay $0x1  }
0x1f6: {  	v3 =	vadd.s32 v1, v3  }
0x1f7: {  	[hbm4b:s3+s2] =	stream.indirect_vreg.scatter [tilespmem:s13], [sflag:$0x5], $0x80, v4, vm0, $0xb8;
	[tilespmem:$0xC400] =	vst v63  }
0x1f8: {  	_ = 	snop  }
0x1f9: {  	[hbm4b:s5+s2] =	stream.indirect_vreg.scatter [tilespmem:s14], [sflag:$0x5], $0x80, v4, vm1, $0xb8;
	[tilespmem:$0xC400] =	vst v63  }
0x1fa: {  	_ = 	snop  }
0x1fb: {  	[hbm4b:s3+s2] =	stream.indirect_vreg.scatter [tilespmem:s15], [sflag:$0x5], $0x80, v3, vm0, $0xb8;
	[tilespmem:$0xC400] =	vst v63  }
0x1fc: {  	_ = 	snop  }
0x1fd: {  	[hbm4b:s5+s2] =	stream.indirect_vreg.scatter [tilespmem:s16], [sflag:$0x5], $0x80, v3, vm1, $0xb8;
	[tilespmem:$0xC400] =	vst v63  }
0x1fe: {  	v3 =	vld [tilespmem:$0x380];
	_ =	sdelay $0x4  }
0x1ff: {  	v60 =	vshrl.u32 v3, $0x3  }
0x200: {  	v4 =	vmul.u32 $0x18, v60  }
0x201: {  	v3 =	vand.u32 $0x7, v3  }
0x202: {  	v3 =	vor.u32 v3, v4  }
0x203: {  	v4 =	vperm.xlane v3, v0;
	_ =	sdelay $0x1  }
0x204: {  	v4 =	vadd.s32 v1, v4;
	_ =	sdelay $0x1  }
0x205: {  	v3 =	vperm.xlane v3, v2;
	_ =	sdelay $0x1  }
0x206: {  	s6 =	simm.s32 $0x6400;
	v3 =	vadd.s32 v1, v3  }
0x207: {  	[hbm4b:s3+s2] =	stream.indirect_vreg.scatter [tilespmem:s6], [sflag:$0x6], $0x80, v4, vm0, $0xb8;
	[tilespmem:$0xC400] =	vst v63  }
0x208: {  	_ = 	snop  }
0x209: {  	[hbm4b:s5+s2] =	stream.indirect_vreg.scatter [tilespmem:s19], [sflag:$0x6], $0x80, v4, vm1, $0xb8;
	[tilespmem:$0xC400] =	vst v63  }
0x20a: {  	_ = 	snop  }
0x20b: {  	[hbm4b:s3+s2] =	stream.indirect_vreg.scatter [tilespmem:s9], [sflag:$0x6], $0x80, v3, vm0, $0xb8;
	[tilespmem:$0xC400] =	vst v63  }
0x20c: {  	_ = 	snop  }
0x20d: {  	[hbm4b:s5+s2] =	stream.indirect_vreg.scatter [tilespmem:s18], [sflag:$0x6], $0x80, v3, vm1, $0xb8;
	[tilespmem:$0xC400] =	vst v63  }
0x20e: {  	v3 =	vld [tilespmem:$0x390];
	_ =	sdelay $0x4  }
0x20f: {  	v61 =	vshrl.u32 v3, $0x3  }
0x210: {  	v4 =	vmul.u32 $0x18, v61  }
0x211: {  	v3 =	vand.u32 $0x7, v3  }
0x212: {  	v3 =	vor.u32 v3, v4  }
0x213: {  	v4 =	vperm.xlane v3, v0;
	_ =	sdelay $0x1  }
0x214: {  	v4 =	vadd.s32 v1, v4;
	_ =	sdelay $0x1  }
0x215: {  	v3 =	vperm.xlane v3, v2;
	_ =	sdelay $0x1  }
0x216: {  	v3 =	vadd.s32 v1, v3  }
0x217: {  	[hbm4b:s3+s2] =	stream.indirect_vreg.scatter [tilespmem:s26], [sflag:$0x6], $0x80, v4, vm0, $0xb8;
	[tilespmem:$0xC400] =	vst v63  }
0x218: {  	_ = 	snop  }
0x219: {  	[hbm4b:s5+s2] =	stream.indirect_vreg.scatter [tilespmem:s4], [sflag:$0x6], $0x80, v4, vm1, $0xb8;
	[tilespmem:$0xC400] =	vst v63  }
0x21a: {  	_ = 	snop  }
0x21b: {  	[hbm4b:s3+s2] =	stream.indirect_vreg.scatter [tilespmem:s17], [sflag:$0x6], $0x80, v3, vm0, $0xb8;
	[tilespmem:$0xC400] =	vst v63  }
0x21c: {  	_ = 	snop  }
0x21d: {  	[hbm4b:s5+s2] =	stream.indirect_vreg.scatter [tilespmem:s7], [sflag:$0x6], $0x80, v3, vm1, $0xb8;
	[tilespmem:$0xC400] =	vst v63  }
0x21e: {  	v3 =	vld [tilespmem:$0x3A0];
	_ =	sdelay $0x4  }
0x21f: {  	v62 =	vshrl.u32 v3, $0x3  }
0x220: {  	v4 =	vmul.u32 $0x18, v62  }
0x221: {  	v3 =	vand.u32 $0x7, v3  }
0x222: {  	v3 =	vor.u32 v3, v4  }
0x223: {  	v4 =	vperm.xlane v3, v0;
	_ =	sdelay $0x1  }
0x224: {  	v4 =	vadd.s32 v1, v4;
	_ =	sdelay $0x1  }
0x225: {  	v3 =	vperm.xlane v3, v2;
	_ =	sdelay $0x1  }
0x226: {  	v3 =	vadd.s32 v1, v3  }
0x227: {  	[hbm4b:s3+s2] =	stream.indirect_vreg.scatter [tilespmem:s8], [sflag:$0x6], $0x80, v4, vm0, $0xb8;
	[tilespmem:$0xC400] =	vst v63  }
0x228: {  	_ = 	snop  }
0x229: {  	[hbm4b:s5+s2] =	stream.indirect_vreg.scatter [tilespmem:s23], [sflag:$0x6], $0x80, v4, vm1, $0xb8;
	[tilespmem:$0xC400] =	vst v63  }
0x22a: {  	_ = 	snop  }
0x22b: {  	[hbm4b:s3+s2] =	stream.indirect_vreg.scatter [tilespmem:s24], [sflag:$0x6], $0x80, v3, vm0, $0xb8;
	[tilespmem:$0xC400] =	vst v63  }
0x22c: {  	_ = 	snop  }
0x22d: {  	[hbm4b:s5+s2] =	stream.indirect_vreg.scatter [tilespmem:s12], [sflag:$0x6], $0x80, v3, vm1, $0xb8;
	[tilespmem:$0xC400] =	vst v63  }
0x22e: {  	v3 =	vld [tilespmem:$0x3B0];
	_ =	sdelay $0x4  }
0x22f: {  	v63 =	vshrl.u32 v3, $0x3  }
0x230: {  	v4 =	vmul.u32 $0x18, v63  }
0x231: {  	v3 =	vand.u32 $0x7, v3  }
0x232: {  	v3 =	vor.u32 v3, v4  }
0x233: {  	v4 =	vperm.xlane v3, v0;
	_ =	sdelay $0x1  }
0x234: {  	v4 =	vadd.s32 v1, v4;
	_ =	sdelay $0x1  }
0x235: {  	v3 =	vperm.xlane v3, v2;
	_ =	sdelay $0x1  }
0x236: {  	v3 =	vadd.s32 v1, v3  }
0x237: {  	[hbm4b:s3+s2] =	stream.indirect_vreg.scatter [tilespmem:s13], [sflag:$0x6], $0x80, v4, vm0, $0xb8;
	[tilespmem:$0xC400] =	vst v63  }
0x238: {  	_ = 	snop  }
0x239: {  	[hbm4b:s5+s2] =	stream.indirect_vreg.scatter [tilespmem:s14], [sflag:$0x6], $0x80, v4, vm1, $0xb8;
	[tilespmem:$0xC400] =	vst v63  }
0x23a: {  	_ = 	snop  }
0x23b: {  	[hbm4b:s3+s2] =	stream.indirect_vreg.scatter [tilespmem:s15], [sflag:$0x6], $0x80, v3, vm0, $0xb8;
	[tilespmem:$0xC400] =	vst v63  }
0x23c: {  	s26 =	rddreg [dreg:$0xa]  }
0x23d: {  	[hbm4b:s5+s2] =	stream.indirect_vreg.scatter [tilespmem:s16], [sflag:$0x6], $0x80, v3, vm1, $0xb8;
	[tilespmem:$0xC400] =	vst v63  }
0x23e: {  	p0 =	sne.s32 s26, $0x1;
	_ =	swait.ge [sflag:s10], $0x6000  }
.Ltmp0:
0x23f: {  	[sflag:s10] =	ssyncset.done $0x0;
	(pc) =	sbr.rel @p0 .LBB2_1-.Ltmp0, $4  }
0x240: {  	[sflag:s10] =	ssyncadd.s32 $0xFFFFA000  }
0x241: {  	_ =	swait.ge [sflag:s11], $0x6000  }
0x242: {  	[sflag:s11] =	ssyncset.done $0x0  }
0x243: {  	s4 =	sadd.s32 $0xFFFFFFFF, s26;
	[sflag:s11] =	ssyncadd.s32 $0xFFFFA000  }
0x244: {  	_ =	sfence.sel $0x180000  }
0x245: {  	[bflag:$0x0] =	sbarrier.arrive $0xFFFF  }
0x246: {  	_ =	strace $0x90000047  }
0x247: {  	s0 =	stileid.u32;
	[bflag:$0x2] =	sbarrier.arrive $0xFFFF  }
0x248: {  	p0 =	sne.s32 s0, $0x0;
	s0 =	rddreg [dreg:$0x2]  }
0x249: {  	s0 =	sadd.s32 @!p0 $0x100000, s0  }
0x24a: {  	[sflag:s0] =	ssyncadd.tile.s32 @!p0 $0x1;
	_ =	shalt  }
.Lfunc_end2:
_tile_overlayer_lowered:
.L_overlay_start_2:
0x24b: {  	(tag) =	ssettag $0x2  }
0x24c: {  	s0 =	rddreg [dreg:$0x0];
	s2 =	stileid.u32  }
0x24d: {  	s1 =	rddreg [dreg:$0x1];
	p0 =	sne.s32 s2, $0x0  }
0x24e: {  	s3 =	rddreg [dreg:$0x2];
	[bflag:$0x3] =	sbarrier.arrive $0xFFFF;
	s2 =	simm.s32 @!p0 $0x1C07  }
0x24f: {  	[timem:s3], [sflag:s2] =	dma.local @!p0 [hbm:s0], s1  }
0x250: {  	s0 =	simm.s32 @!p0 $0x7  }
0x251: {  	_ =	swait.ge @!p0 [sflag:s0], s1  }
0x252: {  	s1 =	ssub.s32 @!p0 $0x0, s1;
	[sflag:s0] =	ssyncset.done @!p0 $0x0  }
0x253: {  	[sflag:s0] =	ssyncadd.s32 @!p0 s1  }
0x254: {  	[bflag:$0x3] =	sbarrier.arrive $0xFFFF  }
0x255: {  	_ =	shalt  }

</sc_bundles>
